<compile_context>
chip_gen: v7x
topology: tpu7x:2x2x1
jax: 0.10.2.dev20260603
libtpu: 0.0.44.dev20260713+nightly
codegen_flags: <defaults>
</compile_context>

<pallas_src>
import functools

import jax
import jax.numpy as jnp
from jax import lax
from jax.experimental import pallas as pl
from jax.experimental.pallas import tpu as pltpu
from jax.experimental.pallas import tpu_sc as plsc

_B, _D, _T = 8, 512, 1024
_NQ, _K, _CD = 4, 8192, 256
_BT = _B * _T

_TB = 512
_KB = 512
_KW = 2048


def _prep(in_v, in_g, out_v, out_g, codebooks):
    ni = jnp.sqrt(jnp.sum(in_v * in_v, axis=2, keepdims=True))
    wi = in_g[:, :, None] * in_v / ni
    no = jnp.sqrt(jnp.sum(out_v * out_v, axis=2, keepdims=True))
    wo = out_g[:, :, None] * out_v / no
    cn = jnp.sqrt(jnp.sum(codebooks * codebooks, axis=2, keepdims=True))
    cbn = codebooks / jnp.maximum(cn, 1e-12)
    ss = jnp.sum(cbn * cbn, axis=2, keepdims=True)
    return wi, wo, cbn.astype(jnp.bfloat16), ss


def _encode_body(z_ref, wi_ref, ib_ref, cbn_ref, ss_ref, *rest):
    zi_ref, idx_ref = rest[-2], rest[-1]
    z = z_ref[...]
    zi = jnp.dot(wi_ref[...].astype(jnp.bfloat16), z.astype(jnp.bfloat16),
                 preferred_element_type=jnp.float32)
    zi = zi + ib_ref[...]
    zi_ref[...] = zi
    nrm = jnp.sqrt(jnp.sum(zi * zi, axis=0, keepdims=True))
    enc = zi / jnp.maximum(nrm, 1e-12)
    s1 = jnp.sum(enc * enc, axis=0, keepdims=True)
    encb = enc.astype(jnp.bfloat16)

    def blk(j, carry):
        g, bv, bi = carry
        i = g * (_KW // _KB) + j
        off = pl.multiple_of(i * _KB, _KB)
        cb = cbn_ref[pl.ds(off, _KB), :]
        ss = ss_ref[pl.ds(off, _KB), :]
        dot = jnp.dot(cb, encb, preferred_element_type=jnp.float32)
        s = -((s1 - 2.0 * dot) + ss)
        bm = jnp.max(s, axis=0, keepdims=True)
        rows = lax.broadcasted_iota(jnp.int32, (_KB, _TB), 0) + i * _KB
        cand = jnp.where(s == bm, rows, _K)
        bj = jnp.min(cand, axis=0, keepdims=True)
        upd = bm > bv
        return g, jnp.where(upd, bm, bv), jnp.where(upd, bj, bi)

    def group(g, carry):
        av, ai = carry
        gv0 = jnp.full((1, _TB), -jnp.inf, jnp.float32)
        gi0 = jnp.zeros((1, _TB), jnp.int32)
        _, gv, gi = lax.fori_loop(0, _KW // _KB, blk, (g, gv0, gi0))
        steal = gv > av
        av = jnp.where(steal, gv, av).astype(jnp.bfloat16).astype(jnp.float32)
        ai = jnp.where(steal, gi, ai)
        return av, ai

    av0 = jnp.full((1, _TB), -jnp.inf, jnp.float32)
    ai0 = jnp.zeros((1, _TB), jnp.int32)
    _, ai = lax.fori_loop(0, _K // _KW, group, (av0, ai0))
    del _
    idx_ref[...] = ai


def _encode(z_res, wi, ib, cbn, ss, q, zi_acc=None, idx_acc=None):
    zi_spec = pl.BlockSpec((None, None, _CD, _TB), lambda b, t: (b, q, 0, t))
    idx_spec = pl.BlockSpec((None, None, 1, _TB), lambda b, t: (b, q, 0, t))
    in_specs = [
        pl.BlockSpec((None, _D, _TB), lambda b, t: (b, 0, t)),
        pl.BlockSpec((_CD, _D), lambda b, t: (0, 0)),
        pl.BlockSpec((_CD, 1), lambda b, t: (0, 0)),
        pl.BlockSpec((_K, _CD), lambda b, t: (0, 0)),
        pl.BlockSpec((_K, 1), lambda b, t: (0, 0)),
    ]
    inputs = (z_res, wi, ib, cbn, ss)
    aliases = {}
    if q > 0:
        in_specs += [zi_spec, idx_spec]
        inputs += (zi_acc, idx_acc)
        aliases = {5: 0, 6: 1}
    return pl.pallas_call(
        _encode_body,
        grid=(_B, _T // _TB),
        in_specs=in_specs,
        out_specs=[zi_spec, idx_spec],
        out_shape=[
            jax.ShapeDtypeStruct((_B, _NQ, _CD, _T), jnp.float32),
            jax.ShapeDtypeStruct((_B, _NQ, 1, _T), jnp.int32),
        ],
        input_output_aliases=aliases,
        compiler_params=pltpu.CompilerParams(
            dimension_semantics=("parallel", "parallel")),
    )(*inputs)


_BPW = _BT // 32


@functools.lru_cache(maxsize=None)
def _make_sc_gather():
    mesh = plsc.VectorSubcoreMesh(core_axis_name="c", subcore_axis_name="s")
    nc = mesh.num_cores

    @functools.partial(
        pl.kernel,
        mesh=mesh,
        out_type=jax.ShapeDtypeStruct((_BT, _CD), jnp.float32),
        scratch_types=[
            pltpu.VMEM((_BPW,), jnp.int32),
            pltpu.VMEM((_BPW, _CD), jnp.float32),
            pltpu.SemaphoreType.DMA,
        ],
    )
    def _sc_gather(table_hbm, idx_hbm, out_hbm, idx_v, rows_v, sem):
        wid = lax.axis_index("s") * nc + lax.axis_index("c")
        base = wid * _BPW
        pltpu.sync_copy(idx_hbm.at[pl.ds(base, _BPW)], idx_v)
        pltpu.async_copy(table_hbm.at[idx_v], rows_v, sem).wait()
        pltpu.sync_copy(rows_v, out_hbm.at[pl.ds(base, _BPW)])

    return _sc_gather


def _decode_body(zq_ref, wo_ref, ob_ref, res_ref, zi_ref, *rest):
    last = len(rest) == 7
    if last:
        z_ref = rest[0]
        zqt_ref, zo_ref, rout_ref, zO_ref = rest[-4:]
    else:
        zqt_ref, zo_ref, rout_ref = rest[-3:]
    zit = zi_ref[...]
    zqt = zit + (zq_ref[...].T - zit)
    zqt_ref[...] = zqt
    zo = jnp.dot(wo_ref[...].astype(jnp.bfloat16), zqt.astype(jnp.bfloat16),
                 preferred_element_type=jnp.float32)
    zo = zo + ob_ref[...]
    zo_ref[...] = zo
    rout = res_ref[...] - zo
    rout_ref[...] = rout
    if last:
        zO_ref[...] = z_ref[...] - rout


def _decode(zq_rows, wo, ob, res_in, zi_acc, q, zq_acc=None, zo_acc=None,
            z=None):
    last = q == _NQ - 1
    zq_spec = pl.BlockSpec((None, None, _CD, _TB), lambda b, t: (b, q, 0, t))
    zo_spec = pl.BlockSpec((None, None, _D, _TB), lambda b, t: (b, q, 0, t))
    res_spec = pl.BlockSpec((None, _D, _TB), lambda b, t: (b, 0, t))
    in_specs = [
        pl.BlockSpec((None, _TB, _CD), lambda b, t: (b, t, 0)),
        pl.BlockSpec((_D, _CD), lambda b, t: (0, 0)),
        pl.BlockSpec((_D, 1), lambda b, t: (0, 0)),
        res_spec,
        pl.BlockSpec((None, None, _CD, _TB), lambda b, t: (b, q, 0, t)),
    ]
    inputs = (zq_rows, wo, ob, res_in, zi_acc)
    aliases = {}
    if last:
        in_specs.append(res_spec)
        inputs += (z,)
    if q > 0:
        in_specs += [zq_spec, zo_spec]
        inputs += (zq_acc, zo_acc)
        base = 6 if last else 5
        aliases = {base: 0, base + 1: 1}
    out_specs = [zq_spec, zo_spec, res_spec]
    out_shape = [
        jax.ShapeDtypeStruct((_B, _NQ, _CD, _T), jnp.float32),
        jax.ShapeDtypeStruct((_B, _NQ, _D, _T), jnp.float32),
        jax.ShapeDtypeStruct((_B, _D, _T), jnp.float32),
    ]
    if last:
        out_specs.append(res_spec)
        out_shape.append(jax.ShapeDtypeStruct((_B, _D, _T), jnp.float32))
    return pl.pallas_call(
        _decode_body,
        grid=(_B, _T // _TB),
        in_specs=in_specs,
        out_specs=out_specs,
        out_shape=out_shape,
        input_output_aliases=aliases,
        compiler_params=pltpu.CompilerParams(
            dimension_semantics=("parallel", "parallel")),
    )(*inputs)


def kernel(z, in_v, in_g, in_b, out_v, out_g, out_b, codebooks):
    wi, wo, cbn, ss = _prep(in_v, in_g, out_v, out_g, codebooks)
    ib = in_b.reshape(_NQ, _CD, 1)
    ob = out_b.reshape(_NQ, _D, 1)

    residual = z
    zO = None
    zi_acc = idx_acc = zq_acc = zo_acc = None
    for q in range(_NQ):
        zi_acc, idx_acc = _encode(residual, wi[q], ib[q], cbn[q], ss[q], q,
                                  zi_acc, idx_acc)
        idx = idx_acc[:, q].reshape(_BT)
        zq_rows = _make_sc_gather()(codebooks[q], idx)
        zq_rows = zq_rows.reshape(_B, _T, _CD)
        if q < _NQ - 1:
            zq_acc, zo_acc, residual = _decode(
                zq_rows, wo[q], ob[q], residual, zi_acc, q, zq_acc, zo_acc)
        else:
            zq_acc, zo_acc, residual, zO = _decode(
                zq_rows, wo[q], ob[q], residual, zi_acc, q, zq_acc, zo_acc,
                z)

    return (idx_acc.reshape(_B, _NQ, _T), zO, zi_acc, zq_acc, zo_acc)

# --- scband reference (transcript-rebuilt; emitter-appended) ---
"""Pipeline reference for scband-residual-vector-quantize-44796508897705 (READ-ONLY COPY).

The authoritative reference and input builder live on the scoring server;
editing this copy changes nothing except your own understanding.
"""

import jax, jax.numpy as jnp
import numpy as np

B, D, T = 8, 512, 1024
NQ, K, CD = 4, 8192, 256

def setup_inputs(seed: int = 0) -> dict:
    key = jax.random.key(seed)
    ks = jax.random.split(key, 4)
    z = jax.random.normal(ks[0], (B, D, T), dtype=jnp.float32)
    in_v = jax.random.normal(ks[1], (NQ, CD, D), dtype=jnp.float32) * 0.02
    in_g = jnp.ones((NQ, CD), dtype=jnp.float32)
    in_b = jnp.zeros((NQ, CD), dtype=jnp.float32)
    out_v = jax.random.normal(ks[2], (NQ, D, CD), dtype=jnp.float32) * 0.02
    out_g = jnp.ones((NQ, D), dtype=jnp.float32)
    out_b = jnp.zeros((NQ, D), dtype=jnp.float32)
    codebooks = jax.random.normal(ks[3], (NQ, K, CD), dtype=jnp.float32)
    return {"z": z, "in_v": in_v, "in_g": in_g, "in_b": in_b,
            "out_v": out_v, "out_g": out_g, "out_b": out_b, "codebooks": codebooks}

def _wn(v, g):
    # torch weight_norm for conv1d kernel=1: per-output-channel L2 norm
    norm = jnp.sqrt(jnp.sum(v * v, axis=1, keepdims=True))
    return g[:, None] * v / norm

def _normalize(x, eps=1e-12):
    n = jnp.sqrt(jnp.sum(x * x, axis=-1, keepdims=True))
    return x / jnp.maximum(n, eps)

def _vq_forward(z_res, in_v, in_g, in_b, out_v, out_g, out_b, codebook):
    Wi = _wn(in_v, in_g)  # (CD, D)
    z_i = jnp.einsum('cd,bdt->bct', Wi, z_res) + in_b[None, :, None]  # (B, CD, T)
    enc = z_i.transpose(0, 2, 1).reshape(-1, z_i.shape[1])  # (B*T, CD)
    enc_n = _normalize(enc)
    cb_n = _normalize(codebook)
    dist = (jnp.sum(enc_n ** 2, axis=1, keepdims=True)
            - 2.0 * enc_n @ cb_n.T
            + jnp.sum(cb_n ** 2, axis=1, keepdims=True).T)
    indices = jnp.argmax(-dist, axis=1).reshape(z_res.shape[0], -1)  # (B, T)
    z_q = jnp.take(codebook, indices, axis=0).transpose(0, 2, 1)  # (B, CD, T)
    z_q = z_i + jax.lax.stop_gradient(z_q - z_i)
    Wo = _wn(out_v, out_g)  # (D, CD)
    z_o = jnp.einsum('dc,bct->bdt', Wo, z_q) + out_b[None, :, None]
    return z_i, z_q, z_o, indices

def reference(z, in_v, in_g, in_b, out_v, out_g, out_b, codebooks):
    residual = z
    z_O = jnp.zeros_like(z)
    codes, zis, zqs, zos = [], [], [], []
    for q in range(NQ):
        z_i, z_q, z_o, idx = _vq_forward(residual, in_v[q], in_g[q], in_b[q],
                                         out_v[q], out_g[q], out_b[q], codebooks[q])
        z_O = z_O + z_o
        residual = residual - z_o
        codes.append(idx); zis.append(z_i); zqs.append(z_q); zos.append(z_o)
    codes = jnp.stack(codes, axis=1)           # (B, NQ, T)
    z_i_all = jnp.stack(zis, axis=1)           # (B, NQ, CD, T)
    z_q_all = jnp.stack(zqs, axis=1)           # (B, NQ, CD, T)
    z_o_all = jnp.stack(zos, axis=1)           # (B, NQ, D, T)
    return codes, z_O, z_i_all, z_q_all, z_o_all

if __name__ == "__main__":
    import jax
    _d = setup_inputs()
    print(jax.jit(kernel)(*tuple(_d.values())))

</pallas_src>

<mosaic_0001>
#map = affine_map<(d0, d1) -> (0, 0)>
#map1 = affine_map<(d0, d1) -> (0)>
module attributes {stable_mosaic.version = 14 : i64} {
  func.func @_sc_gather(%arg0: i32, %arg1: i32, %arg2: memref<8192x256xf32, #tpu.memory_space<hbm>>, %arg3: memref<8192xi32, #tpu.memory_space<hbm>>, %arg4: memref<8192x256xf32, #tpu.memory_space<hbm>>, %arg5: memref<256xi32, #tpu.memory_space<vmem>>, %arg6: memref<256x256xf32, #tpu.memory_space<vmem>>, %arg7: memref<!tpu.dma_semaphore, #tpu.memory_space<semaphore_mem>>) attributes {dimension_semantics = [#tpu.dimension_semantics<core_parallel>, #tpu.dimension_semantics<subcore_parallel>], iteration_bounds = array<i64: 2, 16>, scalar_prefetch = 0 : i64, scratch_operands = 3 : i64, tpu.core_type = #tpu.core_type<sc_vector_subcore>, window_params = [{transform_indices = #map}, {transform_indices = #map1}, {transform_indices = #map}]} {
    %mul3A = arith.constant 2 : i32
    %mul3A_0 = arith.muli %arg1, %mul3A : i32
    %add3A = arith.addi %mul3A_0, %arg0 : i32
    %mul3A_1 = arith.constant 256 : i32
    %mul3A_2 = arith.muli %add3A, %mul3A_1 : i32
    "tpu.region"() ({
      %run_scoped3A = tpu.sem_alloc : memref<!tpu.dma_semaphore, #tpu.memory_space<semaphore_mem>>
      %dma_start3A_7 = tpu.memref_slice %arg3[%mul3A_2] : memref<8192xi32, #tpu.memory_space<hbm>> -> memref<256xi32, #tpu.memory_space<hbm>>
      %dma_start3A_8 = tpu.memref_slice %arg3[%mul3A_2] : memref<8192xi32, #tpu.memory_space<hbm>> -> memref<256xi32, #tpu.memory_space<hbm>>
      tpu.enqueue_dma source(%dma_start3A_8 : memref<256xi32, #tpu.memory_space<hbm>>) target(%arg5 : memref<256xi32, #tpu.memory_space<vmem>>) target_semaphore(%run_scoped3A : memref<!tpu.dma_semaphore, #tpu.memory_space<semaphore_mem>>)
      %dma_wait3A_9 = tpu.memref_slice %arg3[%mul3A_2] : memref<8192xi32, #tpu.memory_space<hbm>> -> memref<256xi32, #tpu.memory_space<hbm>>
      %dma_wait3A_10 = tpu.memref_slice %arg3[%mul3A_2] : memref<8192xi32, #tpu.memory_space<hbm>> -> memref<256xi32, #tpu.memory_space<hbm>>
      tpu.wait_dma2 semaphore(%run_scoped3A : memref<!tpu.dma_semaphore, #tpu.memory_space<semaphore_mem>>) src(%dma_wait3A_10 : memref<256xi32, #tpu.memory_space<hbm>>) dst(%arg5 : memref<256xi32, #tpu.memory_space<vmem>>)
      tpu.yield
    }) : () -> ()
    %dma_start3A = arith.constant 0 : i32
    %dma_start3A_3 = arith.constant 0 : i32
    %dma_start3A_4 = tpu.memref_slice %arg2[%dma_start3A, %dma_start3A_3] : memref<8192x256xf32, #tpu.memory_space<hbm>> -> memref<8192x256xf32, #tpu.memory_space<hbm>>
    tpu.enqueue_indirect_dma source(%dma_start3A_4 : memref<8192x256xf32, #tpu.memory_space<hbm>>) target(%arg6 : memref<256x256xf32, #tpu.memory_space<vmem>>) offsets(%arg5 : memref<256xi32, #tpu.memory_space<vmem>>) semaphore(%arg7 : memref<!tpu.dma_semaphore, #tpu.memory_space<semaphore_mem>>)
    %dma_wait3A = arith.constant 0 : i32
    %dma_wait3A_5 = arith.constant 0 : i32
    %dma_wait3A_6 = tpu.memref_slice %arg2[%dma_wait3A, %dma_wait3A_5] : memref<8192x256xf32, #tpu.memory_space<hbm>> -> memref<8192x256xf32, #tpu.memory_space<hbm>>
    tpu.wait_indirect_dma semaphore(%arg7 : memref<!tpu.dma_semaphore, #tpu.memory_space<semaphore_mem>>) src(%dma_wait3A_6 : memref<8192x256xf32, #tpu.memory_space<hbm>>) dst(%arg6 : memref<256x256xf32, #tpu.memory_space<vmem>>)
    "tpu.region"() ({
      %run_scoped3A = tpu.sem_alloc : memref<!tpu.dma_semaphore, #tpu.memory_space<semaphore_mem>>
      %dma_start3A_7 = arith.constant 0 : i32
      %dma_start3A_8 = tpu.memref_slice %arg4[%mul3A_2, %dma_start3A_7] : memref<8192x256xf32, #tpu.memory_space<hbm>> -> memref<256x256xf32, #tpu.memory_space<hbm>>
      %dma_start3A_9 = arith.constant 0 : i32
      %dma_start3A_10 = tpu.memref_slice %arg4[%mul3A_2, %dma_start3A_9] : memref<8192x256xf32, #tpu.memory_space<hbm>> -> memref<256x256xf32, #tpu.memory_space<hbm>>
      tpu.enqueue_dma source(%arg6 : memref<256x256xf32, #tpu.memory_space<vmem>>) target(%dma_start3A_10 : memref<256x256xf32, #tpu.memory_space<hbm>>) target_semaphore(%run_scoped3A : memref<!tpu.dma_semaphore, #tpu.memory_space<semaphore_mem>>)
      %dma_wait3A_11 = arith.constant 0 : i32
      %dma_wait3A_12 = tpu.memref_slice %arg4[%mul3A_2, %dma_wait3A_11] : memref<8192x256xf32, #tpu.memory_space<hbm>> -> memref<256x256xf32, #tpu.memory_space<hbm>>
      %dma_wait3A_13 = arith.constant 0 : i32
      %dma_wait3A_14 = tpu.memref_slice %arg4[%mul3A_2, %dma_wait3A_13] : memref<8192x256xf32, #tpu.memory_space<hbm>> -> memref<256x256xf32, #tpu.memory_space<hbm>>
      tpu.wait_dma2 semaphore(%run_scoped3A : memref<!tpu.dma_semaphore, #tpu.memory_space<semaphore_mem>>) src(%arg6 : memref<256x256xf32, #tpu.memory_space<vmem>>) dst(%dma_wait3A_14 : memref<256x256xf32, #tpu.memory_space<hbm>>)
      tpu.yield
    }) : () -> ()
    return
  }
}

#map = affine_map<(d0, d1) -> (0, 0)>
#map1 = affine_map<(d0, d1) -> (0)>
module attributes {stable_mosaic.version = 14 : i64} {
  func.func @_sc_gather(%arg0: i32, %arg1: i32, %arg2: memref<8192x256xf32, #tpu.memory_space<hbm>>, %arg3: memref<8192xi32, #tpu.memory_space<hbm>>, %arg4: memref<8192x256xf32, #tpu.memory_space<hbm>>, %arg5: memref<256xi32, #tpu.memory_space<vmem>>, %arg6: memref<256x256xf32, #tpu.memory_space<vmem>>, %arg7: memref<!tpu.dma_semaphore, #tpu.memory_space<semaphore_mem>>) attributes {dimension_semantics = [#tpu.dimension_semantics<core_parallel>, #tpu.dimension_semantics<subcore_parallel>], iteration_bounds = array<i64: 2, 16>, scalar_prefetch = 0 : i64, scratch_operands = 3 : i64, tpu.core_type = #tpu.core_type<sc_vector_subcore>, window_params = [{transform_indices = #map}, {transform_indices = #map1}, {transform_indices = #map}]} {
    %mul3A = arith.constant 2 : i32
    %mul3A_0 = arith.muli %arg1, %mul3A : i32
    %add3A = arith.addi %mul3A_0, %arg0 : i32
    %mul3A_1 = arith.constant 256 : i32
    %mul3A_2 = arith.muli %add3A, %mul3A_1 : i32
    "tpu.region"() ({
      %run_scoped3A = tpu.sem_alloc : memref<!tpu.dma_semaphore, #tpu.memory_space<semaphore_mem>>
      %dma_start3A_7 = tpu.memref_slice %arg3[%mul3A_2] : memref<8192xi32, #tpu.memory_space<hbm>> -> memref<256xi32, #tpu.memory_space<hbm>>
      %dma_start3A_8 = tpu.memref_slice %arg3[%mul3A_2] : memref<8192xi32, #tpu.memory_space<hbm>> -> memref<256xi32, #tpu.memory_space<hbm>>
      tpu.enqueue_dma source(%dma_start3A_8 : memref<256xi32, #tpu.memory_space<hbm>>) target(%arg5 : memref<256xi32, #tpu.memory_space<vmem>>) target_semaphore(%run_scoped3A : memref<!tpu.dma_semaphore, #tpu.memory_space<semaphore_mem>>)
      %dma_wait3A_9 = tpu.memref_slice %arg3[%mul3A_2] : memref<8192xi32, #tpu.memory_space<hbm>> -> memref<256xi32, #tpu.memory_space<hbm>>
      %dma_wait3A_10 = tpu.memref_slice %arg3[%mul3A_2] : memref<8192xi32, #tpu.memory_space<hbm>> -> memref<256xi32, #tpu.memory_space<hbm>>
      tpu.wait_dma2 semaphore(%run_scoped3A : memref<!tpu.dma_semaphore, #tpu.memory_space<semaphore_mem>>) src(%dma_wait3A_10 : memref<256xi32, #tpu.memory_space<hbm>>) dst(%arg5 : memref<256xi32, #tpu.memory_space<vmem>>)
      tpu.yield
    }) : () -> ()
    %dma_start3A = arith.constant 0 : i32
    %dma_start3A_3 = arith.constant 0 : i32
    %dma_start3A_4 = tpu.memref_slice %arg2[%dma_start3A, %dma_start3A_3] : memref<8192x256xf32, #tpu.memory_space<hbm>> -> memref<8192x256xf32, #tpu.memory_space<hbm>>
    tpu.enqueue_indirect_dma source(%dma_start3A_4 : memref<8192x256xf32, #tpu.memory_space<hbm>>) target(%arg6 : memref<256x256xf32, #tpu.memory_space<vmem>>) offsets(%arg5 : memref<256xi32, #tpu.memory_space<vmem>>) semaphore(%arg7 : memref<!tpu.dma_semaphore, #tpu.memory_space<semaphore_mem>>)
    %dma_wait3A = arith.constant 0 : i32
    %dma_wait3A_5 = arith.constant 0 : i32
    %dma_wait3A_6 = tpu.memref_slice %arg2[%dma_wait3A, %dma_wait3A_5] : memref<8192x256xf32, #tpu.memory_space<hbm>> -> memref<8192x256xf32, #tpu.memory_space<hbm>>
    tpu.wait_indirect_dma semaphore(%arg7 : memref<!tpu.dma_semaphore, #tpu.memory_space<semaphore_mem>>) src(%dma_wait3A_6 : memref<8192x256xf32, #tpu.memory_space<hbm>>) dst(%arg6 : memref<256x256xf32, #tpu.memory_space<vmem>>)
    "tpu.region"() ({
      %run_scoped3A = tpu.sem_alloc : memref<!tpu.dma_semaphore, #tpu.memory_space<semaphore_mem>>
      %dma_start3A_7 = arith.constant 0 : i32
      %dma_start3A_8 = tpu.memref_slice %arg4[%mul3A_2, %dma_start3A_7] : memref<8192x256xf32, #tpu.memory_space<hbm>> -> memref<256x256xf32, #tpu.memory_space<hbm>>
      %dma_start3A_9 = arith.constant 0 : i32
      %dma_start3A_10 = tpu.memref_slice %arg4[%mul3A_2, %dma_start3A_9] : memref<8192x256xf32, #tpu.memory_space<hbm>> -> memref<256x256xf32, #tpu.memory_space<hbm>>
      tpu.enqueue_dma source(%arg6 : memref<256x256xf32, #tpu.memory_space<vmem>>) target(%dma_start3A_10 : memref<256x256xf32, #tpu.memory_space<hbm>>) target_semaphore(%run_scoped3A : memref<!tpu.dma_semaphore, #tpu.memory_space<semaphore_mem>>)
      %dma_wait3A_11 = arith.constant 0 : i32
      %dma_wait3A_12 = tpu.memref_slice %arg4[%mul3A_2, %dma_wait3A_11] : memref<8192x256xf32, #tpu.memory_space<hbm>> -> memref<256x256xf32, #tpu.memory_space<hbm>>
      %dma_wait3A_13 = arith.constant 0 : i32
      %dma_wait3A_14 = tpu.memref_slice %arg4[%mul3A_2, %dma_wait3A_13] : memref<8192x256xf32, #tpu.memory_space<hbm>> -> memref<256x256xf32, #tpu.memory_space<hbm>>
      tpu.wait_dma2 semaphore(%run_scoped3A : memref<!tpu.dma_semaphore, #tpu.memory_space<semaphore_mem>>) src(%arg6 : memref<256x256xf32, #tpu.memory_space<vmem>>) dst(%dma_wait3A_14 : memref<256x256xf32, #tpu.memory_space<hbm>>)
      tpu.yield
    }) : () -> ()
    return
  }
}

#map = affine_map<(d0, d1) -> (0, 0)>
#map1 = affine_map<(d0, d1) -> (0)>
module attributes {stable_mosaic.version = 14 : i64} {
  func.func @_sc_gather(%arg0: i32, %arg1: i32, %arg2: memref<8192x256xf32, #tpu.memory_space<hbm>>, %arg3: memref<8192xi32, #tpu.memory_space<hbm>>, %arg4: memref<8192x256xf32, #tpu.memory_space<hbm>>, %arg5: memref<256xi32, #tpu.memory_space<vmem>>, %arg6: memref<256x256xf32, #tpu.memory_space<vmem>>, %arg7: memref<!tpu.dma_semaphore, #tpu.memory_space<semaphore_mem>>) attributes {dimension_semantics = [#tpu.dimension_semantics<core_parallel>, #tpu.dimension_semantics<subcore_parallel>], iteration_bounds = array<i64: 2, 16>, scalar_prefetch = 0 : i64, scratch_operands = 3 : i64, tpu.core_type = #tpu.core_type<sc_vector_subcore>, window_params = [{transform_indices = #map}, {transform_indices = #map1}, {transform_indices = #map}]} {
    %mul3A = arith.constant 2 : i32
    %mul3A_0 = arith.muli %arg1, %mul3A : i32
    %add3A = arith.addi %mul3A_0, %arg0 : i32
    %mul3A_1 = arith.constant 256 : i32
    %mul3A_2 = arith.muli %add3A, %mul3A_1 : i32
    "tpu.region"() ({
      %run_scoped3A = tpu.sem_alloc : memref<!tpu.dma_semaphore, #tpu.memory_space<semaphore_mem>>
      %dma_start3A_7 = tpu.memref_slice %arg3[%mul3A_2] : memref<8192xi32, #tpu.memory_space<hbm>> -> memref<256xi32, #tpu.memory_space<hbm>>
      %dma_start3A_8 = tpu.memref_slice %arg3[%mul3A_2] : memref<8192xi32, #tpu.memory_space<hbm>> -> memref<256xi32, #tpu.memory_space<hbm>>
      tpu.enqueue_dma source(%dma_start3A_8 : memref<256xi32, #tpu.memory_space<hbm>>) target(%arg5 : memref<256xi32, #tpu.memory_space<vmem>>) target_semaphore(%run_scoped3A : memref<!tpu.dma_semaphore, #tpu.memory_space<semaphore_mem>>)
      %dma_wait3A_9 = tpu.memref_slice %arg3[%mul3A_2] : memref<8192xi32, #tpu.memory_space<hbm>> -> memref<256xi32, #tpu.memory_space<hbm>>
      %dma_wait3A_10 = tpu.memref_slice %arg3[%mul3A_2] : memref<8192xi32, #tpu.memory_space<hbm>> -> memref<256xi32, #tpu.memory_space<hbm>>
      tpu.wait_dma2 semaphore(%run_scoped3A : memref<!tpu.dma_semaphore, #tpu.memory_space<semaphore_mem>>) src(%dma_wait3A_10 : memref<256xi32, #tpu.memory_space<hbm>>) dst(%arg5 : memref<256xi32, #tpu.memory_space<vmem>>)
      tpu.yield
    }) : () -> ()
    %dma_start3A = arith.constant 0 : i32
    %dma_start3A_3 = arith.constant 0 : i32
    %dma_start3A_4 = tpu.memref_slice %arg2[%dma_start3A, %dma_start3A_3] : memref<8192x256xf32, #tpu.memory_space<hbm>> -> memref<8192x256xf32, #tpu.memory_space<hbm>>
    tpu.enqueue_indirect_dma source(%dma_start3A_4 : memref<8192x256xf32, #tpu.memory_space<hbm>>) target(%arg6 : memref<256x256xf32, #tpu.memory_space<vmem>>) offsets(%arg5 : memref<256xi32, #tpu.memory_space<vmem>>) semaphore(%arg7 : memref<!tpu.dma_semaphore, #tpu.memory_space<semaphore_mem>>)
    %dma_wait3A = arith.constant 0 : i32
    %dma_wait3A_5 = arith.constant 0 : i32
    %dma_wait3A_6 = tpu.memref_slice %arg2[%dma_wait3A, %dma_wait3A_5] : memref<8192x256xf32, #tpu.memory_space<hbm>> -> memref<8192x256xf32, #tpu.memory_space<hbm>>
    tpu.wait_indirect_dma semaphore(%arg7 : memref<!tpu.dma_semaphore, #tpu.memory_space<semaphore_mem>>) src(%dma_wait3A_6 : memref<8192x256xf32, #tpu.memory_space<hbm>>) dst(%arg6 : memref<256x256xf32, #tpu.memory_space<vmem>>)
    "tpu.region"() ({
      %run_scoped3A = tpu.sem_alloc : memref<!tpu.dma_semaphore, #tpu.memory_space<semaphore_mem>>
      %dma_start3A_7 = arith.constant 0 : i32
      %dma_start3A_8 = tpu.memref_slice %arg4[%mul3A_2, %dma_start3A_7] : memref<8192x256xf32, #tpu.memory_space<hbm>> -> memref<256x256xf32, #tpu.memory_space<hbm>>
      %dma_start3A_9 = arith.constant 0 : i32
      %dma_start3A_10 = tpu.memref_slice %arg4[%mul3A_2, %dma_start3A_9] : memref<8192x256xf32, #tpu.memory_space<hbm>> -> memref<256x256xf32, #tpu.memory_space<hbm>>
      tpu.enqueue_dma source(%arg6 : memref<256x256xf32, #tpu.memory_space<vmem>>) target(%dma_start3A_10 : memref<256x256xf32, #tpu.memory_space<hbm>>) target_semaphore(%run_scoped3A : memref<!tpu.dma_semaphore, #tpu.memory_space<semaphore_mem>>)
      %dma_wait3A_11 = arith.constant 0 : i32
      %dma_wait3A_12 = tpu.memref_slice %arg4[%mul3A_2, %dma_wait3A_11] : memref<8192x256xf32, #tpu.memory_space<hbm>> -> memref<256x256xf32, #tpu.memory_space<hbm>>
      %dma_wait3A_13 = arith.constant 0 : i32
      %dma_wait3A_14 = tpu.memref_slice %arg4[%mul3A_2, %dma_wait3A_13] : memref<8192x256xf32, #tpu.memory_space<hbm>> -> memref<256x256xf32, #tpu.memory_space<hbm>>
      tpu.wait_dma2 semaphore(%run_scoped3A : memref<!tpu.dma_semaphore, #tpu.memory_space<semaphore_mem>>) src(%arg6 : memref<256x256xf32, #tpu.memory_space<vmem>>) dst(%dma_wait3A_14 : memref<256x256xf32, #tpu.memory_space<hbm>>)
      tpu.yield
    }) : () -> ()
    return
  }
}

#map = affine_map<(d0, d1) -> (0, 0)>
#map1 = affine_map<(d0, d1) -> (0)>
module attributes {stable_mosaic.version = 14 : i64} {
  func.func @_sc_gather(%arg0: i32, %arg1: i32, %arg2: memref<8192x256xf32, #tpu.memory_space<hbm>>, %arg3: memref<8192xi32, #tpu.memory_space<hbm>>, %arg4: memref<8192x256xf32, #tpu.memory_space<hbm>>, %arg5: memref<256xi32, #tpu.memory_space<vmem>>, %arg6: memref<256x256xf32, #tpu.memory_space<vmem>>, %arg7: memref<!tpu.dma_semaphore, #tpu.memory_space<semaphore_mem>>) attributes {dimension_semantics = [#tpu.dimension_semantics<core_parallel>, #tpu.dimension_semantics<subcore_parallel>], iteration_bounds = array<i64: 2, 16>, scalar_prefetch = 0 : i64, scratch_operands = 3 : i64, tpu.core_type = #tpu.core_type<sc_vector_subcore>, window_params = [{transform_indices = #map}, {transform_indices = #map1}, {transform_indices = #map}]} {
    %mul3A = arith.constant 2 : i32
    %mul3A_0 = arith.muli %arg1, %mul3A : i32
    %add3A = arith.addi %mul3A_0, %arg0 : i32
    %mul3A_1 = arith.constant 256 : i32
    %mul3A_2 = arith.muli %add3A, %mul3A_1 : i32
    "tpu.region"() ({
      %run_scoped3A = tpu.sem_alloc : memref<!tpu.dma_semaphore, #tpu.memory_space<semaphore_mem>>
      %dma_start3A_7 = tpu.memref_slice %arg3[%mul3A_2] : memref<8192xi32, #tpu.memory_space<hbm>> -> memref<256xi32, #tpu.memory_space<hbm>>
      %dma_start3A_8 = tpu.memref_slice %arg3[%mul3A_2] : memref<8192xi32, #tpu.memory_space<hbm>> -> memref<256xi32, #tpu.memory_space<hbm>>
      tpu.enqueue_dma source(%dma_start3A_8 : memref<256xi32, #tpu.memory_space<hbm>>) target(%arg5 : memref<256xi32, #tpu.memory_space<vmem>>) target_semaphore(%run_scoped3A : memref<!tpu.dma_semaphore, #tpu.memory_space<semaphore_mem>>)
      %dma_wait3A_9 = tpu.memref_slice %arg3[%mul3A_2] : memref<8192xi32, #tpu.memory_space<hbm>> -> memref<256xi32, #tpu.memory_space<hbm>>
      %dma_wait3A_10 = tpu.memref_slice %arg3[%mul3A_2] : memref<8192xi32, #tpu.memory_space<hbm>> -> memref<256xi32, #tpu.memory_space<hbm>>
      tpu.wait_dma2 semaphore(%run_scoped3A : memref<!tpu.dma_semaphore, #tpu.memory_space<semaphore_mem>>) src(%dma_wait3A_10 : memref<256xi32, #tpu.memory_space<hbm>>) dst(%arg5 : memref<256xi32, #tpu.memory_space<vmem>>)
      tpu.yield
    }) : () -> ()
    %dma_start3A = arith.constant 0 : i32
    %dma_start3A_3 = arith.constant 0 : i32
    %dma_start3A_4 = tpu.memref_slice %arg2[%dma_start3A, %dma_start3A_3] : memref<8192x256xf32, #tpu.memory_space<hbm>> -> memref<8192x256xf32, #tpu.memory_space<hbm>>
    tpu.enqueue_indirect_dma source(%dma_start3A_4 : memref<8192x256xf32, #tpu.memory_space<hbm>>) target(%arg6 : memref<256x256xf32, #tpu.memory_space<vmem>>) offsets(%arg5 : memref<256xi32, #tpu.memory_space<vmem>>) semaphore(%arg7 : memref<!tpu.dma_semaphore, #tpu.memory_space<semaphore_mem>>)
    %dma_wait3A = arith.constant 0 : i32
    %dma_wait3A_5 = arith.constant 0 : i32
    %dma_wait3A_6 = tpu.memref_slice %arg2[%dma_wait3A, %dma_wait3A_5] : memref<8192x256xf32, #tpu.memory_space<hbm>> -> memref<8192x256xf32, #tpu.memory_space<hbm>>
    tpu.wait_indirect_dma semaphore(%arg7 : memref<!tpu.dma_semaphore, #tpu.memory_space<semaphore_mem>>) src(%dma_wait3A_6 : memref<8192x256xf32, #tpu.memory_space<hbm>>) dst(%arg6 : memref<256x256xf32, #tpu.memory_space<vmem>>)
    "tpu.region"() ({
      %run_scoped3A = tpu.sem_alloc : memref<!tpu.dma_semaphore, #tpu.memory_space<semaphore_mem>>
      %dma_start3A_7 = arith.constant 0 : i32
      %dma_start3A_8 = tpu.memref_slice %arg4[%mul3A_2, %dma_start3A_7] : memref<8192x256xf32, #tpu.memory_space<hbm>> -> memref<256x256xf32, #tpu.memory_space<hbm>>
      %dma_start3A_9 = arith.constant 0 : i32
      %dma_start3A_10 = tpu.memref_slice %arg4[%mul3A_2, %dma_start3A_9] : memref<8192x256xf32, #tpu.memory_space<hbm>> -> memref<256x256xf32, #tpu.memory_space<hbm>>
      tpu.enqueue_dma source(%arg6 : memref<256x256xf32, #tpu.memory_space<vmem>>) target(%dma_start3A_10 : memref<256x256xf32, #tpu.memory_space<hbm>>) target_semaphore(%run_scoped3A : memref<!tpu.dma_semaphore, #tpu.memory_space<semaphore_mem>>)
      %dma_wait3A_11 = arith.constant 0 : i32
      %dma_wait3A_12 = tpu.memref_slice %arg4[%mul3A_2, %dma_wait3A_11] : memref<8192x256xf32, #tpu.memory_space<hbm>> -> memref<256x256xf32, #tpu.memory_space<hbm>>
      %dma_wait3A_13 = arith.constant 0 : i32
      %dma_wait3A_14 = tpu.memref_slice %arg4[%mul3A_2, %dma_wait3A_13] : memref<8192x256xf32, #tpu.memory_space<hbm>> -> memref<256x256xf32, #tpu.memory_space<hbm>>
      tpu.wait_dma2 semaphore(%run_scoped3A : memref<!tpu.dma_semaphore, #tpu.memory_space<semaphore_mem>>) src(%arg6 : memref<256x256xf32, #tpu.memory_space<vmem>>) dst(%dma_wait3A_14 : memref<256x256xf32, #tpu.memory_space<hbm>>)
      tpu.yield
    }) : () -> ()
    return
  }
}

module attributes {stable_mosaic.version = 14 : i64} {
  func.func @_encode_body(%arg0: i32, %arg1: i32, %arg2: memref<1x512x512xf32, #tpu.memory_space<vmem>>, %arg3: memref<256x512xf32, #tpu.memory_space<vmem>>, %arg4: memref<256x1xf32, #tpu.memory_space<vmem>>, %arg5: memref<8192x256xbf16, #tpu.memory_space<vmem>>, %arg6: memref<8192x1xf32, #tpu.memory_space<vmem>>, %arg7: memref<1x1x256x512xf32, #tpu.memory_space<vmem>>, %arg8: memref<1x1x1x512xi32, #tpu.memory_space<vmem>>) attributes {dimension_semantics = [#tpu.dimension_semantics<parallel>, #tpu.dimension_semantics<parallel>], iteration_bounds = array<i64: 8, 2>, scalar_prefetch = 0 : i64, scratch_operands = 0 : i64, tpu.core_type = #tpu.core_type<tc>, window_params = [{transform_indices = @transform_0, window_bounds = array<i64: 1, 512, 512>}, {pipeline_mode = #tpu.pipeline_mode<synchronous>, transform_indices = @transform_1, window_bounds = array<i64: 256, 512>}, {pipeline_mode = #tpu.pipeline_mode<synchronous>, transform_indices = @transform_2, window_bounds = array<i64: 256, 1>}, {pipeline_mode = #tpu.pipeline_mode<synchronous>, transform_indices = @transform_3, window_bounds = array<i64: 8192, 256>}, {pipeline_mode = #tpu.pipeline_mode<synchronous>, transform_indices = @transform_4, window_bounds = array<i64: 8192, 1>}, {transform_indices = @transform_5, window_bounds = array<i64: 1, 1, 256, 512>}, {transform_indices = @transform_6, window_bounds = array<i64: 1, 1, 1, 512>}]} {
    %get3A = arith.constant 0 : index
    %get3A_0 = arith.constant 0 : index
    %get3A_1 = arith.constant 0 : index
    %get3A_2 = vector.load %arg2[%get3A, %get3A_0, %get3A_1] : memref<1x512x512xf32, #tpu.memory_space<vmem>>, vector<1x512x512xf32>
    %get3A_3 = vector.shape_cast %get3A_2 : vector<1x512x512xf32> to vector<512x512xf32>
    %get3A_4 = arith.constant 0 : index
    %get3A_5 = arith.constant 0 : index
    %get3A_6 = vector.load %arg3[%get3A_4, %get3A_5] : memref<256x512xf32, #tpu.memory_space<vmem>>, vector<256x512xf32>
    %convert_element_type3A = arith.truncf %get3A_6 : vector<256x512xf32> to vector<256x512xbf16>
    %convert_element_type3A_7 = arith.truncf %get3A_3 : vector<512x512xf32> to vector<512x512xbf16>
    %dot_general3A = arith.constant dense<0.000000e+00> : vector<256x512xf32>
    %dot_general3A_8 = tpu.matmul %convert_element_type3A, %convert_element_type3A_7, %dot_general3A {dimension_numbers = #tpu.dot_dimension_numbers<[1], [0], [0], [1], [0, 0, 1, 1], [], []>, transpose_lhs_hint = false} : vector<256x512xbf16>, vector<512x512xbf16>, vector<256x512xf32> -> vector<256x512xf32>
    %get3A_9 = arith.constant 0 : index
    %get3A_10 = arith.constant 0 : index
    %get3A_11 = vector.load %arg4[%get3A_9, %get3A_10] : memref<256x1xf32, #tpu.memory_space<vmem>>, vector<256x1xf32>
    %add3A = vector.broadcast %get3A_11 : vector<256x1xf32> to vector<256x512xf32>
    %add3A_12 = arith.addf %dot_general3A_8, %add3A : vector<256x512xf32>
    %swap3A = arith.constant 0 : index
    %swap3A_13 = arith.constant 0 : index
    %swap3A_14 = arith.constant 0 : index
    %swap3A_15 = arith.constant 0 : index
    %swap3A_16 = vector.load %arg7[%swap3A, %swap3A_13, %swap3A_14, %swap3A_15] : memref<1x1x256x512xf32, #tpu.memory_space<vmem>>, vector<1x1x256x512xf32>
    %swap3A_17 = vector.shape_cast %swap3A_16 : vector<1x1x256x512xf32> to vector<256x512xf32>
    %swap3A_18 = vector.shape_cast %add3A_12 : vector<256x512xf32> to vector<1x1x256x512xf32>
    tpu.vector_store %arg7[%swap3A, %swap3A_13, %swap3A_14, %swap3A_15], %swap3A_18 {strides = array<i32>} : memref<1x1x256x512xf32, #tpu.memory_space<vmem>>, vector<1x1x256x512xf32>,
    %mul3A = arith.mulf %add3A_12, %add3A_12 : vector<256x512xf32>
    %reduce_sum3A = arith.constant dense<0.000000e+00> : vector<512xf32>
    %reduce_sum3A_19 = vector.multi_reduction <add>, %mul3A, %reduce_sum3A [0] : vector<256x512xf32> to vector<512xf32>
    %broadcast_in_dim3A = vector.shape_cast %reduce_sum3A_19 : vector<512xf32> to vector<1x512xf32>
    %sqrt3A = math.sqrt %broadcast_in_dim3A : vector<1x512xf32>
    %max3A = arith.constant 9.99999996E-13 : f32
    %max3A_20 = vector.broadcast %max3A : f32 to vector<1x512xf32>
    %max3A_21 = arith.maximumf %sqrt3A, %max3A_20 : vector<1x512xf32>
    %div3A = vector.broadcast %max3A_21 : vector<1x512xf32> to vector<256x512xf32>
    %div3A_22 = arith.divf %add3A_12, %div3A : vector<256x512xf32>
    %mul3A_23 = arith.mulf %div3A_22, %div3A_22 : vector<256x512xf32>
    %reduce_sum3A_24 = arith.constant dense<0.000000e+00> : vector<512xf32>
    %reduce_sum3A_25 = vector.multi_reduction <add>, %mul3A_23, %reduce_sum3A_24 [0] : vector<256x512xf32> to vector<512xf32>
    %broadcast_in_dim3A_26 = vector.shape_cast %reduce_sum3A_25 : vector<512xf32> to vector<1x512xf32>
    %convert_element_type3A_27 = arith.truncf %div3A_22 : vector<256x512xf32> to vector<256x512xbf16>
    %broadcast_in_dim3A_28 = arith.constant 0xFF800000 : f32
    %broadcast_in_dim3A_29 = vector.broadcast %broadcast_in_dim3A_28 : f32 to vector<1x512xf32>
    %broadcast_in_dim3A_30 = arith.constant 0 : i32
    %broadcast_in_dim3A_31 = vector.broadcast %broadcast_in_dim3A_30 : i32 to vector<1x512xi32>
    %scan3A = arith.constant 0 : i32
    %scan3A_32 = arith.constant 4 : i32
    %scan3A_33 = arith.addi %scan3A, %scan3A_32 : i32
    %scan3A_34 = arith.constant 1 : i32
    %scan3A_35:2 = scf.for %scan3A_44 = %scan3A to %scan3A_33 step %scan3A_34 iter_args(%scan3A_45 = %broadcast_in_dim3A_29, %scan3A_46 = %broadcast_in_dim3A_31) -> (vector<1x512xf32>, vector<1x512xi32>)  : i32 {
      %broadcast_in_dim3A_47 = arith.constant 0xFF800000 : f32
      %broadcast_in_dim3A_48 = vector.broadcast %broadcast_in_dim3A_47 : f32 to vector<1x512xf32>
      %broadcast_in_dim3A_49 = arith.constant 0 : i32
      %broadcast_in_dim3A_50 = vector.broadcast %broadcast_in_dim3A_49 : i32 to vector<1x512xi32>
      %scan3A_51 = arith.constant 0 : i32
      %scan3A_52 = arith.constant 4 : i32
      %scan3A_53 = arith.addi %scan3A_51, %scan3A_52 : i32
      %scan3A_54 = arith.constant 1 : i32
      %scan3A_55:2 = scf.for %scan3A_60 = %scan3A_51 to %scan3A_53 step %scan3A_54 iter_args(%scan3A_61 = %broadcast_in_dim3A_48, %scan3A_62 = %broadcast_in_dim3A_50) -> (vector<1x512xf32>, vector<1x512xi32>)  : i32 {
        %mul3A_63 = arith.constant 4 : i32
        %mul3A_64 = arith.muli %scan3A_44, %mul3A_63 : i32
        %add3A_65 = arith.addi %mul3A_64, %scan3A_60 : i32
        %mul3A_66 = arith.constant 512 : i32
        %mul3A_67 = arith.muli %add3A_65, %mul3A_66 : i32
        %multiple_of3A = tpu.assume_multiple %mul3A_67, 512 : i32
        %get3A_68 = arith.index_cast %multiple_of3A : i32 to index
        %get3A_69 = arith.constant 0 : index
        %get3A_70 = vector.load %arg5[%get3A_68, %get3A_69] : memref<8192x256xbf16, #tpu.memory_space<vmem>>, vector<512x256xbf16>
        %get3A_71 = arith.index_cast %multiple_of3A : i32 to index
        %get3A_72 = arith.constant 0 : index
        %get3A_73 = vector.load %arg6[%get3A_71, %get3A_72] : memref<8192x1xf32, #tpu.memory_space<vmem>>, vector<512x1xf32>
        %dot_general3A_74 = arith.constant dense<0.000000e+00> : vector<512x512xf32>
        %dot_general3A_75 = tpu.matmul %get3A_70, %convert_element_type3A_27, %dot_general3A_74 {dimension_numbers = #tpu.dot_dimension_numbers<[1], [0], [0], [1], [0, 0, 1, 1], [], []>, transpose_lhs_hint = false} : vector<512x256xbf16>, vector<256x512xbf16>, vector<512x512xf32> -> vector<512x512xf32>
        %mul3A_76 = arith.constant 2.000000e+00 : f32
        %mul3A_77 = vector.broadcast %mul3A_76 : f32 to vector<512x512xf32>
        %mul3A_78 = arith.mulf %mul3A_77, %dot_general3A_75 : vector<512x512xf32>
        %sub3A = vector.broadcast %broadcast_in_dim3A_26 : vector<1x512xf32> to vector<512x512xf32>
        %sub3A_79 = arith.subf %sub3A, %mul3A_78 : vector<512x512xf32>
        %add3A_80 = vector.broadcast %get3A_73 : vector<512x1xf32> to vector<512x512xf32>
        %add3A_81 = arith.addf %sub3A_79, %add3A_80 : vector<512x512xf32>
        %neg3A = arith.constant 0.000000e+00 : f32
        %neg3A_82 = vector.broadcast %neg3A : f32 to vector<512x512xf32>
        %neg3A_83 = arith.subf %neg3A_82, %add3A_81 : vector<512x512xf32>
        %reduce_max3A = arith.constant dense<0xFF800000> : vector<512xf32>
        %reduce_max3A_84 = vector.multi_reduction <maximumf>, %neg3A_83, %reduce_max3A [0] : vector<512x512xf32> to vector<512xf32>
        %broadcast_in_dim3A_85 = vector.shape_cast %reduce_max3A_84 : vector<512xf32> to vector<1x512xf32>
        %iota3A = tpu.iota {dimensions = array<i32: 0>} : vector<512x512xi32>
        %mul3A_86 = arith.constant 512 : i32
        %mul3A_87 = arith.muli %add3A_65, %mul3A_86 : i32
        %add3A_88 = vector.broadcast %mul3A_87 : i32 to vector<512x512xi32>
        %add3A_89 = arith.addi %iota3A, %add3A_88 : vector<512x512xi32>
        %eq3A = vector.broadcast %broadcast_in_dim3A_85 : vector<1x512xf32> to vector<512x512xf32>
        %eq3A_90 = arith.cmpf oeq, %neg3A_83, %eq3A : vector<512x512xf32>
        %jit3A = arith.constant 8192 : i32
        %broadcast_in_dim3A_91 = vector.broadcast %jit3A : i32 to vector<512x512xi32>
        %select_n3A_92 = arith.select %eq3A_90, %add3A_89, %broadcast_in_dim3A_91 : vector<512x512xi1>, vector<512x512xi32>
        %reduce_min3A = arith.constant dense<2147483647> : vector<512xi32>
        %reduce_min3A_93 = vector.multi_reduction <minsi>, %select_n3A_92, %reduce_min3A [0] : vector<512x512xi32> to vector<512xi32>
        %broadcast_in_dim3A_94 = vector.shape_cast %reduce_min3A_93 : vector<512xi32> to vector<1x512xi32>
        %gt3A_95 = arith.cmpf ogt, %broadcast_in_dim3A_85, %scan3A_61 : vector<1x512xf32>
        %select_n3A_96 = arith.select %gt3A_95, %broadcast_in_dim3A_85, %scan3A_61 : vector<1x512xi1>, vector<1x512xf32>
        %select_n3A_97 = arith.select %gt3A_95, %broadcast_in_dim3A_94, %scan3A_62 : vector<1x512xi1>, vector<1x512xi32>
        scf.yield %select_n3A_96, %select_n3A_97 : vector<1x512xf32>, vector<1x512xi32>
      }
      %scan3A_56 = arith.constant 4 : i32
      %gt3A = arith.cmpf ogt, %scan3A_55#0, %scan3A_45 : vector<1x512xf32>
      %select_n3A = arith.select %gt3A, %scan3A_55#0, %scan3A_45 : vector<1x512xi1>, vector<1x512xf32>
      %convert_element_type3A_57 = arith.truncf %select_n3A : vector<1x512xf32> to vector<1x512xbf16>
      %convert_element_type3A_58 = arith.extf %convert_element_type3A_57 : vector<1x512xbf16> to vector<1x512xf32>
      %select_n3A_59 = arith.select %gt3A, %scan3A_55#1, %scan3A_46 : vector<1x512xi1>, vector<1x512xi32>
      scf.yield %convert_element_type3A_58, %select_n3A_59 : vector<1x512xf32>, vector<1x512xi32>
    }
    %scan3A_36 = arith.constant 4 : i32
    %swap3A_37 = arith.constant 0 : index
    %swap3A_38 = arith.constant 0 : index
    %swap3A_39 = arith.constant 0 : index
    %swap3A_40 = arith.constant 0 : index
    %swap3A_41 = vector.load %arg8[%swap3A_37, %swap3A_38, %swap3A_39, %swap3A_40] : memref<1x1x1x512xi32, #tpu.memory_space<vmem>>, vector<1x1x1x512xi32>
    %swap3A_42 = vector.shape_cast %swap3A_41 : vector<1x1x1x512xi32> to vector<1x512xi32>
    %swap3A_43 = vector.shape_cast %scan3A_35#1 : vector<1x512xi32> to vector<1x1x1x512xi32>
    tpu.vector_store %arg8[%swap3A_37, %swap3A_38, %swap3A_39, %swap3A_40], %swap3A_43 {strides = array<i32>} : memref<1x1x1x512xi32, #tpu.memory_space<vmem>>, vector<1x1x1x512xi32>,
    return
  }
  func.func @transform_0(%arg0: i32, %arg1: i32) -> (i32, i32, i32) {
    %c0_i32 = arith.constant 0 : i32
    %c0_i32_0 = arith.constant 0 : i32
    return %arg0, %c0_i32, %arg1 : i32, i32, i32
  }
  func.func @transform_1(%arg0: i32, %arg1: i32) -> (i32, i32) {
    %c0_i32 = arith.constant 0 : i32
    %c0_i32_0 = arith.constant 0 : i32
    %c0_i32_1 = arith.constant 0 : i32
    return %c0_i32, %c0_i32_0 : i32, i32
  }
  func.func @transform_2(%arg0: i32, %arg1: i32) -> (i32, i32) {
    %c0_i32 = arith.constant 0 : i32
    %c0_i32_0 = arith.constant 0 : i32
    %c0_i32_1 = arith.constant 0 : i32
    return %c0_i32, %c0_i32_0 : i32, i32
  }
  func.func @transform_3(%arg0: i32, %arg1: i32) -> (i32, i32) {
    %c0_i32 = arith.constant 0 : i32
    %c0_i32_0 = arith.constant 0 : i32
    %c0_i32_1 = arith.constant 0 : i32
    return %c0_i32, %c0_i32_0 : i32, i32
  }
  func.func @transform_4(%arg0: i32, %arg1: i32) -> (i32, i32) {
    %c0_i32 = arith.constant 0 : i32
    %c0_i32_0 = arith.constant 0 : i32
    %c0_i32_1 = arith.constant 0 : i32
    return %c0_i32, %c0_i32_0 : i32, i32
  }
  func.func @transform_5(%arg0: i32, %arg1: i32) -> (i32, i32, i32, i32) {
    %c0_i32 = arith.constant 0 : i32
    %c0_i32_0 = arith.constant 0 : i32
    %c0_i32_1 = arith.constant 0 : i32
    return %arg0, %c0_i32, %c0_i32_0, %arg1 : i32, i32, i32, i32
  }
  func.func @transform_6(%arg0: i32, %arg1: i32) -> (i32, i32, i32, i32) {
    %c0_i32 = arith.constant 0 : i32
    %c0_i32_0 = arith.constant 0 : i32
    %c0_i32_1 = arith.constant 0 : i32
    return %arg0, %c0_i32, %c0_i32_0, %arg1 : i32, i32, i32, i32
  }
}

module attributes {stable_mosaic.version = 14 : i64} {
  func.func @_decode_body(%arg0: i32, %arg1: i32, %arg2: memref<1x512x256xf32, #tpu.memory_space<vmem>>, %arg3: memref<512x256xf32, #tpu.memory_space<vmem>>, %arg4: memref<512x1xf32, #tpu.memory_space<vmem>>, %arg5: memref<1x512x512xf32, #tpu.memory_space<vmem>>, %arg6: memref<1x1x256x512xf32, #tpu.memory_space<vmem>>, %arg7: memref<1x1x256x512xf32, #tpu.memory_space<vmem>>, %arg8: memref<1x1x512x512xf32, #tpu.memory_space<vmem>>, %arg9: memref<1x512x512xf32, #tpu.memory_space<vmem>>) attributes {dimension_semantics = [#tpu.dimension_semantics<parallel>, #tpu.dimension_semantics<parallel>], iteration_bounds = array<i64: 8, 2>, scalar_prefetch = 0 : i64, scratch_operands = 0 : i64, tpu.core_type = #tpu.core_type<tc>, window_params = [{transform_indices = @transform_0, window_bounds = array<i64: 1, 512, 256>}, {pipeline_mode = #tpu.pipeline_mode<synchronous>, transform_indices = @transform_1, window_bounds = array<i64: 512, 256>}, {pipeline_mode = #tpu.pipeline_mode<synchronous>, transform_indices = @transform_2, window_bounds = array<i64: 512, 1>}, {transform_indices = @transform_3, window_bounds = array<i64: 1, 512, 512>}, {transform_indices = @transform_4, window_bounds = array<i64: 1, 1, 256, 512>}, {transform_indices = @transform_5, window_bounds = array<i64: 1, 1, 256, 512>}, {transform_indices = @transform_6, window_bounds = array<i64: 1, 1, 512, 512>}, {transform_indices = @transform_7, window_bounds = array<i64: 1, 512, 512>}]} {
    %get3A = arith.constant 0 : index
    %get3A_0 = arith.constant 0 : index
    %get3A_1 = arith.constant 0 : index
    %get3A_2 = arith.constant 0 : index
    %get3A_3 = vector.load %arg6[%get3A, %get3A_0, %get3A_1, %get3A_2] : memref<1x1x256x512xf32, #tpu.memory_space<vmem>>, vector<1x1x256x512xf32>
    %get3A_4 = vector.shape_cast %get3A_3 : vector<1x1x256x512xf32> to vector<256x512xf32>
    %get3A_5 = arith.constant 0 : index
    %get3A_6 = arith.constant 0 : index
    %get3A_7 = arith.constant 0 : index
    %get3A_8 = vector.load %arg2[%get3A_5, %get3A_6, %get3A_7] : memref<1x512x256xf32, #tpu.memory_space<vmem>>, vector<1x512x256xf32>
    %get3A_9 = vector.shape_cast %get3A_8 : vector<1x512x256xf32> to vector<512x256xf32>
    %transpose3A = tpu.transpose %get3A_9, [1, 0] : vector<512x256xf32> -> vector<256x512xf32>
    %sub3A = arith.subf %transpose3A, %get3A_4 : vector<256x512xf32>
    %add3A = arith.addf %get3A_4, %sub3A : vector<256x512xf32>
    %swap3A = arith.constant 0 : index
    %swap3A_10 = arith.constant 0 : index
    %swap3A_11 = arith.constant 0 : index
    %swap3A_12 = arith.constant 0 : index
    %swap3A_13 = vector.load %arg7[%swap3A, %swap3A_10, %swap3A_11, %swap3A_12] : memref<1x1x256x512xf32, #tpu.memory_space<vmem>>, vector<1x1x256x512xf32>
    %swap3A_14 = vector.shape_cast %swap3A_13 : vector<1x1x256x512xf32> to vector<256x512xf32>
    %swap3A_15 = vector.shape_cast %add3A : vector<256x512xf32> to vector<1x1x256x512xf32>
    tpu.vector_store %arg7[%swap3A, %swap3A_10, %swap3A_11, %swap3A_12], %swap3A_15 {strides = array<i32>} : memref<1x1x256x512xf32, #tpu.memory_space<vmem>>, vector<1x1x256x512xf32>,
    %get3A_16 = arith.constant 0 : index
    %get3A_17 = arith.constant 0 : index
    %get3A_18 = vector.load %arg3[%get3A_16, %get3A_17] : memref<512x256xf32, #tpu.memory_space<vmem>>, vector<512x256xf32>
    %convert_element_type3A = arith.truncf %get3A_18 : vector<512x256xf32> to vector<512x256xbf16>
    %convert_element_type3A_19 = arith.truncf %add3A : vector<256x512xf32> to vector<256x512xbf16>
    %dot_general3A = arith.constant dense<0.000000e+00> : vector<512x512xf32>
    %dot_general3A_20 = tpu.matmul %convert_element_type3A, %convert_element_type3A_19, %dot_general3A {dimension_numbers = #tpu.dot_dimension_numbers<[1], [0], [0], [1], [0, 0, 1, 1], [], []>, transpose_lhs_hint = false} : vector<512x256xbf16>, vector<256x512xbf16>, vector<512x512xf32> -> vector<512x512xf32>
    %get3A_21 = arith.constant 0 : index
    %get3A_22 = arith.constant 0 : index
    %get3A_23 = vector.load %arg4[%get3A_21, %get3A_22] : memref<512x1xf32, #tpu.memory_space<vmem>>, vector<512x1xf32>
    %add3A_24 = vector.broadcast %get3A_23 : vector<512x1xf32> to vector<512x512xf32>
    %add3A_25 = arith.addf %dot_general3A_20, %add3A_24 : vector<512x512xf32>
    %swap3A_26 = arith.constant 0 : index
    %swap3A_27 = arith.constant 0 : index
    %swap3A_28 = arith.constant 0 : index
    %swap3A_29 = arith.constant 0 : index
    %swap3A_30 = vector.load %arg8[%swap3A_26, %swap3A_27, %swap3A_28, %swap3A_29] : memref<1x1x512x512xf32, #tpu.memory_space<vmem>>, vector<1x1x512x512xf32>
    %swap3A_31 = vector.shape_cast %swap3A_30 : vector<1x1x512x512xf32> to vector<512x512xf32>
    %swap3A_32 = vector.shape_cast %add3A_25 : vector<512x512xf32> to vector<1x1x512x512xf32>
    tpu.vector_store %arg8[%swap3A_26, %swap3A_27, %swap3A_28, %swap3A_29], %swap3A_32 {strides = array<i32>} : memref<1x1x512x512xf32, #tpu.memory_space<vmem>>, vector<1x1x512x512xf32>,
    %get3A_33 = arith.constant 0 : index
    %get3A_34 = arith.constant 0 : index
    %get3A_35 = arith.constant 0 : index
    %get3A_36 = vector.load %arg5[%get3A_33, %get3A_34, %get3A_35] : memref<1x512x512xf32, #tpu.memory_space<vmem>>, vector<1x512x512xf32>
    %get3A_37 = vector.shape_cast %get3A_36 : vector<1x512x512xf32> to vector<512x512xf32>
    %sub3A_38 = arith.subf %get3A_37, %add3A_25 : vector<512x512xf32>
    %swap3A_39 = arith.constant 0 : index
    %swap3A_40 = arith.constant 0 : index
    %swap3A_41 = arith.constant 0 : index
    %swap3A_42 = vector.load %arg9[%swap3A_39, %swap3A_40, %swap3A_41] : memref<1x512x512xf32, #tpu.memory_space<vmem>>, vector<1x512x512xf32>
    %swap3A_43 = vector.shape_cast %swap3A_42 : vector<1x512x512xf32> to vector<512x512xf32>
    %swap3A_44 = vector.shape_cast %sub3A_38 : vector<512x512xf32> to vector<1x512x512xf32>
    tpu.vector_store %arg9[%swap3A_39, %swap3A_40, %swap3A_41], %swap3A_44 {strides = array<i32>} : memref<1x512x512xf32, #tpu.memory_space<vmem>>, vector<1x512x512xf32>,
    return
  }
  func.func @transform_0(%arg0: i32, %arg1: i32) -> (i32, i32, i32) {
    %c0_i32 = arith.constant 0 : i32
    %c0_i32_0 = arith.constant 0 : i32
    return %arg0, %arg1, %c0_i32 : i32, i32, i32
  }
  func.func @transform_1(%arg0: i32, %arg1: i32) -> (i32, i32) {
    %c0_i32 = arith.constant 0 : i32
    %c0_i32_0 = arith.constant 0 : i32
    %c0_i32_1 = arith.constant 0 : i32
    return %c0_i32, %c0_i32_0 : i32, i32
  }
  func.func @transform_2(%arg0: i32, %arg1: i32) -> (i32, i32) {
    %c0_i32 = arith.constant 0 : i32
    %c0_i32_0 = arith.constant 0 : i32
    %c0_i32_1 = arith.constant 0 : i32
    return %c0_i32, %c0_i32_0 : i32, i32
  }
  func.func @transform_3(%arg0: i32, %arg1: i32) -> (i32, i32, i32) {
    %c0_i32 = arith.constant 0 : i32
    %c0_i32_0 = arith.constant 0 : i32
    return %arg0, %c0_i32, %arg1 : i32, i32, i32
  }
  func.func @transform_4(%arg0: i32, %arg1: i32) -> (i32, i32, i32, i32) {
    %c0_i32 = arith.constant 0 : i32
    %c0_i32_0 = arith.constant 0 : i32
    %c0_i32_1 = arith.constant 0 : i32
    return %arg0, %c0_i32, %c0_i32_0, %arg1 : i32, i32, i32, i32
  }
  func.func @transform_5(%arg0: i32, %arg1: i32) -> (i32, i32, i32, i32) {
    %c0_i32 = arith.constant 0 : i32
    %c0_i32_0 = arith.constant 0 : i32
    %c0_i32_1 = arith.constant 0 : i32
    return %arg0, %c0_i32, %c0_i32_0, %arg1 : i32, i32, i32, i32
  }
  func.func @transform_6(%arg0: i32, %arg1: i32) -> (i32, i32, i32, i32) {
    %c0_i32 = arith.constant 0 : i32
    %c0_i32_0 = arith.constant 0 : i32
    %c0_i32_1 = arith.constant 0 : i32
    return %arg0, %c0_i32, %c0_i32_0, %arg1 : i32, i32, i32, i32
  }
  func.func @transform_7(%arg0: i32, %arg1: i32) -> (i32, i32, i32) {
    %c0_i32 = arith.constant 0 : i32
    %c0_i32_0 = arith.constant 0 : i32
    return %arg0, %c0_i32, %arg1 : i32, i32, i32
  }
}

module attributes {stable_mosaic.version = 14 : i64} {
  func.func @_encode_body(%arg0: i32, %arg1: i32, %arg2: memref<1x512x512xf32, #tpu.memory_space<vmem>>, %arg3: memref<256x512xf32, #tpu.memory_space<vmem>>, %arg4: memref<256x1xf32, #tpu.memory_space<vmem>>, %arg5: memref<8192x256xbf16, #tpu.memory_space<vmem>>, %arg6: memref<8192x1xf32, #tpu.memory_space<vmem>>, %arg7: memref<1x1x256x512xf32, #tpu.memory_space<vmem>>, %arg8: memref<1x1x1x512xi32, #tpu.memory_space<vmem>>, %arg9: memref<1x1x256x512xf32, #tpu.memory_space<vmem>>, %arg10: memref<1x1x1x512xi32, #tpu.memory_space<vmem>>) attributes {dimension_semantics = [#tpu.dimension_semantics<parallel>, #tpu.dimension_semantics<parallel>], iteration_bounds = array<i64: 8, 2>, scalar_prefetch = 0 : i64, scratch_operands = 0 : i64, tpu.core_type = #tpu.core_type<tc>, window_params = [{transform_indices = @transform_0, window_bounds = array<i64: 1, 512, 512>}, {pipeline_mode = #tpu.pipeline_mode<synchronous>, transform_indices = @transform_1, window_bounds = array<i64: 256, 512>}, {pipeline_mode = #tpu.pipeline_mode<synchronous>, transform_indices = @transform_2, window_bounds = array<i64: 256, 1>}, {pipeline_mode = #tpu.pipeline_mode<synchronous>, transform_indices = @transform_3, window_bounds = array<i64: 8192, 256>}, {pipeline_mode = #tpu.pipeline_mode<synchronous>, transform_indices = @transform_4, window_bounds = array<i64: 8192, 1>}, {transform_indices = @transform_5, window_bounds = array<i64: 1, 1, 256, 512>}, {transform_indices = @transform_6, window_bounds = array<i64: 1, 1, 1, 512>}, {transform_indices = @transform_7, window_bounds = array<i64: 1, 1, 256, 512>}, {transform_indices = @transform_8, window_bounds = array<i64: 1, 1, 1, 512>}]} {
    %get3A = arith.constant 0 : index
    %get3A_0 = arith.constant 0 : index
    %get3A_1 = arith.constant 0 : index
    %get3A_2 = vector.load %arg2[%get3A, %get3A_0, %get3A_1] : memref<1x512x512xf32, #tpu.memory_space<vmem>>, vector<1x512x512xf32>
    %get3A_3 = vector.shape_cast %get3A_2 : vector<1x512x512xf32> to vector<512x512xf32>
    %get3A_4 = arith.constant 0 : index
    %get3A_5 = arith.constant 0 : index
    %get3A_6 = vector.load %arg3[%get3A_4, %get3A_5] : memref<256x512xf32, #tpu.memory_space<vmem>>, vector<256x512xf32>
    %convert_element_type3A = arith.truncf %get3A_6 : vector<256x512xf32> to vector<256x512xbf16>
    %convert_element_type3A_7 = arith.truncf %get3A_3 : vector<512x512xf32> to vector<512x512xbf16>
    %dot_general3A = arith.constant dense<0.000000e+00> : vector<256x512xf32>
    %dot_general3A_8 = tpu.matmul %convert_element_type3A, %convert_element_type3A_7, %dot_general3A {dimension_numbers = #tpu.dot_dimension_numbers<[1], [0], [0], [1], [0, 0, 1, 1], [], []>, transpose_lhs_hint = false} : vector<256x512xbf16>, vector<512x512xbf16>, vector<256x512xf32> -> vector<256x512xf32>
    %get3A_9 = arith.constant 0 : index
    %get3A_10 = arith.constant 0 : index
    %get3A_11 = vector.load %arg4[%get3A_9, %get3A_10] : memref<256x1xf32, #tpu.memory_space<vmem>>, vector<256x1xf32>
    %add3A = vector.broadcast %get3A_11 : vector<256x1xf32> to vector<256x512xf32>
    %add3A_12 = arith.addf %dot_general3A_8, %add3A : vector<256x512xf32>
    %swap3A = arith.constant 0 : index
    %swap3A_13 = arith.constant 0 : index
    %swap3A_14 = arith.constant 0 : index
    %swap3A_15 = arith.constant 0 : index
    %swap3A_16 = vector.load %arg9[%swap3A, %swap3A_13, %swap3A_14, %swap3A_15] : memref<1x1x256x512xf32, #tpu.memory_space<vmem>>, vector<1x1x256x512xf32>
    %swap3A_17 = vector.shape_cast %swap3A_16 : vector<1x1x256x512xf32> to vector<256x512xf32>
    %swap3A_18 = vector.shape_cast %add3A_12 : vector<256x512xf32> to vector<1x1x256x512xf32>
    tpu.vector_store %arg9[%swap3A, %swap3A_13, %swap3A_14, %swap3A_15], %swap3A_18 {strides = array<i32>} : memref<1x1x256x512xf32, #tpu.memory_space<vmem>>, vector<1x1x256x512xf32>,
    %mul3A = arith.mulf %add3A_12, %add3A_12 : vector<256x512xf32>
    %reduce_sum3A = arith.constant dense<0.000000e+00> : vector<512xf32>
    %reduce_sum3A_19 = vector.multi_reduction <add>, %mul3A, %reduce_sum3A [0] : vector<256x512xf32> to vector<512xf32>
    %broadcast_in_dim3A = vector.shape_cast %reduce_sum3A_19 : vector<512xf32> to vector<1x512xf32>
    %sqrt3A = math.sqrt %broadcast_in_dim3A : vector<1x512xf32>
    %max3A = arith.constant 9.99999996E-13 : f32
    %max3A_20 = vector.broadcast %max3A : f32 to vector<1x512xf32>
    %max3A_21 = arith.maximumf %sqrt3A, %max3A_20 : vector<1x512xf32>
    %div3A = vector.broadcast %max3A_21 : vector<1x512xf32> to vector<256x512xf32>
    %div3A_22 = arith.divf %add3A_12, %div3A : vector<256x512xf32>
    %mul3A_23 = arith.mulf %div3A_22, %div3A_22 : vector<256x512xf32>
    %reduce_sum3A_24 = arith.constant dense<0.000000e+00> : vector<512xf32>
    %reduce_sum3A_25 = vector.multi_reduction <add>, %mul3A_23, %reduce_sum3A_24 [0] : vector<256x512xf32> to vector<512xf32>
    %broadcast_in_dim3A_26 = vector.shape_cast %reduce_sum3A_25 : vector<512xf32> to vector<1x512xf32>
    %convert_element_type3A_27 = arith.truncf %div3A_22 : vector<256x512xf32> to vector<256x512xbf16>
    %broadcast_in_dim3A_28 = arith.constant 0xFF800000 : f32
    %broadcast_in_dim3A_29 = vector.broadcast %broadcast_in_dim3A_28 : f32 to vector<1x512xf32>
    %broadcast_in_dim3A_30 = arith.constant 0 : i32
    %broadcast_in_dim3A_31 = vector.broadcast %broadcast_in_dim3A_30 : i32 to vector<1x512xi32>
    %scan3A = arith.constant 0 : i32
    %scan3A_32 = arith.constant 4 : i32
    %scan3A_33 = arith.addi %scan3A, %scan3A_32 : i32
    %scan3A_34 = arith.constant 1 : i32
    %scan3A_35:2 = scf.for %scan3A_44 = %scan3A to %scan3A_33 step %scan3A_34 iter_args(%scan3A_45 = %broadcast_in_dim3A_29, %scan3A_46 = %broadcast_in_dim3A_31) -> (vector<1x512xf32>, vector<1x512xi32>)  : i32 {
      %broadcast_in_dim3A_47 = arith.constant 0xFF800000 : f32
      %broadcast_in_dim3A_48 = vector.broadcast %broadcast_in_dim3A_47 : f32 to vector<1x512xf32>
      %broadcast_in_dim3A_49 = arith.constant 0 : i32
      %broadcast_in_dim3A_50 = vector.broadcast %broadcast_in_dim3A_49 : i32 to vector<1x512xi32>
      %scan3A_51 = arith.constant 0 : i32
      %scan3A_52 = arith.constant 4 : i32
      %scan3A_53 = arith.addi %scan3A_51, %scan3A_52 : i32
      %scan3A_54 = arith.constant 1 : i32
      %scan3A_55:2 = scf.for %scan3A_60 = %scan3A_51 to %scan3A_53 step %scan3A_54 iter_args(%scan3A_61 = %broadcast_in_dim3A_48, %scan3A_62 = %broadcast_in_dim3A_50) -> (vector<1x512xf32>, vector<1x512xi32>)  : i32 {
        %mul3A_63 = arith.constant 4 : i32
        %mul3A_64 = arith.muli %scan3A_44, %mul3A_63 : i32
        %add3A_65 = arith.addi %mul3A_64, %scan3A_60 : i32
        %mul3A_66 = arith.constant 512 : i32
        %mul3A_67 = arith.muli %add3A_65, %mul3A_66 : i32
        %multiple_of3A = tpu.assume_multiple %mul3A_67, 512 : i32
        %get3A_68 = arith.index_cast %multiple_of3A : i32 to index
        %get3A_69 = arith.constant 0 : index
        %get3A_70 = vector.load %arg5[%get3A_68, %get3A_69] : memref<8192x256xbf16, #tpu.memory_space<vmem>>, vector<512x256xbf16>
        %get3A_71 = arith.index_cast %multiple_of3A : i32 to index
        %get3A_72 = arith.constant 0 : index
        %get3A_73 = vector.load %arg6[%get3A_71, %get3A_72] : memref<8192x1xf32, #tpu.memory_space<vmem>>, vector<512x1xf32>
        %dot_general3A_74 = arith.constant dense<0.000000e+00> : vector<512x512xf32>
        %dot_general3A_75 = tpu.matmul %get3A_70, %convert_element_type3A_27, %dot_general3A_74 {dimension_numbers = #tpu.dot_dimension_numbers<[1], [0], [0], [1], [0, 0, 1, 1], [], []>, transpose_lhs_hint = false} : vector<512x256xbf16>, vector<256x512xbf16>, vector<512x512xf32> -> vector<512x512xf32>
        %mul3A_76 = arith.constant 2.000000e+00 : f32
        %mul3A_77 = vector.broadcast %mul3A_76 : f32 to vector<512x512xf32>
        %mul3A_78 = arith.mulf %mul3A_77, %dot_general3A_75 : vector<512x512xf32>
        %sub3A = vector.broadcast %broadcast_in_dim3A_26 : vector<1x512xf32> to vector<512x512xf32>
        %sub3A_79 = arith.subf %sub3A, %mul3A_78 : vector<512x512xf32>
        %add3A_80 = vector.broadcast %get3A_73 : vector<512x1xf32> to vector<512x512xf32>
        %add3A_81 = arith.addf %sub3A_79, %add3A_80 : vector<512x512xf32>
        %neg3A = arith.constant 0.000000e+00 : f32
        %neg3A_82 = vector.broadcast %neg3A : f32 to vector<512x512xf32>
        %neg3A_83 = arith.subf %neg3A_82, %add3A_81 : vector<512x512xf32>
        %reduce_max3A = arith.constant dense<0xFF800000> : vector<512xf32>
        %reduce_max3A_84 = vector.multi_reduction <maximumf>, %neg3A_83, %reduce_max3A [0] : vector<512x512xf32> to vector<512xf32>
        %broadcast_in_dim3A_85 = vector.shape_cast %reduce_max3A_84 : vector<512xf32> to vector<1x512xf32>
        %iota3A = tpu.iota {dimensions = array<i32: 0>} : vector<512x512xi32>
        %mul3A_86 = arith.constant 512 : i32
        %mul3A_87 = arith.muli %add3A_65, %mul3A_86 : i32
        %add3A_88 = vector.broadcast %mul3A_87 : i32 to vector<512x512xi32>
        %add3A_89 = arith.addi %iota3A, %add3A_88 : vector<512x512xi32>
        %eq3A = vector.broadcast %broadcast_in_dim3A_85 : vector<1x512xf32> to vector<512x512xf32>
        %eq3A_90 = arith.cmpf oeq, %neg3A_83, %eq3A : vector<512x512xf32>
        %jit3A = arith.constant 8192 : i32
        %broadcast_in_dim3A_91 = vector.broadcast %jit3A : i32 to vector<512x512xi32>
        %select_n3A_92 = arith.select %eq3A_90, %add3A_89, %broadcast_in_dim3A_91 : vector<512x512xi1>, vector<512x512xi32>
        %reduce_min3A = arith.constant dense<2147483647> : vector<512xi32>
        %reduce_min3A_93 = vector.multi_reduction <minsi>, %select_n3A_92, %reduce_min3A [0] : vector<512x512xi32> to vector<512xi32>
        %broadcast_in_dim3A_94 = vector.shape_cast %reduce_min3A_93 : vector<512xi32> to vector<1x512xi32>
        %gt3A_95 = arith.cmpf ogt, %broadcast_in_dim3A_85, %scan3A_61 : vector<1x512xf32>
        %select_n3A_96 = arith.select %gt3A_95, %broadcast_in_dim3A_85, %scan3A_61 : vector<1x512xi1>, vector<1x512xf32>
        %select_n3A_97 = arith.select %gt3A_95, %broadcast_in_dim3A_94, %scan3A_62 : vector<1x512xi1>, vector<1x512xi32>
        scf.yield %select_n3A_96, %select_n3A_97 : vector<1x512xf32>, vector<1x512xi32>
      }
      %scan3A_56 = arith.constant 4 : i32
      %gt3A = arith.cmpf ogt, %scan3A_55#0, %scan3A_45 : vector<1x512xf32>
      %select_n3A = arith.select %gt3A, %scan3A_55#0, %scan3A_45 : vector<1x512xi1>, vector<1x512xf32>
      %convert_element_type3A_57 = arith.truncf %select_n3A : vector<1x512xf32> to vector<1x512xbf16>
      %convert_element_type3A_58 = arith.extf %convert_element_type3A_57 : vector<1x512xbf16> to vector<1x512xf32>
      %select_n3A_59 = arith.select %gt3A, %scan3A_55#1, %scan3A_46 : vector<1x512xi1>, vector<1x512xi32>
      scf.yield %convert_element_type3A_58, %select_n3A_59 : vector<1x512xf32>, vector<1x512xi32>
    }
    %scan3A_36 = arith.constant 4 : i32
    %swap3A_37 = arith.constant 0 : index
    %swap3A_38 = arith.constant 0 : index
    %swap3A_39 = arith.constant 0 : index
    %swap3A_40 = arith.constant 0 : index
    %swap3A_41 = vector.load %arg10[%swap3A_37, %swap3A_38, %swap3A_39, %swap3A_40] : memref<1x1x1x512xi32, #tpu.memory_space<vmem>>, vector<1x1x1x512xi32>
    %swap3A_42 = vector.shape_cast %swap3A_41 : vector<1x1x1x512xi32> to vector<1x512xi32>
    %swap3A_43 = vector.shape_cast %scan3A_35#1 : vector<1x512xi32> to vector<1x1x1x512xi32>
    tpu.vector_store %arg10[%swap3A_37, %swap3A_38, %swap3A_39, %swap3A_40], %swap3A_43 {strides = array<i32>} : memref<1x1x1x512xi32, #tpu.memory_space<vmem>>, vector<1x1x1x512xi32>,
    return
  }
  func.func @transform_0(%arg0: i32, %arg1: i32) -> (i32, i32, i32) {
    %c0_i32 = arith.constant 0 : i32
    %c0_i32_0 = arith.constant 0 : i32
    return %arg0, %c0_i32, %arg1 : i32, i32, i32
  }
  func.func @transform_1(%arg0: i32, %arg1: i32) -> (i32, i32) {
    %c0_i32 = arith.constant 0 : i32
    %c0_i32_0 = arith.constant 0 : i32
    %c0_i32_1 = arith.constant 0 : i32
    return %c0_i32, %c0_i32_0 : i32, i32
  }
  func.func @transform_2(%arg0: i32, %arg1: i32) -> (i32, i32) {
    %c0_i32 = arith.constant 0 : i32
    %c0_i32_0 = arith.constant 0 : i32
    %c0_i32_1 = arith.constant 0 : i32
    return %c0_i32, %c0_i32_0 : i32, i32
  }
  func.func @transform_3(%arg0: i32, %arg1: i32) -> (i32, i32) {
    %c0_i32 = arith.constant 0 : i32
    %c0_i32_0 = arith.constant 0 : i32
    %c0_i32_1 = arith.constant 0 : i32
    return %c0_i32, %c0_i32_0 : i32, i32
  }
  func.func @transform_4(%arg0: i32, %arg1: i32) -> (i32, i32) {
    %c0_i32 = arith.constant 0 : i32
    %c0_i32_0 = arith.constant 0 : i32
    %c0_i32_1 = arith.constant 0 : i32
    return %c0_i32, %c0_i32_0 : i32, i32
  }
  func.func @transform_5(%arg0: i32, %arg1: i32) -> (i32, i32, i32, i32) {
    %c1_i32 = arith.constant 1 : i32
    %c0_i32 = arith.constant 0 : i32
    %c0_i32_0 = arith.constant 0 : i32
    return %arg0, %c1_i32, %c0_i32, %arg1 : i32, i32, i32, i32
  }
  func.func @transform_6(%arg0: i32, %arg1: i32) -> (i32, i32, i32, i32) {
    %c1_i32 = arith.constant 1 : i32
    %c0_i32 = arith.constant 0 : i32
    %c0_i32_0 = arith.constant 0 : i32
    return %arg0, %c1_i32, %c0_i32, %arg1 : i32, i32, i32, i32
  }
  func.func @transform_7(%arg0: i32, %arg1: i32) -> (i32, i32, i32, i32) {
    %c1_i32 = arith.constant 1 : i32
    %c0_i32 = arith.constant 0 : i32
    %c0_i32_0 = arith.constant 0 : i32
    return %arg0, %c1_i32, %c0_i32, %arg1 : i32, i32, i32, i32
  }
  func.func @transform_8(%arg0: i32, %arg1: i32) -> (i32, i32, i32, i32) {
    %c1_i32 = arith.constant 1 : i32
    %c0_i32 = arith.constant 0 : i32
    %c0_i32_0 = arith.constant 0 : i32
    return %arg0, %c1_i32, %c0_i32, %arg1 : i32, i32, i32, i32
  }
}

module attributes {stable_mosaic.version = 14 : i64} {
  func.func @_decode_body(%arg0: i32, %arg1: i32, %arg2: memref<1x512x256xf32, #tpu.memory_space<vmem>>, %arg3: memref<512x256xf32, #tpu.memory_space<vmem>>, %arg4: memref<512x1xf32, #tpu.memory_space<vmem>>, %arg5: memref<1x512x512xf32, #tpu.memory_space<vmem>>, %arg6: memref<1x1x256x512xf32, #tpu.memory_space<vmem>>, %arg7: memref<1x1x256x512xf32, #tpu.memory_space<vmem>>, %arg8: memref<1x1x512x512xf32, #tpu.memory_space<vmem>>, %arg9: memref<1x1x256x512xf32, #tpu.memory_space<vmem>>, %arg10: memref<1x1x512x512xf32, #tpu.memory_space<vmem>>, %arg11: memref<1x512x512xf32, #tpu.memory_space<vmem>>) attributes {dimension_semantics = [#tpu.dimension_semantics<parallel>, #tpu.dimension_semantics<parallel>], iteration_bounds = array<i64: 8, 2>, scalar_prefetch = 0 : i64, scratch_operands = 0 : i64, tpu.core_type = #tpu.core_type<tc>, window_params = [{transform_indices = @transform_0, window_bounds = array<i64: 1, 512, 256>}, {pipeline_mode = #tpu.pipeline_mode<synchronous>, transform_indices = @transform_1, window_bounds = array<i64: 512, 256>}, {pipeline_mode = #tpu.pipeline_mode<synchronous>, transform_indices = @transform_2, window_bounds = array<i64: 512, 1>}, {transform_indices = @transform_3, window_bounds = array<i64: 1, 512, 512>}, {transform_indices = @transform_4, window_bounds = array<i64: 1, 1, 256, 512>}, {transform_indices = @transform_5, window_bounds = array<i64: 1, 1, 256, 512>}, {transform_indices = @transform_6, window_bounds = array<i64: 1, 1, 512, 512>}, {transform_indices = @transform_7, window_bounds = array<i64: 1, 1, 256, 512>}, {transform_indices = @transform_8, window_bounds = array<i64: 1, 1, 512, 512>}, {transform_indices = @transform_9, window_bounds = array<i64: 1, 512, 512>}]} {
    %get3A = arith.constant 0 : index
    %get3A_0 = arith.constant 0 : index
    %get3A_1 = arith.constant 0 : index
    %get3A_2 = arith.constant 0 : index
    %get3A_3 = vector.load %arg6[%get3A, %get3A_0, %get3A_1, %get3A_2] : memref<1x1x256x512xf32, #tpu.memory_space<vmem>>, vector<1x1x256x512xf32>
    %get3A_4 = vector.shape_cast %get3A_3 : vector<1x1x256x512xf32> to vector<256x512xf32>
    %get3A_5 = arith.constant 0 : index
    %get3A_6 = arith.constant 0 : index
    %get3A_7 = arith.constant 0 : index
    %get3A_8 = vector.load %arg2[%get3A_5, %get3A_6, %get3A_7] : memref<1x512x256xf32, #tpu.memory_space<vmem>>, vector<1x512x256xf32>
    %get3A_9 = vector.shape_cast %get3A_8 : vector<1x512x256xf32> to vector<512x256xf32>
    %transpose3A = tpu.transpose %get3A_9, [1, 0] : vector<512x256xf32> -> vector<256x512xf32>
    %sub3A = arith.subf %transpose3A, %get3A_4 : vector<256x512xf32>
    %add3A = arith.addf %get3A_4, %sub3A : vector<256x512xf32>
    %swap3A = arith.constant 0 : index
    %swap3A_10 = arith.constant 0 : index
    %swap3A_11 = arith.constant 0 : index
    %swap3A_12 = arith.constant 0 : index
    %swap3A_13 = vector.load %arg9[%swap3A, %swap3A_10, %swap3A_11, %swap3A_12] : memref<1x1x256x512xf32, #tpu.memory_space<vmem>>, vector<1x1x256x512xf32>
    %swap3A_14 = vector.shape_cast %swap3A_13 : vector<1x1x256x512xf32> to vector<256x512xf32>
    %swap3A_15 = vector.shape_cast %add3A : vector<256x512xf32> to vector<1x1x256x512xf32>
    tpu.vector_store %arg9[%swap3A, %swap3A_10, %swap3A_11, %swap3A_12], %swap3A_15 {strides = array<i32>} : memref<1x1x256x512xf32, #tpu.memory_space<vmem>>, vector<1x1x256x512xf32>,
    %get3A_16 = arith.constant 0 : index
    %get3A_17 = arith.constant 0 : index
    %get3A_18 = vector.load %arg3[%get3A_16, %get3A_17] : memref<512x256xf32, #tpu.memory_space<vmem>>, vector<512x256xf32>
    %convert_element_type3A = arith.truncf %get3A_18 : vector<512x256xf32> to vector<512x256xbf16>
    %convert_element_type3A_19 = arith.truncf %add3A : vector<256x512xf32> to vector<256x512xbf16>
    %dot_general3A = arith.constant dense<0.000000e+00> : vector<512x512xf32>
    %dot_general3A_20 = tpu.matmul %convert_element_type3A, %convert_element_type3A_19, %dot_general3A {dimension_numbers = #tpu.dot_dimension_numbers<[1], [0], [0], [1], [0, 0, 1, 1], [], []>, transpose_lhs_hint = false} : vector<512x256xbf16>, vector<256x512xbf16>, vector<512x512xf32> -> vector<512x512xf32>
    %get3A_21 = arith.constant 0 : index
    %get3A_22 = arith.constant 0 : index
    %get3A_23 = vector.load %arg4[%get3A_21, %get3A_22] : memref<512x1xf32, #tpu.memory_space<vmem>>, vector<512x1xf32>
    %add3A_24 = vector.broadcast %get3A_23 : vector<512x1xf32> to vector<512x512xf32>
    %add3A_25 = arith.addf %dot_general3A_20, %add3A_24 : vector<512x512xf32>
    %swap3A_26 = arith.constant 0 : index
    %swap3A_27 = arith.constant 0 : index
    %swap3A_28 = arith.constant 0 : index
    %swap3A_29 = arith.constant 0 : index
    %swap3A_30 = vector.load %arg10[%swap3A_26, %swap3A_27, %swap3A_28, %swap3A_29] : memref<1x1x512x512xf32, #tpu.memory_space<vmem>>, vector<1x1x512x512xf32>
    %swap3A_31 = vector.shape_cast %swap3A_30 : vector<1x1x512x512xf32> to vector<512x512xf32>
    %swap3A_32 = vector.shape_cast %add3A_25 : vector<512x512xf32> to vector<1x1x512x512xf32>
    tpu.vector_store %arg10[%swap3A_26, %swap3A_27, %swap3A_28, %swap3A_29], %swap3A_32 {strides = array<i32>} : memref<1x1x512x512xf32, #tpu.memory_space<vmem>>, vector<1x1x512x512xf32>,
    %get3A_33 = arith.constant 0 : index
    %get3A_34 = arith.constant 0 : index
    %get3A_35 = arith.constant 0 : index
    %get3A_36 = vector.load %arg5[%get3A_33, %get3A_34, %get3A_35] : memref<1x512x512xf32, #tpu.memory_space<vmem>>, vector<1x512x512xf32>
    %get3A_37 = vector.shape_cast %get3A_36 : vector<1x512x512xf32> to vector<512x512xf32>
    %sub3A_38 = arith.subf %get3A_37, %add3A_25 : vector<512x512xf32>
    %swap3A_39 = arith.constant 0 : index
    %swap3A_40 = arith.constant 0 : index
    %swap3A_41 = arith.constant 0 : index
    %swap3A_42 = vector.load %arg11[%swap3A_39, %swap3A_40, %swap3A_41] : memref<1x512x512xf32, #tpu.memory_space<vmem>>, vector<1x512x512xf32>
    %swap3A_43 = vector.shape_cast %swap3A_42 : vector<1x512x512xf32> to vector<512x512xf32>
    %swap3A_44 = vector.shape_cast %sub3A_38 : vector<512x512xf32> to vector<1x512x512xf32>
    tpu.vector_store %arg11[%swap3A_39, %swap3A_40, %swap3A_41], %swap3A_44 {strides = array<i32>} : memref<1x512x512xf32, #tpu.memory_space<vmem>>, vector<1x512x512xf32>,
    return
  }
  func.func @transform_0(%arg0: i32, %arg1: i32) -> (i32, i32, i32) {
    %c0_i32 = arith.constant 0 : i32
    %c0_i32_0 = arith.constant 0 : i32
    return %arg0, %arg1, %c0_i32 : i32, i32, i32
  }
  func.func @transform_1(%arg0: i32, %arg1: i32) -> (i32, i32) {
    %c0_i32 = arith.constant 0 : i32
    %c0_i32_0 = arith.constant 0 : i32
    %c0_i32_1 = arith.constant 0 : i32
    return %c0_i32, %c0_i32_0 : i32, i32
  }
  func.func @transform_2(%arg0: i32, %arg1: i32) -> (i32, i32) {
    %c0_i32 = arith.constant 0 : i32
    %c0_i32_0 = arith.constant 0 : i32
    %c0_i32_1 = arith.constant 0 : i32
    return %c0_i32, %c0_i32_0 : i32, i32
  }
  func.func @transform_3(%arg0: i32, %arg1: i32) -> (i32, i32, i32) {
    %c0_i32 = arith.constant 0 : i32
    %c0_i32_0 = arith.constant 0 : i32
    return %arg0, %c0_i32, %arg1 : i32, i32, i32
  }
  func.func @transform_4(%arg0: i32, %arg1: i32) -> (i32, i32, i32, i32) {
    %c1_i32 = arith.constant 1 : i32
    %c0_i32 = arith.constant 0 : i32
    %c0_i32_0 = arith.constant 0 : i32
    return %arg0, %c1_i32, %c0_i32, %arg1 : i32, i32, i32, i32
  }
  func.func @transform_5(%arg0: i32, %arg1: i32) -> (i32, i32, i32, i32) {
    %c1_i32 = arith.constant 1 : i32
    %c0_i32 = arith.constant 0 : i32
    %c0_i32_0 = arith.constant 0 : i32
    return %arg0, %c1_i32, %c0_i32, %arg1 : i32, i32, i32, i32
  }
  func.func @transform_6(%arg0: i32, %arg1: i32) -> (i32, i32, i32, i32) {
    %c1_i32 = arith.constant 1 : i32
    %c0_i32 = arith.constant 0 : i32
    %c0_i32_0 = arith.constant 0 : i32
    return %arg0, %c1_i32, %c0_i32, %arg1 : i32, i32, i32, i32
  }
  func.func @transform_7(%arg0: i32, %arg1: i32) -> (i32, i32, i32, i32) {
    %c1_i32 = arith.constant 1 : i32
    %c0_i32 = arith.constant 0 : i32
    %c0_i32_0 = arith.constant 0 : i32
    return %arg0, %c1_i32, %c0_i32, %arg1 : i32, i32, i32, i32
  }
  func.func @transform_8(%arg0: i32, %arg1: i32) -> (i32, i32, i32, i32) {
    %c1_i32 = arith.constant 1 : i32
    %c0_i32 = arith.constant 0 : i32
    %c0_i32_0 = arith.constant 0 : i32
    return %arg0, %c1_i32, %c0_i32, %arg1 : i32, i32, i32, i32
  }
  func.func @transform_9(%arg0: i32, %arg1: i32) -> (i32, i32, i32) {
    %c0_i32 = arith.constant 0 : i32
    %c0_i32_0 = arith.constant 0 : i32
    return %arg0, %c0_i32, %arg1 : i32, i32, i32
  }
}

module attributes {stable_mosaic.version = 14 : i64} {
  func.func @_encode_body(%arg0: i32, %arg1: i32, %arg2: memref<1x512x512xf32, #tpu.memory_space<vmem>>, %arg3: memref<256x512xf32, #tpu.memory_space<vmem>>, %arg4: memref<256x1xf32, #tpu.memory_space<vmem>>, %arg5: memref<8192x256xbf16, #tpu.memory_space<vmem>>, %arg6: memref<8192x1xf32, #tpu.memory_space<vmem>>, %arg7: memref<1x1x256x512xf32, #tpu.memory_space<vmem>>, %arg8: memref<1x1x1x512xi32, #tpu.memory_space<vmem>>, %arg9: memref<1x1x256x512xf32, #tpu.memory_space<vmem>>, %arg10: memref<1x1x1x512xi32, #tpu.memory_space<vmem>>) attributes {dimension_semantics = [#tpu.dimension_semantics<parallel>, #tpu.dimension_semantics<parallel>], iteration_bounds = array<i64: 8, 2>, scalar_prefetch = 0 : i64, scratch_operands = 0 : i64, tpu.core_type = #tpu.core_type<tc>, window_params = [{transform_indices = @transform_0, window_bounds = array<i64: 1, 512, 512>}, {pipeline_mode = #tpu.pipeline_mode<synchronous>, transform_indices = @transform_1, window_bounds = array<i64: 256, 512>}, {pipeline_mode = #tpu.pipeline_mode<synchronous>, transform_indices = @transform_2, window_bounds = array<i64: 256, 1>}, {pipeline_mode = #tpu.pipeline_mode<synchronous>, transform_indices = @transform_3, window_bounds = array<i64: 8192, 256>}, {pipeline_mode = #tpu.pipeline_mode<synchronous>, transform_indices = @transform_4, window_bounds = array<i64: 8192, 1>}, {transform_indices = @transform_5, window_bounds = array<i64: 1, 1, 256, 512>}, {transform_indices = @transform_6, window_bounds = array<i64: 1, 1, 1, 512>}, {transform_indices = @transform_7, window_bounds = array<i64: 1, 1, 256, 512>}, {transform_indices = @transform_8, window_bounds = array<i64: 1, 1, 1, 512>}]} {
    %get3A = arith.constant 0 : index
    %get3A_0 = arith.constant 0 : index
    %get3A_1 = arith.constant 0 : index
    %get3A_2 = vector.load %arg2[%get3A, %get3A_0, %get3A_1] : memref<1x512x512xf32, #tpu.memory_space<vmem>>, vector<1x512x512xf32>
    %get3A_3 = vector.shape_cast %get3A_2 : vector<1x512x512xf32> to vector<512x512xf32>
    %get3A_4 = arith.constant 0 : index
    %get3A_5 = arith.constant 0 : index
    %get3A_6 = vector.load %arg3[%get3A_4, %get3A_5] : memref<256x512xf32, #tpu.memory_space<vmem>>, vector<256x512xf32>
    %convert_element_type3A = arith.truncf %get3A_6 : vector<256x512xf32> to vector<256x512xbf16>
    %convert_element_type3A_7 = arith.truncf %get3A_3 : vector<512x512xf32> to vector<512x512xbf16>
    %dot_general3A = arith.constant dense<0.000000e+00> : vector<256x512xf32>
    %dot_general3A_8 = tpu.matmul %convert_element_type3A, %convert_element_type3A_7, %dot_general3A {dimension_numbers = #tpu.dot_dimension_numbers<[1], [0], [0], [1], [0, 0, 1, 1], [], []>, transpose_lhs_hint = false} : vector<256x512xbf16>, vector<512x512xbf16>, vector<256x512xf32> -> vector<256x512xf32>
    %get3A_9 = arith.constant 0 : index
    %get3A_10 = arith.constant 0 : index
    %get3A_11 = vector.load %arg4[%get3A_9, %get3A_10] : memref<256x1xf32, #tpu.memory_space<vmem>>, vector<256x1xf32>
    %add3A = vector.broadcast %get3A_11 : vector<256x1xf32> to vector<256x512xf32>
    %add3A_12 = arith.addf %dot_general3A_8, %add3A : vector<256x512xf32>
    %swap3A = arith.constant 0 : index
    %swap3A_13 = arith.constant 0 : index
    %swap3A_14 = arith.constant 0 : index
    %swap3A_15 = arith.constant 0 : index
    %swap3A_16 = vector.load %arg9[%swap3A, %swap3A_13, %swap3A_14, %swap3A_15] : memref<1x1x256x512xf32, #tpu.memory_space<vmem>>, vector<1x1x256x512xf32>
    %swap3A_17 = vector.shape_cast %swap3A_16 : vector<1x1x256x512xf32> to vector<256x512xf32>
    %swap3A_18 = vector.shape_cast %add3A_12 : vector<256x512xf32> to vector<1x1x256x512xf32>
    tpu.vector_store %arg9[%swap3A, %swap3A_13, %swap3A_14, %swap3A_15], %swap3A_18 {strides = array<i32>} : memref<1x1x256x512xf32, #tpu.memory_space<vmem>>, vector<1x1x256x512xf32>,
    %mul3A = arith.mulf %add3A_12, %add3A_12 : vector<256x512xf32>
    %reduce_sum3A = arith.constant dense<0.000000e+00> : vector<512xf32>
    %reduce_sum3A_19 = vector.multi_reduction <add>, %mul3A, %reduce_sum3A [0] : vector<256x512xf32> to vector<512xf32>
    %broadcast_in_dim3A = vector.shape_cast %reduce_sum3A_19 : vector<512xf32> to vector<1x512xf32>
    %sqrt3A = math.sqrt %broadcast_in_dim3A : vector<1x512xf32>
    %max3A = arith.constant 9.99999996E-13 : f32
    %max3A_20 = vector.broadcast %max3A : f32 to vector<1x512xf32>
    %max3A_21 = arith.maximumf %sqrt3A, %max3A_20 : vector<1x512xf32>
    %div3A = vector.broadcast %max3A_21 : vector<1x512xf32> to vector<256x512xf32>
    %div3A_22 = arith.divf %add3A_12, %div3A : vector<256x512xf32>
    %mul3A_23 = arith.mulf %div3A_22, %div3A_22 : vector<256x512xf32>
    %reduce_sum3A_24 = arith.constant dense<0.000000e+00> : vector<512xf32>
    %reduce_sum3A_25 = vector.multi_reduction <add>, %mul3A_23, %reduce_sum3A_24 [0] : vector<256x512xf32> to vector<512xf32>
    %broadcast_in_dim3A_26 = vector.shape_cast %reduce_sum3A_25 : vector<512xf32> to vector<1x512xf32>
    %convert_element_type3A_27 = arith.truncf %div3A_22 : vector<256x512xf32> to vector<256x512xbf16>
    %broadcast_in_dim3A_28 = arith.constant 0xFF800000 : f32
    %broadcast_in_dim3A_29 = vector.broadcast %broadcast_in_dim3A_28 : f32 to vector<1x512xf32>
    %broadcast_in_dim3A_30 = arith.constant 0 : i32
    %broadcast_in_dim3A_31 = vector.broadcast %broadcast_in_dim3A_30 : i32 to vector<1x512xi32>
    %scan3A = arith.constant 0 : i32
    %scan3A_32 = arith.constant 4 : i32
    %scan3A_33 = arith.addi %scan3A, %scan3A_32 : i32
    %scan3A_34 = arith.constant 1 : i32
    %scan3A_35:2 = scf.for %scan3A_44 = %scan3A to %scan3A_33 step %scan3A_34 iter_args(%scan3A_45 = %broadcast_in_dim3A_29, %scan3A_46 = %broadcast_in_dim3A_31) -> (vector<1x512xf32>, vector<1x512xi32>)  : i32 {
      %broadcast_in_dim3A_47 = arith.constant 0xFF800000 : f32
      %broadcast_in_dim3A_48 = vector.broadcast %broadcast_in_dim3A_47 : f32 to vector<1x512xf32>
      %broadcast_in_dim3A_49 = arith.constant 0 : i32
      %broadcast_in_dim3A_50 = vector.broadcast %broadcast_in_dim3A_49 : i32 to vector<1x512xi32>
      %scan3A_51 = arith.constant 0 : i32
      %scan3A_52 = arith.constant 4 : i32
      %scan3A_53 = arith.addi %scan3A_51, %scan3A_52 : i32
      %scan3A_54 = arith.constant 1 : i32
      %scan3A_55:2 = scf.for %scan3A_60 = %scan3A_51 to %scan3A_53 step %scan3A_54 iter_args(%scan3A_61 = %broadcast_in_dim3A_48, %scan3A_62 = %broadcast_in_dim3A_50) -> (vector<1x512xf32>, vector<1x512xi32>)  : i32 {
        %mul3A_63 = arith.constant 4 : i32
        %mul3A_64 = arith.muli %scan3A_44, %mul3A_63 : i32
        %add3A_65 = arith.addi %mul3A_64, %scan3A_60 : i32
        %mul3A_66 = arith.constant 512 : i32
        %mul3A_67 = arith.muli %add3A_65, %mul3A_66 : i32
        %multiple_of3A = tpu.assume_multiple %mul3A_67, 512 : i32
        %get3A_68 = arith.index_cast %multiple_of3A : i32 to index
        %get3A_69 = arith.constant 0 : index
        %get3A_70 = vector.load %arg5[%get3A_68, %get3A_69] : memref<8192x256xbf16, #tpu.memory_space<vmem>>, vector<512x256xbf16>
        %get3A_71 = arith.index_cast %multiple_of3A : i32 to index
        %get3A_72 = arith.constant 0 : index
        %get3A_73 = vector.load %arg6[%get3A_71, %get3A_72] : memref<8192x1xf32, #tpu.memory_space<vmem>>, vector<512x1xf32>
        %dot_general3A_74 = arith.constant dense<0.000000e+00> : vector<512x512xf32>
        %dot_general3A_75 = tpu.matmul %get3A_70, %convert_element_type3A_27, %dot_general3A_74 {dimension_numbers = #tpu.dot_dimension_numbers<[1], [0], [0], [1], [0, 0, 1, 1], [], []>, transpose_lhs_hint = false} : vector<512x256xbf16>, vector<256x512xbf16>, vector<512x512xf32> -> vector<512x512xf32>
        %mul3A_76 = arith.constant 2.000000e+00 : f32
        %mul3A_77 = vector.broadcast %mul3A_76 : f32 to vector<512x512xf32>
        %mul3A_78 = arith.mulf %mul3A_77, %dot_general3A_75 : vector<512x512xf32>
        %sub3A = vector.broadcast %broadcast_in_dim3A_26 : vector<1x512xf32> to vector<512x512xf32>
        %sub3A_79 = arith.subf %sub3A, %mul3A_78 : vector<512x512xf32>
        %add3A_80 = vector.broadcast %get3A_73 : vector<512x1xf32> to vector<512x512xf32>
        %add3A_81 = arith.addf %sub3A_79, %add3A_80 : vector<512x512xf32>
        %neg3A = arith.constant 0.000000e+00 : f32
        %neg3A_82 = vector.broadcast %neg3A : f32 to vector<512x512xf32>
        %neg3A_83 = arith.subf %neg3A_82, %add3A_81 : vector<512x512xf32>
        %reduce_max3A = arith.constant dense<0xFF800000> : vector<512xf32>
        %reduce_max3A_84 = vector.multi_reduction <maximumf>, %neg3A_83, %reduce_max3A [0] : vector<512x512xf32> to vector<512xf32>
        %broadcast_in_dim3A_85 = vector.shape_cast %reduce_max3A_84 : vector<512xf32> to vector<1x512xf32>
        %iota3A = tpu.iota {dimensions = array<i32: 0>} : vector<512x512xi32>
        %mul3A_86 = arith.constant 512 : i32
        %mul3A_87 = arith.muli %add3A_65, %mul3A_86 : i32
        %add3A_88 = vector.broadcast %mul3A_87 : i32 to vector<512x512xi32>
        %add3A_89 = arith.addi %iota3A, %add3A_88 : vector<512x512xi32>
        %eq3A = vector.broadcast %broadcast_in_dim3A_85 : vector<1x512xf32> to vector<512x512xf32>
        %eq3A_90 = arith.cmpf oeq, %neg3A_83, %eq3A : vector<512x512xf32>
        %jit3A = arith.constant 8192 : i32
        %broadcast_in_dim3A_91 = vector.broadcast %jit3A : i32 to vector<512x512xi32>
        %select_n3A_92 = arith.select %eq3A_90, %add3A_89, %broadcast_in_dim3A_91 : vector<512x512xi1>, vector<512x512xi32>
        %reduce_min3A = arith.constant dense<2147483647> : vector<512xi32>
        %reduce_min3A_93 = vector.multi_reduction <minsi>, %select_n3A_92, %reduce_min3A [0] : vector<512x512xi32> to vector<512xi32>
        %broadcast_in_dim3A_94 = vector.shape_cast %reduce_min3A_93 : vector<512xi32> to vector<1x512xi32>
        %gt3A_95 = arith.cmpf ogt, %broadcast_in_dim3A_85, %scan3A_61 : vector<1x512xf32>
        %select_n3A_96 = arith.select %gt3A_95, %broadcast_in_dim3A_85, %scan3A_61 : vector<1x512xi1>, vector<1x512xf32>
        %select_n3A_97 = arith.select %gt3A_95, %broadcast_in_dim3A_94, %scan3A_62 : vector<1x512xi1>, vector<1x512xi32>
        scf.yield %select_n3A_96, %select_n3A_97 : vector<1x512xf32>, vector<1x512xi32>
      }
      %scan3A_56 = arith.constant 4 : i32
      %gt3A = arith.cmpf ogt, %scan3A_55#0, %scan3A_45 : vector<1x512xf32>
      %select_n3A = arith.select %gt3A, %scan3A_55#0, %scan3A_45 : vector<1x512xi1>, vector<1x512xf32>
      %convert_element_type3A_57 = arith.truncf %select_n3A : vector<1x512xf32> to vector<1x512xbf16>
      %convert_element_type3A_58 = arith.extf %convert_element_type3A_57 : vector<1x512xbf16> to vector<1x512xf32>
      %select_n3A_59 = arith.select %gt3A, %scan3A_55#1, %scan3A_46 : vector<1x512xi1>, vector<1x512xi32>
      scf.yield %convert_element_type3A_58, %select_n3A_59 : vector<1x512xf32>, vector<1x512xi32>
    }
    %scan3A_36 = arith.constant 4 : i32
    %swap3A_37 = arith.constant 0 : index
    %swap3A_38 = arith.constant 0 : index
    %swap3A_39 = arith.constant 0 : index
    %swap3A_40 = arith.constant 0 : index
    %swap3A_41 = vector.load %arg10[%swap3A_37, %swap3A_38, %swap3A_39, %swap3A_40] : memref<1x1x1x512xi32, #tpu.memory_space<vmem>>, vector<1x1x1x512xi32>
    %swap3A_42 = vector.shape_cast %swap3A_41 : vector<1x1x1x512xi32> to vector<1x512xi32>
    %swap3A_43 = vector.shape_cast %scan3A_35#1 : vector<1x512xi32> to vector<1x1x1x512xi32>
    tpu.vector_store %arg10[%swap3A_37, %swap3A_38, %swap3A_39, %swap3A_40], %swap3A_43 {strides = array<i32>} : memref<1x1x1x512xi32, #tpu.memory_space<vmem>>, vector<1x1x1x512xi32>,
    return
  }
  func.func @transform_0(%arg0: i32, %arg1: i32) -> (i32, i32, i32) {
    %c0_i32 = arith.constant 0 : i32
    %c0_i32_0 = arith.constant 0 : i32
    return %arg0, %c0_i32, %arg1 : i32, i32, i32
  }
  func.func @transform_1(%arg0: i32, %arg1: i32) -> (i32, i32) {
    %c0_i32 = arith.constant 0 : i32
    %c0_i32_0 = arith.constant 0 : i32
    %c0_i32_1 = arith.constant 0 : i32
    return %c0_i32, %c0_i32_0 : i32, i32
  }
  func.func @transform_2(%arg0: i32, %arg1: i32) -> (i32, i32) {
    %c0_i32 = arith.constant 0 : i32
    %c0_i32_0 = arith.constant 0 : i32
    %c0_i32_1 = arith.constant 0 : i32
    return %c0_i32, %c0_i32_0 : i32, i32
  }
  func.func @transform_3(%arg0: i32, %arg1: i32) -> (i32, i32) {
    %c0_i32 = arith.constant 0 : i32
    %c0_i32_0 = arith.constant 0 : i32
    %c0_i32_1 = arith.constant 0 : i32
    return %c0_i32, %c0_i32_0 : i32, i32
  }
  func.func @transform_4(%arg0: i32, %arg1: i32) -> (i32, i32) {
    %c0_i32 = arith.constant 0 : i32
    %c0_i32_0 = arith.constant 0 : i32
    %c0_i32_1 = arith.constant 0 : i32
    return %c0_i32, %c0_i32_0 : i32, i32
  }
  func.func @transform_5(%arg0: i32, %arg1: i32) -> (i32, i32, i32, i32) {
    %c2_i32 = arith.constant 2 : i32
    %c0_i32 = arith.constant 0 : i32
    %c0_i32_0 = arith.constant 0 : i32
    return %arg0, %c2_i32, %c0_i32, %arg1 : i32, i32, i32, i32
  }
  func.func @transform_6(%arg0: i32, %arg1: i32) -> (i32, i32, i32, i32) {
    %c2_i32 = arith.constant 2 : i32
    %c0_i32 = arith.constant 0 : i32
    %c0_i32_0 = arith.constant 0 : i32
    return %arg0, %c2_i32, %c0_i32, %arg1 : i32, i32, i32, i32
  }
  func.func @transform_7(%arg0: i32, %arg1: i32) -> (i32, i32, i32, i32) {
    %c2_i32 = arith.constant 2 : i32
    %c0_i32 = arith.constant 0 : i32
    %c0_i32_0 = arith.constant 0 : i32
    return %arg0, %c2_i32, %c0_i32, %arg1 : i32, i32, i32, i32
  }
  func.func @transform_8(%arg0: i32, %arg1: i32) -> (i32, i32, i32, i32) {
    %c2_i32 = arith.constant 2 : i32
    %c0_i32 = arith.constant 0 : i32
    %c0_i32_0 = arith.constant 0 : i32
    return %arg0, %c2_i32, %c0_i32, %arg1 : i32, i32, i32, i32
  }
}

module attributes {stable_mosaic.version = 14 : i64} {
  func.func @_decode_body(%arg0: i32, %arg1: i32, %arg2: memref<1x512x256xf32, #tpu.memory_space<vmem>>, %arg3: memref<512x256xf32, #tpu.memory_space<vmem>>, %arg4: memref<512x1xf32, #tpu.memory_space<vmem>>, %arg5: memref<1x512x512xf32, #tpu.memory_space<vmem>>, %arg6: memref<1x1x256x512xf32, #tpu.memory_space<vmem>>, %arg7: memref<1x1x256x512xf32, #tpu.memory_space<vmem>>, %arg8: memref<1x1x512x512xf32, #tpu.memory_space<vmem>>, %arg9: memref<1x1x256x512xf32, #tpu.memory_space<vmem>>, %arg10: memref<1x1x512x512xf32, #tpu.memory_space<vmem>>, %arg11: memref<1x512x512xf32, #tpu.memory_space<vmem>>) attributes {dimension_semantics = [#tpu.dimension_semantics<parallel>, #tpu.dimension_semantics<parallel>], iteration_bounds = array<i64: 8, 2>, scalar_prefetch = 0 : i64, scratch_operands = 0 : i64, tpu.core_type = #tpu.core_type<tc>, window_params = [{transform_indices = @transform_0, window_bounds = array<i64: 1, 512, 256>}, {pipeline_mode = #tpu.pipeline_mode<synchronous>, transform_indices = @transform_1, window_bounds = array<i64: 512, 256>}, {pipeline_mode = #tpu.pipeline_mode<synchronous>, transform_indices = @transform_2, window_bounds = array<i64: 512, 1>}, {transform_indices = @transform_3, window_bounds = array<i64: 1, 512, 512>}, {transform_indices = @transform_4, window_bounds = array<i64: 1, 1, 256, 512>}, {transform_indices = @transform_5, window_bounds = array<i64: 1, 1, 256, 512>}, {transform_indices = @transform_6, window_bounds = array<i64: 1, 1, 512, 512>}, {transform_indices = @transform_7, window_bounds = array<i64: 1, 1, 256, 512>}, {transform_indices = @transform_8, window_bounds = array<i64: 1, 1, 512, 512>}, {transform_indices = @transform_9, window_bounds = array<i64: 1, 512, 512>}]} {
    %get3A = arith.constant 0 : index
    %get3A_0 = arith.constant 0 : index
    %get3A_1 = arith.constant 0 : index
    %get3A_2 = arith.constant 0 : index
    %get3A_3 = vector.load %arg6[%get3A, %get3A_0, %get3A_1, %get3A_2] : memref<1x1x256x512xf32, #tpu.memory_space<vmem>>, vector<1x1x256x512xf32>
    %get3A_4 = vector.shape_cast %get3A_3 : vector<1x1x256x512xf32> to vector<256x512xf32>
    %get3A_5 = arith.constant 0 : index
    %get3A_6 = arith.constant 0 : index
    %get3A_7 = arith.constant 0 : index
    %get3A_8 = vector.load %arg2[%get3A_5, %get3A_6, %get3A_7] : memref<1x512x256xf32, #tpu.memory_space<vmem>>, vector<1x512x256xf32>
    %get3A_9 = vector.shape_cast %get3A_8 : vector<1x512x256xf32> to vector<512x256xf32>
    %transpose3A = tpu.transpose %get3A_9, [1, 0] : vector<512x256xf32> -> vector<256x512xf32>
    %sub3A = arith.subf %transpose3A, %get3A_4 : vector<256x512xf32>
    %add3A = arith.addf %get3A_4, %sub3A : vector<256x512xf32>
    %swap3A = arith.constant 0 : index
    %swap3A_10 = arith.constant 0 : index
    %swap3A_11 = arith.constant 0 : index
    %swap3A_12 = arith.constant 0 : index
    %swap3A_13 = vector.load %arg9[%swap3A, %swap3A_10, %swap3A_11, %swap3A_12] : memref<1x1x256x512xf32, #tpu.memory_space<vmem>>, vector<1x1x256x512xf32>
    %swap3A_14 = vector.shape_cast %swap3A_13 : vector<1x1x256x512xf32> to vector<256x512xf32>
    %swap3A_15 = vector.shape_cast %add3A : vector<256x512xf32> to vector<1x1x256x512xf32>
    tpu.vector_store %arg9[%swap3A, %swap3A_10, %swap3A_11, %swap3A_12], %swap3A_15 {strides = array<i32>} : memref<1x1x256x512xf32, #tpu.memory_space<vmem>>, vector<1x1x256x512xf32>,
    %get3A_16 = arith.constant 0 : index
    %get3A_17 = arith.constant 0 : index
    %get3A_18 = vector.load %arg3[%get3A_16, %get3A_17] : memref<512x256xf32, #tpu.memory_space<vmem>>, vector<512x256xf32>
    %convert_element_type3A = arith.truncf %get3A_18 : vector<512x256xf32> to vector<512x256xbf16>
    %convert_element_type3A_19 = arith.truncf %add3A : vector<256x512xf32> to vector<256x512xbf16>
    %dot_general3A = arith.constant dense<0.000000e+00> : vector<512x512xf32>
    %dot_general3A_20 = tpu.matmul %convert_element_type3A, %convert_element_type3A_19, %dot_general3A {dimension_numbers = #tpu.dot_dimension_numbers<[1], [0], [0], [1], [0, 0, 1, 1], [], []>, transpose_lhs_hint = false} : vector<512x256xbf16>, vector<256x512xbf16>, vector<512x512xf32> -> vector<512x512xf32>
    %get3A_21 = arith.constant 0 : index
    %get3A_22 = arith.constant 0 : index
    %get3A_23 = vector.load %arg4[%get3A_21, %get3A_22] : memref<512x1xf32, #tpu.memory_space<vmem>>, vector<512x1xf32>
    %add3A_24 = vector.broadcast %get3A_23 : vector<512x1xf32> to vector<512x512xf32>
    %add3A_25 = arith.addf %dot_general3A_20, %add3A_24 : vector<512x512xf32>
    %swap3A_26 = arith.constant 0 : index
    %swap3A_27 = arith.constant 0 : index
    %swap3A_28 = arith.constant 0 : index
    %swap3A_29 = arith.constant 0 : index
    %swap3A_30 = vector.load %arg10[%swap3A_26, %swap3A_27, %swap3A_28, %swap3A_29] : memref<1x1x512x512xf32, #tpu.memory_space<vmem>>, vector<1x1x512x512xf32>
    %swap3A_31 = vector.shape_cast %swap3A_30 : vector<1x1x512x512xf32> to vector<512x512xf32>
    %swap3A_32 = vector.shape_cast %add3A_25 : vector<512x512xf32> to vector<1x1x512x512xf32>
    tpu.vector_store %arg10[%swap3A_26, %swap3A_27, %swap3A_28, %swap3A_29], %swap3A_32 {strides = array<i32>} : memref<1x1x512x512xf32, #tpu.memory_space<vmem>>, vector<1x1x512x512xf32>,
    %get3A_33 = arith.constant 0 : index
    %get3A_34 = arith.constant 0 : index
    %get3A_35 = arith.constant 0 : index
    %get3A_36 = vector.load %arg5[%get3A_33, %get3A_34, %get3A_35] : memref<1x512x512xf32, #tpu.memory_space<vmem>>, vector<1x512x512xf32>
    %get3A_37 = vector.shape_cast %get3A_36 : vector<1x512x512xf32> to vector<512x512xf32>
    %sub3A_38 = arith.subf %get3A_37, %add3A_25 : vector<512x512xf32>
    %swap3A_39 = arith.constant 0 : index
    %swap3A_40 = arith.constant 0 : index
    %swap3A_41 = arith.constant 0 : index
    %swap3A_42 = vector.load %arg11[%swap3A_39, %swap3A_40, %swap3A_41] : memref<1x512x512xf32, #tpu.memory_space<vmem>>, vector<1x512x512xf32>
    %swap3A_43 = vector.shape_cast %swap3A_42 : vector<1x512x512xf32> to vector<512x512xf32>
    %swap3A_44 = vector.shape_cast %sub3A_38 : vector<512x512xf32> to vector<1x512x512xf32>
    tpu.vector_store %arg11[%swap3A_39, %swap3A_40, %swap3A_41], %swap3A_44 {strides = array<i32>} : memref<1x512x512xf32, #tpu.memory_space<vmem>>, vector<1x512x512xf32>,
    return
  }
  func.func @transform_0(%arg0: i32, %arg1: i32) -> (i32, i32, i32) {
    %c0_i32 = arith.constant 0 : i32
    %c0_i32_0 = arith.constant 0 : i32
    return %arg0, %arg1, %c0_i32 : i32, i32, i32
  }
  func.func @transform_1(%arg0: i32, %arg1: i32) -> (i32, i32) {
    %c0_i32 = arith.constant 0 : i32
    %c0_i32_0 = arith.constant 0 : i32
    %c0_i32_1 = arith.constant 0 : i32
    return %c0_i32, %c0_i32_0 : i32, i32
  }
  func.func @transform_2(%arg0: i32, %arg1: i32) -> (i32, i32) {
    %c0_i32 = arith.constant 0 : i32
    %c0_i32_0 = arith.constant 0 : i32
    %c0_i32_1 = arith.constant 0 : i32
    return %c0_i32, %c0_i32_0 : i32, i32
  }
  func.func @transform_3(%arg0: i32, %arg1: i32) -> (i32, i32, i32) {
    %c0_i32 = arith.constant 0 : i32
    %c0_i32_0 = arith.constant 0 : i32
    return %arg0, %c0_i32, %arg1 : i32, i32, i32
  }
  func.func @transform_4(%arg0: i32, %arg1: i32) -> (i32, i32, i32, i32) {
    %c2_i32 = arith.constant 2 : i32
    %c0_i32 = arith.constant 0 : i32
    %c0_i32_0 = arith.constant 0 : i32
    return %arg0, %c2_i32, %c0_i32, %arg1 : i32, i32, i32, i32
  }
  func.func @transform_5(%arg0: i32, %arg1: i32) -> (i32, i32, i32, i32) {
    %c2_i32 = arith.constant 2 : i32
    %c0_i32 = arith.constant 0 : i32
    %c0_i32_0 = arith.constant 0 : i32
    return %arg0, %c2_i32, %c0_i32, %arg1 : i32, i32, i32, i32
  }
  func.func @transform_6(%arg0: i32, %arg1: i32) -> (i32, i32, i32, i32) {
    %c2_i32 = arith.constant 2 : i32
    %c0_i32 = arith.constant 0 : i32
    %c0_i32_0 = arith.constant 0 : i32
    return %arg0, %c2_i32, %c0_i32, %arg1 : i32, i32, i32, i32
  }
  func.func @transform_7(%arg0: i32, %arg1: i32) -> (i32, i32, i32, i32) {
    %c2_i32 = arith.constant 2 : i32
    %c0_i32 = arith.constant 0 : i32
    %c0_i32_0 = arith.constant 0 : i32
    return %arg0, %c2_i32, %c0_i32, %arg1 : i32, i32, i32, i32
  }
  func.func @transform_8(%arg0: i32, %arg1: i32) -> (i32, i32, i32, i32) {
    %c2_i32 = arith.constant 2 : i32
    %c0_i32 = arith.constant 0 : i32
    %c0_i32_0 = arith.constant 0 : i32
    return %arg0, %c2_i32, %c0_i32, %arg1 : i32, i32, i32, i32
  }
  func.func @transform_9(%arg0: i32, %arg1: i32) -> (i32, i32, i32) {
    %c0_i32 = arith.constant 0 : i32
    %c0_i32_0 = arith.constant 0 : i32
    return %arg0, %c0_i32, %arg1 : i32, i32, i32
  }
}

module attributes {stable_mosaic.version = 14 : i64} {
  func.func @_encode_body(%arg0: i32, %arg1: i32, %arg2: memref<1x512x512xf32, #tpu.memory_space<vmem>>, %arg3: memref<256x512xf32, #tpu.memory_space<vmem>>, %arg4: memref<256x1xf32, #tpu.memory_space<vmem>>, %arg5: memref<8192x256xbf16, #tpu.memory_space<vmem>>, %arg6: memref<8192x1xf32, #tpu.memory_space<vmem>>, %arg7: memref<1x1x256x512xf32, #tpu.memory_space<vmem>>, %arg8: memref<1x1x1x512xi32, #tpu.memory_space<vmem>>, %arg9: memref<1x1x256x512xf32, #tpu.memory_space<vmem>>, %arg10: memref<1x1x1x512xi32, #tpu.memory_space<vmem>>) attributes {dimension_semantics = [#tpu.dimension_semantics<parallel>, #tpu.dimension_semantics<parallel>], iteration_bounds = array<i64: 8, 2>, scalar_prefetch = 0 : i64, scratch_operands = 0 : i64, tpu.core_type = #tpu.core_type<tc>, window_params = [{transform_indices = @transform_0, window_bounds = array<i64: 1, 512, 512>}, {pipeline_mode = #tpu.pipeline_mode<synchronous>, transform_indices = @transform_1, window_bounds = array<i64: 256, 512>}, {pipeline_mode = #tpu.pipeline_mode<synchronous>, transform_indices = @transform_2, window_bounds = array<i64: 256, 1>}, {pipeline_mode = #tpu.pipeline_mode<synchronous>, transform_indices = @transform_3, window_bounds = array<i64: 8192, 256>}, {pipeline_mode = #tpu.pipeline_mode<synchronous>, transform_indices = @transform_4, window_bounds = array<i64: 8192, 1>}, {transform_indices = @transform_5, window_bounds = array<i64: 1, 1, 256, 512>}, {transform_indices = @transform_6, window_bounds = array<i64: 1, 1, 1, 512>}, {transform_indices = @transform_7, window_bounds = array<i64: 1, 1, 256, 512>}, {transform_indices = @transform_8, window_bounds = array<i64: 1, 1, 1, 512>}]} {
    %get3A = arith.constant 0 : index
    %get3A_0 = arith.constant 0 : index
    %get3A_1 = arith.constant 0 : index
    %get3A_2 = vector.load %arg2[%get3A, %get3A_0, %get3A_1] : memref<1x512x512xf32, #tpu.memory_space<vmem>>, vector<1x512x512xf32>
    %get3A_3 = vector.shape_cast %get3A_2 : vector<1x512x512xf32> to vector<512x512xf32>
    %get3A_4 = arith.constant 0 : index
    %get3A_5 = arith.constant 0 : index
    %get3A_6 = vector.load %arg3[%get3A_4, %get3A_5] : memref<256x512xf32, #tpu.memory_space<vmem>>, vector<256x512xf32>
    %convert_element_type3A = arith.truncf %get3A_6 : vector<256x512xf32> to vector<256x512xbf16>
    %convert_element_type3A_7 = arith.truncf %get3A_3 : vector<512x512xf32> to vector<512x512xbf16>
    %dot_general3A = arith.constant dense<0.000000e+00> : vector<256x512xf32>
    %dot_general3A_8 = tpu.matmul %convert_element_type3A, %convert_element_type3A_7, %dot_general3A {dimension_numbers = #tpu.dot_dimension_numbers<[1], [0], [0], [1], [0, 0, 1, 1], [], []>, transpose_lhs_hint = false} : vector<256x512xbf16>, vector<512x512xbf16>, vector<256x512xf32> -> vector<256x512xf32>
    %get3A_9 = arith.constant 0 : index
    %get3A_10 = arith.constant 0 : index
    %get3A_11 = vector.load %arg4[%get3A_9, %get3A_10] : memref<256x1xf32, #tpu.memory_space<vmem>>, vector<256x1xf32>
    %add3A = vector.broadcast %get3A_11 : vector<256x1xf32> to vector<256x512xf32>
    %add3A_12 = arith.addf %dot_general3A_8, %add3A : vector<256x512xf32>
    %swap3A = arith.constant 0 : index
    %swap3A_13 = arith.constant 0 : index
    %swap3A_14 = arith.constant 0 : index
    %swap3A_15 = arith.constant 0 : index
    %swap3A_16 = vector.load %arg9[%swap3A, %swap3A_13, %swap3A_14, %swap3A_15] : memref<1x1x256x512xf32, #tpu.memory_space<vmem>>, vector<1x1x256x512xf32>
    %swap3A_17 = vector.shape_cast %swap3A_16 : vector<1x1x256x512xf32> to vector<256x512xf32>
    %swap3A_18 = vector.shape_cast %add3A_12 : vector<256x512xf32> to vector<1x1x256x512xf32>
    tpu.vector_store %arg9[%swap3A, %swap3A_13, %swap3A_14, %swap3A_15], %swap3A_18 {strides = array<i32>} : memref<1x1x256x512xf32, #tpu.memory_space<vmem>>, vector<1x1x256x512xf32>,
    %mul3A = arith.mulf %add3A_12, %add3A_12 : vector<256x512xf32>
    %reduce_sum3A = arith.constant dense<0.000000e+00> : vector<512xf32>
    %reduce_sum3A_19 = vector.multi_reduction <add>, %mul3A, %reduce_sum3A [0] : vector<256x512xf32> to vector<512xf32>
    %broadcast_in_dim3A = vector.shape_cast %reduce_sum3A_19 : vector<512xf32> to vector<1x512xf32>
    %sqrt3A = math.sqrt %broadcast_in_dim3A : vector<1x512xf32>
    %max3A = arith.constant 9.99999996E-13 : f32
    %max3A_20 = vector.broadcast %max3A : f32 to vector<1x512xf32>
    %max3A_21 = arith.maximumf %sqrt3A, %max3A_20 : vector<1x512xf32>
    %div3A = vector.broadcast %max3A_21 : vector<1x512xf32> to vector<256x512xf32>
    %div3A_22 = arith.divf %add3A_12, %div3A : vector<256x512xf32>
    %mul3A_23 = arith.mulf %div3A_22, %div3A_22 : vector<256x512xf32>
    %reduce_sum3A_24 = arith.constant dense<0.000000e+00> : vector<512xf32>
    %reduce_sum3A_25 = vector.multi_reduction <add>, %mul3A_23, %reduce_sum3A_24 [0] : vector<256x512xf32> to vector<512xf32>
    %broadcast_in_dim3A_26 = vector.shape_cast %reduce_sum3A_25 : vector<512xf32> to vector<1x512xf32>
    %convert_element_type3A_27 = arith.truncf %div3A_22 : vector<256x512xf32> to vector<256x512xbf16>
    %broadcast_in_dim3A_28 = arith.constant 0xFF800000 : f32
    %broadcast_in_dim3A_29 = vector.broadcast %broadcast_in_dim3A_28 : f32 to vector<1x512xf32>
    %broadcast_in_dim3A_30 = arith.constant 0 : i32
    %broadcast_in_dim3A_31 = vector.broadcast %broadcast_in_dim3A_30 : i32 to vector<1x512xi32>
    %scan3A = arith.constant 0 : i32
    %scan3A_32 = arith.constant 4 : i32
    %scan3A_33 = arith.addi %scan3A, %scan3A_32 : i32
    %scan3A_34 = arith.constant 1 : i32
    %scan3A_35:2 = scf.for %scan3A_44 = %scan3A to %scan3A_33 step %scan3A_34 iter_args(%scan3A_45 = %broadcast_in_dim3A_29, %scan3A_46 = %broadcast_in_dim3A_31) -> (vector<1x512xf32>, vector<1x512xi32>)  : i32 {
      %broadcast_in_dim3A_47 = arith.constant 0xFF800000 : f32
      %broadcast_in_dim3A_48 = vector.broadcast %broadcast_in_dim3A_47 : f32 to vector<1x512xf32>
      %broadcast_in_dim3A_49 = arith.constant 0 : i32
      %broadcast_in_dim3A_50 = vector.broadcast %broadcast_in_dim3A_49 : i32 to vector<1x512xi32>
      %scan3A_51 = arith.constant 0 : i32
      %scan3A_52 = arith.constant 4 : i32
      %scan3A_53 = arith.addi %scan3A_51, %scan3A_52 : i32
      %scan3A_54 = arith.constant 1 : i32
      %scan3A_55:2 = scf.for %scan3A_60 = %scan3A_51 to %scan3A_53 step %scan3A_54 iter_args(%scan3A_61 = %broadcast_in_dim3A_48, %scan3A_62 = %broadcast_in_dim3A_50) -> (vector<1x512xf32>, vector<1x512xi32>)  : i32 {
        %mul3A_63 = arith.constant 4 : i32
        %mul3A_64 = arith.muli %scan3A_44, %mul3A_63 : i32
        %add3A_65 = arith.addi %mul3A_64, %scan3A_60 : i32
        %mul3A_66 = arith.constant 512 : i32
        %mul3A_67 = arith.muli %add3A_65, %mul3A_66 : i32
        %multiple_of3A = tpu.assume_multiple %mul3A_67, 512 : i32
        %get3A_68 = arith.index_cast %multiple_of3A : i32 to index
        %get3A_69 = arith.constant 0 : index
        %get3A_70 = vector.load %arg5[%get3A_68, %get3A_69] : memref<8192x256xbf16, #tpu.memory_space<vmem>>, vector<512x256xbf16>
        %get3A_71 = arith.index_cast %multiple_of3A : i32 to index
        %get3A_72 = arith.constant 0 : index
        %get3A_73 = vector.load %arg6[%get3A_71, %get3A_72] : memref<8192x1xf32, #tpu.memory_space<vmem>>, vector<512x1xf32>
        %dot_general3A_74 = arith.constant dense<0.000000e+00> : vector<512x512xf32>
        %dot_general3A_75 = tpu.matmul %get3A_70, %convert_element_type3A_27, %dot_general3A_74 {dimension_numbers = #tpu.dot_dimension_numbers<[1], [0], [0], [1], [0, 0, 1, 1], [], []>, transpose_lhs_hint = false} : vector<512x256xbf16>, vector<256x512xbf16>, vector<512x512xf32> -> vector<512x512xf32>
        %mul3A_76 = arith.constant 2.000000e+00 : f32
        %mul3A_77 = vector.broadcast %mul3A_76 : f32 to vector<512x512xf32>
        %mul3A_78 = arith.mulf %mul3A_77, %dot_general3A_75 : vector<512x512xf32>
        %sub3A = vector.broadcast %broadcast_in_dim3A_26 : vector<1x512xf32> to vector<512x512xf32>
        %sub3A_79 = arith.subf %sub3A, %mul3A_78 : vector<512x512xf32>
        %add3A_80 = vector.broadcast %get3A_73 : vector<512x1xf32> to vector<512x512xf32>
        %add3A_81 = arith.addf %sub3A_79, %add3A_80 : vector<512x512xf32>
        %neg3A = arith.constant 0.000000e+00 : f32
        %neg3A_82 = vector.broadcast %neg3A : f32 to vector<512x512xf32>
        %neg3A_83 = arith.subf %neg3A_82, %add3A_81 : vector<512x512xf32>
        %reduce_max3A = arith.constant dense<0xFF800000> : vector<512xf32>
        %reduce_max3A_84 = vector.multi_reduction <maximumf>, %neg3A_83, %reduce_max3A [0] : vector<512x512xf32> to vector<512xf32>
        %broadcast_in_dim3A_85 = vector.shape_cast %reduce_max3A_84 : vector<512xf32> to vector<1x512xf32>
        %iota3A = tpu.iota {dimensions = array<i32: 0>} : vector<512x512xi32>
        %mul3A_86 = arith.constant 512 : i32
        %mul3A_87 = arith.muli %add3A_65, %mul3A_86 : i32
        %add3A_88 = vector.broadcast %mul3A_87 : i32 to vector<512x512xi32>
        %add3A_89 = arith.addi %iota3A, %add3A_88 : vector<512x512xi32>
        %eq3A = vector.broadcast %broadcast_in_dim3A_85 : vector<1x512xf32> to vector<512x512xf32>
        %eq3A_90 = arith.cmpf oeq, %neg3A_83, %eq3A : vector<512x512xf32>
        %jit3A = arith.constant 8192 : i32
        %broadcast_in_dim3A_91 = vector.broadcast %jit3A : i32 to vector<512x512xi32>
        %select_n3A_92 = arith.select %eq3A_90, %add3A_89, %broadcast_in_dim3A_91 : vector<512x512xi1>, vector<512x512xi32>
        %reduce_min3A = arith.constant dense<2147483647> : vector<512xi32>
        %reduce_min3A_93 = vector.multi_reduction <minsi>, %select_n3A_92, %reduce_min3A [0] : vector<512x512xi32> to vector<512xi32>
        %broadcast_in_dim3A_94 = vector.shape_cast %reduce_min3A_93 : vector<512xi32> to vector<1x512xi32>
        %gt3A_95 = arith.cmpf ogt, %broadcast_in_dim3A_85, %scan3A_61 : vector<1x512xf32>
        %select_n3A_96 = arith.select %gt3A_95, %broadcast_in_dim3A_85, %scan3A_61 : vector<1x512xi1>, vector<1x512xf32>
        %select_n3A_97 = arith.select %gt3A_95, %broadcast_in_dim3A_94, %scan3A_62 : vector<1x512xi1>, vector<1x512xi32>
        scf.yield %select_n3A_96, %select_n3A_97 : vector<1x512xf32>, vector<1x512xi32>
      }
      %scan3A_56 = arith.constant 4 : i32
      %gt3A = arith.cmpf ogt, %scan3A_55#0, %scan3A_45 : vector<1x512xf32>
      %select_n3A = arith.select %gt3A, %scan3A_55#0, %scan3A_45 : vector<1x512xi1>, vector<1x512xf32>
      %convert_element_type3A_57 = arith.truncf %select_n3A : vector<1x512xf32> to vector<1x512xbf16>
      %convert_element_type3A_58 = arith.extf %convert_element_type3A_57 : vector<1x512xbf16> to vector<1x512xf32>
      %select_n3A_59 = arith.select %gt3A, %scan3A_55#1, %scan3A_46 : vector<1x512xi1>, vector<1x512xi32>
      scf.yield %convert_element_type3A_58, %select_n3A_59 : vector<1x512xf32>, vector<1x512xi32>
    }
    %scan3A_36 = arith.constant 4 : i32
    %swap3A_37 = arith.constant 0 : index
    %swap3A_38 = arith.constant 0 : index
    %swap3A_39 = arith.constant 0 : index
    %swap3A_40 = arith.constant 0 : index
    %swap3A_41 = vector.load %arg10[%swap3A_37, %swap3A_38, %swap3A_39, %swap3A_40] : memref<1x1x1x512xi32, #tpu.memory_space<vmem>>, vector<1x1x1x512xi32>
    %swap3A_42 = vector.shape_cast %swap3A_41 : vector<1x1x1x512xi32> to vector<1x512xi32>
    %swap3A_43 = vector.shape_cast %scan3A_35#1 : vector<1x512xi32> to vector<1x1x1x512xi32>
    tpu.vector_store %arg10[%swap3A_37, %swap3A_38, %swap3A_39, %swap3A_40], %swap3A_43 {strides = array<i32>} : memref<1x1x1x512xi32, #tpu.memory_space<vmem>>, vector<1x1x1x512xi32>,
    return
  }
  func.func @transform_0(%arg0: i32, %arg1: i32) -> (i32, i32, i32) {
    %c0_i32 = arith.constant 0 : i32
    %c0_i32_0 = arith.constant 0 : i32
    return %arg0, %c0_i32, %arg1 : i32, i32, i32
  }
  func.func @transform_1(%arg0: i32, %arg1: i32) -> (i32, i32) {
    %c0_i32 = arith.constant 0 : i32
    %c0_i32_0 = arith.constant 0 : i32
    %c0_i32_1 = arith.constant 0 : i32
    return %c0_i32, %c0_i32_0 : i32, i32
  }
  func.func @transform_2(%arg0: i32, %arg1: i32) -> (i32, i32) {
    %c0_i32 = arith.constant 0 : i32
    %c0_i32_0 = arith.constant 0 : i32
    %c0_i32_1 = arith.constant 0 : i32
    return %c0_i32, %c0_i32_0 : i32, i32
  }
  func.func @transform_3(%arg0: i32, %arg1: i32) -> (i32, i32) {
    %c0_i32 = arith.constant 0 : i32
    %c0_i32_0 = arith.constant 0 : i32
    %c0_i32_1 = arith.constant 0 : i32
    return %c0_i32, %c0_i32_0 : i32, i32
  }
  func.func @transform_4(%arg0: i32, %arg1: i32) -> (i32, i32) {
    %c0_i32 = arith.constant 0 : i32
    %c0_i32_0 = arith.constant 0 : i32
    %c0_i32_1 = arith.constant 0 : i32
    return %c0_i32, %c0_i32_0 : i32, i32
  }
  func.func @transform_5(%arg0: i32, %arg1: i32) -> (i32, i32, i32, i32) {
    %c3_i32 = arith.constant 3 : i32
    %c0_i32 = arith.constant 0 : i32
    %c0_i32_0 = arith.constant 0 : i32
    return %arg0, %c3_i32, %c0_i32, %arg1 : i32, i32, i32, i32
  }
  func.func @transform_6(%arg0: i32, %arg1: i32) -> (i32, i32, i32, i32) {
    %c3_i32 = arith.constant 3 : i32
    %c0_i32 = arith.constant 0 : i32
    %c0_i32_0 = arith.constant 0 : i32
    return %arg0, %c3_i32, %c0_i32, %arg1 : i32, i32, i32, i32
  }
  func.func @transform_7(%arg0: i32, %arg1: i32) -> (i32, i32, i32, i32) {
    %c3_i32 = arith.constant 3 : i32
    %c0_i32 = arith.constant 0 : i32
    %c0_i32_0 = arith.constant 0 : i32
    return %arg0, %c3_i32, %c0_i32, %arg1 : i32, i32, i32, i32
  }
  func.func @transform_8(%arg0: i32, %arg1: i32) -> (i32, i32, i32, i32) {
    %c3_i32 = arith.constant 3 : i32
    %c0_i32 = arith.constant 0 : i32
    %c0_i32_0 = arith.constant 0 : i32
    return %arg0, %c3_i32, %c0_i32, %arg1 : i32, i32, i32, i32
  }
}

module attributes {stable_mosaic.version = 14 : i64} {
  func.func @_decode_body(%arg0: i32, %arg1: i32, %arg2: memref<1x512x256xf32, #tpu.memory_space<vmem>>, %arg3: memref<512x256xf32, #tpu.memory_space<vmem>>, %arg4: memref<512x1xf32, #tpu.memory_space<vmem>>, %arg5: memref<1x512x512xf32, #tpu.memory_space<vmem>>, %arg6: memref<1x1x256x512xf32, #tpu.memory_space<vmem>>, %arg7: memref<1x512x512xf32, #tpu.memory_space<vmem>>, %arg8: memref<1x1x256x512xf32, #tpu.memory_space<vmem>>, %arg9: memref<1x1x512x512xf32, #tpu.memory_space<vmem>>, %arg10: memref<1x1x256x512xf32, #tpu.memory_space<vmem>>, %arg11: memref<1x1x512x512xf32, #tpu.memory_space<vmem>>, %arg12: memref<1x512x512xf32, #tpu.memory_space<vmem>>, %arg13: memref<1x512x512xf32, #tpu.memory_space<vmem>>) attributes {dimension_semantics = [#tpu.dimension_semantics<parallel>, #tpu.dimension_semantics<parallel>], iteration_bounds = array<i64: 8, 2>, scalar_prefetch = 0 : i64, scratch_operands = 0 : i64, tpu.core_type = #tpu.core_type<tc>, window_params = [{transform_indices = @transform_0, window_bounds = array<i64: 1, 512, 256>}, {pipeline_mode = #tpu.pipeline_mode<synchronous>, transform_indices = @transform_1, window_bounds = array<i64: 512, 256>}, {pipeline_mode = #tpu.pipeline_mode<synchronous>, transform_indices = @transform_2, window_bounds = array<i64: 512, 1>}, {transform_indices = @transform_3, window_bounds = array<i64: 1, 512, 512>}, {transform_indices = @transform_4, window_bounds = array<i64: 1, 1, 256, 512>}, {transform_indices = @transform_5, window_bounds = array<i64: 1, 512, 512>}, {transform_indices = @transform_6, window_bounds = array<i64: 1, 1, 256, 512>}, {transform_indices = @transform_7, window_bounds = array<i64: 1, 1, 512, 512>}, {transform_indices = @transform_8, window_bounds = array<i64: 1, 1, 256, 512>}, {transform_indices = @transform_9, window_bounds = array<i64: 1, 1, 512, 512>}, {transform_indices = @transform_10, window_bounds = array<i64: 1, 512, 512>}, {transform_indices = @transform_11, window_bounds = array<i64: 1, 512, 512>}]} {
    %get3A = arith.constant 0 : index
    %get3A_0 = arith.constant 0 : index
    %get3A_1 = arith.constant 0 : index
    %get3A_2 = arith.constant 0 : index
    %get3A_3 = vector.load %arg6[%get3A, %get3A_0, %get3A_1, %get3A_2] : memref<1x1x256x512xf32, #tpu.memory_space<vmem>>, vector<1x1x256x512xf32>
    %get3A_4 = vector.shape_cast %get3A_3 : vector<1x1x256x512xf32> to vector<256x512xf32>
    %get3A_5 = arith.constant 0 : index
    %get3A_6 = arith.constant 0 : index
    %get3A_7 = arith.constant 0 : index
    %get3A_8 = vector.load %arg2[%get3A_5, %get3A_6, %get3A_7] : memref<1x512x256xf32, #tpu.memory_space<vmem>>, vector<1x512x256xf32>
    %get3A_9 = vector.shape_cast %get3A_8 : vector<1x512x256xf32> to vector<512x256xf32>
    %transpose3A = tpu.transpose %get3A_9, [1, 0] : vector<512x256xf32> -> vector<256x512xf32>
    %sub3A = arith.subf %transpose3A, %get3A_4 : vector<256x512xf32>
    %add3A = arith.addf %get3A_4, %sub3A : vector<256x512xf32>
    %swap3A = arith.constant 0 : index
    %swap3A_10 = arith.constant 0 : index
    %swap3A_11 = arith.constant 0 : index
    %swap3A_12 = arith.constant 0 : index
    %swap3A_13 = vector.load %arg10[%swap3A, %swap3A_10, %swap3A_11, %swap3A_12] : memref<1x1x256x512xf32, #tpu.memory_space<vmem>>, vector<1x1x256x512xf32>
    %swap3A_14 = vector.shape_cast %swap3A_13 : vector<1x1x256x512xf32> to vector<256x512xf32>
    %swap3A_15 = vector.shape_cast %add3A : vector<256x512xf32> to vector<1x1x256x512xf32>
    tpu.vector_store %arg10[%swap3A, %swap3A_10, %swap3A_11, %swap3A_12], %swap3A_15 {strides = array<i32>} : memref<1x1x256x512xf32, #tpu.memory_space<vmem>>, vector<1x1x256x512xf32>,
    %get3A_16 = arith.constant 0 : index
    %get3A_17 = arith.constant 0 : index
    %get3A_18 = vector.load %arg3[%get3A_16, %get3A_17] : memref<512x256xf32, #tpu.memory_space<vmem>>, vector<512x256xf32>
    %convert_element_type3A = arith.truncf %get3A_18 : vector<512x256xf32> to vector<512x256xbf16>
    %convert_element_type3A_19 = arith.truncf %add3A : vector<256x512xf32> to vector<256x512xbf16>
    %dot_general3A = arith.constant dense<0.000000e+00> : vector<512x512xf32>
    %dot_general3A_20 = tpu.matmul %convert_element_type3A, %convert_element_type3A_19, %dot_general3A {dimension_numbers = #tpu.dot_dimension_numbers<[1], [0], [0], [1], [0, 0, 1, 1], [], []>, transpose_lhs_hint = false} : vector<512x256xbf16>, vector<256x512xbf16>, vector<512x512xf32> -> vector<512x512xf32>
    %get3A_21 = arith.constant 0 : index
    %get3A_22 = arith.constant 0 : index
    %get3A_23 = vector.load %arg4[%get3A_21, %get3A_22] : memref<512x1xf32, #tpu.memory_space<vmem>>, vector<512x1xf32>
    %add3A_24 = vector.broadcast %get3A_23 : vector<512x1xf32> to vector<512x512xf32>
    %add3A_25 = arith.addf %dot_general3A_20, %add3A_24 : vector<512x512xf32>
    %swap3A_26 = arith.constant 0 : index
    %swap3A_27 = arith.constant 0 : index
    %swap3A_28 = arith.constant 0 : index
    %swap3A_29 = arith.constant 0 : index
    %swap3A_30 = vector.load %arg11[%swap3A_26, %swap3A_27, %swap3A_28, %swap3A_29] : memref<1x1x512x512xf32, #tpu.memory_space<vmem>>, vector<1x1x512x512xf32>
    %swap3A_31 = vector.shape_cast %swap3A_30 : vector<1x1x512x512xf32> to vector<512x512xf32>
    %swap3A_32 = vector.shape_cast %add3A_25 : vector<512x512xf32> to vector<1x1x512x512xf32>
    tpu.vector_store %arg11[%swap3A_26, %swap3A_27, %swap3A_28, %swap3A_29], %swap3A_32 {strides = array<i32>} : memref<1x1x512x512xf32, #tpu.memory_space<vmem>>, vector<1x1x512x512xf32>,
    %get3A_33 = arith.constant 0 : index
    %get3A_34 = arith.constant 0 : index
    %get3A_35 = arith.constant 0 : index
    %get3A_36 = vector.load %arg5[%get3A_33, %get3A_34, %get3A_35] : memref<1x512x512xf32, #tpu.memory_space<vmem>>, vector<1x512x512xf32>
    %get3A_37 = vector.shape_cast %get3A_36 : vector<1x512x512xf32> to vector<512x512xf32>
    %sub3A_38 = arith.subf %get3A_37, %add3A_25 : vector<512x512xf32>
    %swap3A_39 = arith.constant 0 : index
    %swap3A_40 = arith.constant 0 : index
    %swap3A_41 = arith.constant 0 : index
    %swap3A_42 = vector.load %arg12[%swap3A_39, %swap3A_40, %swap3A_41] : memref<1x512x512xf32, #tpu.memory_space<vmem>>, vector<1x512x512xf32>
    %swap3A_43 = vector.shape_cast %swap3A_42 : vector<1x512x512xf32> to vector<512x512xf32>
    %swap3A_44 = vector.shape_cast %sub3A_38 : vector<512x512xf32> to vector<1x512x512xf32>
    tpu.vector_store %arg12[%swap3A_39, %swap3A_40, %swap3A_41], %swap3A_44 {strides = array<i32>} : memref<1x512x512xf32, #tpu.memory_space<vmem>>, vector<1x512x512xf32>,
    %get3A_45 = arith.constant 0 : index
    %get3A_46 = arith.constant 0 : index
    %get3A_47 = arith.constant 0 : index
    %get3A_48 = vector.load %arg7[%get3A_45, %get3A_46, %get3A_47] : memref<1x512x512xf32, #tpu.memory_space<vmem>>, vector<1x512x512xf32>
    %get3A_49 = vector.shape_cast %get3A_48 : vector<1x512x512xf32> to vector<512x512xf32>
    %sub3A_50 = arith.subf %get3A_49, %sub3A_38 : vector<512x512xf32>
    %swap3A_51 = arith.constant 0 : index
    %swap3A_52 = arith.constant 0 : index
    %swap3A_53 = arith.constant 0 : index
    %swap3A_54 = vector.load %arg13[%swap3A_51, %swap3A_52, %swap3A_53] : memref<1x512x512xf32, #tpu.memory_space<vmem>>, vector<1x512x512xf32>
    %swap3A_55 = vector.shape_cast %swap3A_54 : vector<1x512x512xf32> to vector<512x512xf32>
    %swap3A_56 = vector.shape_cast %sub3A_50 : vector<512x512xf32> to vector<1x512x512xf32>
    tpu.vector_store %arg13[%swap3A_51, %swap3A_52, %swap3A_53], %swap3A_56 {strides = array<i32>} : memref<1x512x512xf32, #tpu.memory_space<vmem>>, vector<1x512x512xf32>,
    return
  }
  func.func @transform_0(%arg0: i32, %arg1: i32) -> (i32, i32, i32) {
    %c0_i32 = arith.constant 0 : i32
    %c0_i32_0 = arith.constant 0 : i32
    return %arg0, %arg1, %c0_i32 : i32, i32, i32
  }
  func.func @transform_1(%arg0: i32, %arg1: i32) -> (i32, i32) {
    %c0_i32 = arith.constant 0 : i32
    %c0_i32_0 = arith.constant 0 : i32
    %c0_i32_1 = arith.constant 0 : i32
    return %c0_i32, %c0_i32_0 : i32, i32
  }
  func.func @transform_2(%arg0: i32, %arg1: i32) -> (i32, i32) {
    %c0_i32 = arith.constant 0 : i32
    %c0_i32_0 = arith.constant 0 : i32
    %c0_i32_1 = arith.constant 0 : i32
    return %c0_i32, %c0_i32_0 : i32, i32
  }
  func.func @transform_3(%arg0: i32, %arg1: i32) -> (i32, i32, i32) {
    %c0_i32 = arith.constant 0 : i32
    %c0_i32_0 = arith.constant 0 : i32
    return %arg0, %c0_i32, %arg1 : i32, i32, i32
  }
  func.func @transform_4(%arg0: i32, %arg1: i32) -> (i32, i32, i32, i32) {
    %c3_i32 = arith.constant 3 : i32
    %c0_i32 = arith.constant 0 : i32
    %c0_i32_0 = arith.constant 0 : i32
    return %arg0, %c3_i32, %c0_i32, %arg1 : i32, i32, i32, i32
  }
  func.func @transform_5(%arg0: i32, %arg1: i32) -> (i32, i32, i32) {
    %c0_i32 = arith.constant 0 : i32
    %c0_i32_0 = arith.constant 0 : i32
    return %arg0, %c0_i32, %arg1 : i32, i32, i32
  }
  func.func @transform_6(%arg0: i32, %arg1: i32) -> (i32, i32, i32, i32) {
    %c3_i32 = arith.constant 3 : i32
    %c0_i32 = arith.constant 0 : i32
    %c0_i32_0 = arith.constant 0 : i32
    return %arg0, %c3_i32, %c0_i32, %arg1 : i32, i32, i32, i32
  }
  func.func @transform_7(%arg0: i32, %arg1: i32) -> (i32, i32, i32, i32) {
    %c3_i32 = arith.constant 3 : i32
    %c0_i32 = arith.constant 0 : i32
    %c0_i32_0 = arith.constant 0 : i32
    return %arg0, %c3_i32, %c0_i32, %arg1 : i32, i32, i32, i32
  }
  func.func @transform_8(%arg0: i32, %arg1: i32) -> (i32, i32, i32, i32) {
    %c3_i32 = arith.constant 3 : i32
    %c0_i32 = arith.constant 0 : i32
    %c0_i32_0 = arith.constant 0 : i32
    return %arg0, %c3_i32, %c0_i32, %arg1 : i32, i32, i32, i32
  }
  func.func @transform_9(%arg0: i32, %arg1: i32) -> (i32, i32, i32, i32) {
    %c3_i32 = arith.constant 3 : i32
    %c0_i32 = arith.constant 0 : i32
    %c0_i32_0 = arith.constant 0 : i32
    return %arg0, %c3_i32, %c0_i32, %arg1 : i32, i32, i32, i32
  }
  func.func @transform_10(%arg0: i32, %arg1: i32) -> (i32, i32, i32) {
    %c0_i32 = arith.constant 0 : i32
    %c0_i32_0 = arith.constant 0 : i32
    return %arg0, %c0_i32, %arg1 : i32, i32, i32
  }
  func.func @transform_11(%arg0: i32, %arg1: i32) -> (i32, i32, i32) {
    %c0_i32 = arith.constant 0 : i32
    %c0_i32_0 = arith.constant 0 : i32
    return %arg0, %c0_i32, %arg1 : i32, i32, i32
  }
}

</mosaic_0001>

<sc_bundles>
// kernel: kernel.14.cloned.1.call-start
scs
__scs_entry_jumppad:
0x0: {  	(pc) =	sbr.rel $0x88, $3  }
0x1: {  	(tag) =	ssettag $0x0;
	lr =	simm.s32 $0x1  }
0x2: {  	[smem:$0x3F99] =	sst lr;
	_ =	strace $0xD0000000  }
0x3: {  	_ = 	snop  }
0x4: {  	_ = 	snop  }
0x5: {  	_ = 	snop  }
0x6: {  	_ = 	snop  }
0x7: {  	_ = 	snop  }
__scs_overlays_trampoline_lowered:
0x8: {  	[smem:$0x3FA8] =	sst s0  }
0x9: {  	[smem:$0x3FA9] =	sst s1  }
0xa: {  	[smem:$0x3FAA] =	sst s2  }
0xb: {  	[smem:$0x3FAB] =	sst s3  }
0xc: {  	[smem:$0x3FAC] =	sst s4  }
0xd: {  	[smem:$0x3FAD] =	sst s5  }
0xe: {  	[smem:$0x3FAE] =	sst s6  }
0xf: {  	[smem:$0x3FAF] =	sst s7  }
0x10: {  	[smem:$0x3FB0] =	sst s8  }
0x11: {  	[smem:$0x3FB1] =	sst s9;
	s0 =	simm.s32 @!p0 $0x0  }
0x12: {  	s1 =	sld [smem:$0x3F97];
	s0 =	simm.s32 @p0 $0x1  }
0x13: {  	[smem:$0x3FB2] =	sst s0;
	s0 =	simm.s32 @!p1 $0x0  }
0x14: {  	s2 =	sld [smem:$0x3F96];
	s0 =	simm.s32 @p1 $0x1  }
0x15: {  	[smem:$0x3FB3] =	sst s0;
	s0 =	simm.s32 @!p2 $0x0  }
0x16: {  	s3 =	sld [smem:$0x3FDB];
	s0 =	simm.s32 @p2 $0x1  }
0x17: {  	s4 =	simm.s32 $0x1BF5;
	[smem:$0x3FB5] =	sst s0  }
0x18: {  	s0 =	sld [smem:$0x3F98];
	_ =	swait.ge [sflag:s4], $0x0  }
0x19: {  	s7 =	sld [smem:$0x3F99]  }
0x1a: {  	s8 =	sadd.s32 $0xFFFFE003, lr  }
0x1b: {  	s9 =	sadd.s32 $0xFFFFFEF7, lr;
	s5 =	simm.s32 $0xFFFFFFFF;
	p2 =	slt.u32 s8, $0xFFFFF086  }
0x1c: {  	p1 =	slt.u32 s9, $0xF7A;
	s5 =	simm.s32 @!p2 $0x0  }
0x1d: {  	s5 =	simm.s32 @p1 $0x1;
	p0 =	seq.s32 s7, s2  }
0x1e: {  	s7 =	smul.u32 @!p0 $0xF7A, s2;
	p2 =	seq.s32 @!p0 s5, $0x0  }
0x1f: {  	s9 =	smul.u32 $0xF7A, s1;
	s8 =	simm.s32 @!p0 $0x1BF5;
	p2 =	por !p2, p0  }
0x20: {  	[sflag:s8] =	ssyncset.s32 @!p0 $0xFFFFF086;
	s6 =	sadd.s32 @!p0 s3, s7;
	s7 =	simm.s32 @!p0 $0x108  }
0x21: {  	s3 =	sadd.s32 s3, s9;
	s6 =	sadd.s32 @!p0 $0x88, s6;
	s7 =	simm.s32 @p2 $0x1082  }
0x22: {  	[simem:s7], [sflag:s8] =	dma.local @!p0 [hbm:s6], $0xF7A  }
0x23: {  	s9 =	sor.u32 $0xD0000000, s2;
	s6 =	simm.s32 $0x108;
	_ =	swait.ge @!p0 [sflag:s8], $0x0  }
0x24: {  	s3 =	sadd.s32 $0x88, s3;
	s6 =	simm.s32 @!p1 $0x1082;
	[sflag:s4] =	ssyncset.s32 $0xFFFFF086  }
0x25: {  	[simem:s6], [sflag:s4] =	dma.local [hbm:s3], $0xF7A  }
0x26: {  	[smem:$0x3F99] =	sst s1;
	(tag) =	ssettag s2;
	_ =	strace s9  }
0x27: {  	s1 =	sld [smem:$0x3FA9]  }
0x28: {  	s2 =	sld [smem:$0x3FAA]  }
0x29: {  	s4 =	sld [smem:$0x3FAC]  }
0x2a: {  	p0 =	seq.s32 s5, $0x0;
	s5 =	sld [smem:$0x3FAD]  }
0x2b: {  	s6 =	sld [smem:$0x3FAE]  }
0x2c: {  	s7 =	sld [smem:$0x3FAF]  }
0x2d: {  	s3 =	simm.s32 $0x108;
	s8 =	sld [smem:$0x3FB0]  }
0x2e: {  	s3 =	simm.s32 @!p0 $0x1082;
	s9 =	sld [smem:$0x3FB1]  }
0x2f: {  	lr =	sadd.s32 s0, s3;
	s0 =	sld [smem:$0x3FA8]  }
0x30: {  	s3 =	sld [smem:$0x3FAB]  }
0x31: {  	[smem:$0x3FB4] =	sst s10  }
0x32: {  	s10 =	sld [smem:$0x3FB2];
	_ =	sdelay $0x3  }
0x33: {  	p0 =	seq.s32 s10, $0x1;
	s10 =	sld [smem:$0x3FB4];
	_ =	sdelay $0x3  }
0x34: {  	[smem:$0x3FB4] =	sst s10  }
0x35: {  	s10 =	sld [smem:$0x3FB3];
	_ =	sdelay $0x3  }
0x36: {  	p1 =	seq.s32 s10, $0x1;
	s10 =	sld [smem:$0x3FB4];
	_ =	sdelay $0x3  }
0x37: {  	[smem:$0x3FB4] =	sst s10  }
0x38: {  	s10 =	sld [smem:$0x3FB5]  }
0x39: {  	_ = 	snop;
	(pc) =	sbr.ind lr, $3  }
0x3a: {  	_ = 	snop  }
0x3b: {  	_ = 	snop  }
0x3c: {  	p2 =	seq.s32 s10, $0x1;
	s10 =	sld [smem:$0x3FB4]  }
0x3d: {  	_ =	shalt  }
0x3e: {  	_ =	shalt  }
0x3f: {  	_ =	shalt  }
0x40: {  	_ =	shalt  }
0x41: {  	_ =	shalt  }
0x42: {  	_ =	shalt  }
0x43: {  	_ =	shalt  }
0x44: {  	_ =	shalt  }
0x45: {  	_ =	shalt  }
0x46: {  	_ =	shalt  }
0x47: {  	_ =	shalt  }
0x48: {  	_ =	shalt  }
0x49: {  	_ =	shalt  }
0x4a: {  	_ =	shalt  }
0x4b: {  	_ =	shalt  }
0x4c: {  	_ =	shalt  }
0x4d: {  	_ =	shalt  }
0x4e: {  	_ =	shalt  }
0x4f: {  	_ =	shalt  }
0x50: {  	_ =	shalt  }
0x51: {  	_ =	shalt  }
0x52: {  	_ =	shalt  }
0x53: {  	_ =	shalt  }
0x54: {  	_ =	shalt  }
0x55: {  	_ =	shalt  }
0x56: {  	_ =	shalt  }
0x57: {  	_ =	shalt  }
0x58: {  	_ =	shalt  }
0x59: {  	_ =	shalt  }
0x5a: {  	_ =	shalt  }
0x5b: {  	_ =	shalt  }
0x5c: {  	_ =	shalt  }
0x5d: {  	_ =	shalt  }
0x5e: {  	_ =	shalt  }
0x5f: {  	_ =	shalt  }
0x60: {  	_ =	shalt  }
0x61: {  	_ =	shalt  }
0x62: {  	_ =	shalt  }
0x63: {  	_ =	shalt  }
0x64: {  	_ =	shalt  }
0x65: {  	_ =	shalt  }
0x66: {  	_ =	shalt  }
0x67: {  	_ =	shalt  }
0x68: {  	_ =	shalt  }
0x69: {  	_ =	shalt  }
0x6a: {  	_ =	shalt  }
0x6b: {  	_ =	shalt  }
0x6c: {  	_ =	shalt  }
0x6d: {  	_ =	shalt  }
0x6e: {  	_ =	shalt  }
0x6f: {  	_ =	shalt  }
0x70: {  	_ =	shalt  }
0x71: {  	_ =	shalt  }
0x72: {  	_ =	shalt  }
0x73: {  	_ =	shalt  }
0x74: {  	_ =	shalt  }
0x75: {  	_ =	shalt  }
0x76: {  	_ =	shalt  }
0x77: {  	_ =	shalt  }
0x78: {  	_ =	shalt  }
0x79: {  	_ =	shalt  }
0x7a: {  	_ =	shalt  }
0x7b: {  	_ =	shalt  }
0x7c: {  	_ =	shalt  }
0x7d: {  	_ =	shalt  }
0x7e: {  	_ =	shalt  }
0x7f: {  	_ =	shalt  }
0x80: {  	_ =	shalt  }
0x81: {  	_ =	shalt  }
0x82: {  	_ =	shalt  }
0x83: {  	_ =	shalt  }
0x84: {  	_ =	shalt  }
0x85: {  	_ =	shalt  }
0x86: {  	_ =	shalt  }
0x87: {  	_ =	shalt  }
.Lfunc_end0:
.L_simem_size_0:
called_computation_lowered:
.L_overlay_start_0:
0x88: {  	s2 =	sld [smem:$0x3FD9]  }
0x89: {  	s3 =	sld [smem:$0x3FFE];
	_ =	sdelay $0x1  }
0x8a: {  	s1 =	srdreg.scid  }
0x8b: {  	s0 =	sand.u32 $0x1, s1  }
0x8c: {  	s15 =	sshll.u32 s0, $0xA;
	s2 =	sadd.s32 s3, s2  }
0x8d: {  	s2 =	sadd.s32 s2, s15  }
0x8e: {  	[smem:$0x3FC0] =	sst s2  }
0x8f: {  	_ = 	snop  }
0x90: {  	s2 =	sld [smem:$0x3FD0];
	_ =	sdelay $0x2  }
0x91: {  	s16 =	simm.s32 $0xA;
	s4 =	simm.s32 $0x10  }
0x92: {  	[smem:s4], [sflag:s16] =	dma.local [hbm:s2], $0x1  }
0x93: {  	_ =	swait.eq [sflag:s16], $0x1  }
0x94: {  	s17 =	sld [smem:$0x10];
	[sflag:s16] =	ssyncset.done $0x0  }
0x95: {  	s18 =	sld [smem:$0x11];
	[sflag:s16] =	ssyncadd.s32 $0xFFFFFFFF  }
0x96: {  	s19 =	sld [smem:$0x13];
	(tm) =	ssettm $0x1  }
0x97: {  	s5 =	sld [smem:$0x3FFB];
	_ =	sdelay $0x3  }
0x98: {  	_ =	strace s5  }
0x99: {  	s5 =	sld [smem:$0x3FFC];
	_ =	sdelay $0x3  }
0x9a: {  	_ =	strace s5  }
0x9b: {  	s5 =	sld [smem:$0x3FFD];
	_ =	sdelay $0x3  }
0x9c: {  	_ =	strace s5  }
0x9d: {  	_ =	strace $0x8FFFFFFF  }
0x9e: {  	s20 =	sld [smem:$0x3FDB];
	_ =	sdelay $0x1  }
0x9f: {  	s6 =	simm.s32 $_scs_section_size  }
0xa0: {  	s7 =	simm.s32 $_size__tile_overlayer_lowered;
	s8 =	simm.s32 $_tile_overlayer_lowered  }
0xa1: {  	s23 =	simm.s32 $0x1BFF;
	s22 =	sshll.u32 s8, $0x1;
	s5 =	sadd.s32 s6, s20  }
0xa2: {  	s9 =	simm.s32 $0x0;
	s21 =	sshll.u32 s7, $0x1;
	s7 =	sadd.s32 s22, s5  }
0xa3: {  	[timem:s9], [sflag:s23] =	dma.local [hbm:s7], s21  }
0xa4: {  	_ =	swait.ge [sflag:s23], s21  }
0xa5: {  	s6 =	ssub.s32 $0x0, s21;
	[sflag:s23] =	ssyncset.done $0x0  }
0xa6: {  	[sflag:s23] =	ssyncadd.s32 s6;
	_ =	sdelay $0x1  }
0xa7: {  	s24 =	simm.s32 $0x1B8B  }
0xa8: {  	_ =	swait.ge [sflag:s24], $0x1  }
0xa9: {  	[sflag:s24] =	ssyncset.done $0x0  }
0xaa: {  	s25 =	simm.s32 $0x1B8E;
	[sflag:s24] =	ssyncadd.s32 $0xFFFFFFFF  }
0xab: {  	s26 =	simm.s32 $execute0_lowered;
	[smem:$0x3FD2] =	sst s25  }
0xac: {  	s6 =	sshll.u32 s26, $0x1;
	_ =	strace $0x80000046;
	[dreg:$0x1] =	wrdreg $0xFFFFFFFF  }
0xad: {  	s28 =	simm.s32 $_size_execute0_lowered;
	s5 =	sadd.s32 s5, s6;
	[dreg:$0x0] =	wrdreg $0x0  }
0xae: {  	s6 =	sshll.u32 s28, $0x1;
	[dreg:$0x2] =	wrdreg s5  }
0xaf: {  	[dreg:$0x3] =	wrdreg s6  }
0xb0: {  	[dreg:$0x4] =	wrdreg $0xC0  }
0xb1: {  	_ =	task [dreg:s9], $0x5FFFF  }
0xb2: {  	[dreg:$0x1] =	wrdreg $0xFFFFFFFF  }
0xb3: {  	[dreg:$0x0] =	wrdreg $0x60  }
0xb4: {  	[dreg:$0x2] =	wrdreg s19  }
0xb5: {  	[dreg:$0x3] =	wrdreg s17  }
0xb6: {  	[dreg:$0x4] =	wrdreg s18  }
0xb7: {  	[dreg:$0x5] =	wrdreg $0x9  }
0xb8: {  	_ =	task.clear_ibuf [dreg:s9], $0x6FFFF;
	_ =	strace $0x90000046  }
0xb9: {  	s29 =	simm.s32 $0x9;
	_ =	strace $0x80000048  }
0xba: {  	_ =	swait.ge [sflag:s29], $0x1  }
0xbb: {  	[sflag:s29] =	ssyncadd.s32 $0xFFFFFFFF  }
0xbc: {  	_ =	strace $0x90000048  }
0xbd: {  	_ =	sfence  }
0xbe: {  	s30 =	sld [smem:$0x0];
	_ =	sdelay $0x2  }
0xbf: {  	s31 =	sshll.u32 s1, $0xD;
	s1 =	sshrl.u32 s1, $0x2  }
0xc0: {  	s3 =	sand.u32 $0x4000, s31;
	s1 =	sadd.s32 s1, s30  }
0xc1: {  	s0 =	sor.u32 s3, s0;
	s1 =	sshll.u32 s1, $0x11  }
0xc2: {  	s0 =	sor.u32 s1, s0  }
0xc3: {  	s0 =	sadd.s32 $0x8F2B, s0  }
0xc4: {  	[sflag:s0] =	ssyncadd.remote.s32 $0x1  }
0xc5: {  	_ =	sfence.sel $0xFFFF  }
0xc6: {  	[dreg:$0x0] =	wrdreg $0xFFFFFFFF;
	(pc) =	sbr.abs _section_cstart, $3  }
0xc7: {  	[dreg:$0x1] =	wrdreg $0xFFFFFFFF  }
0xc8: {  	_ =	task.clear_ibuf [dreg:s9], $0x2FFFF;
	_ =	strace $0x9FFFFFFF  }
0xc9: {  	(tm) =	ssettm $0x7FFFFFFF  }
tec
execute0_lowered:
.L_overlay_start_1:
0x0: {  	(tag) =	ssettag $0x1  }
0x1: {  	s1 =	rddreg [dreg:$0x0]  }
0x2: {  	s2 =	srdreg.scid;
	s4 =	rddreg [dreg:$0x1]  }
0x3: {  	s0 =	stileid.u32;
	s5 =	rddreg [dreg:$0x2]  }
0x4: {  	s3 =	simm.s32 $0x0;
	s19 =	simm.s32 $0x900;
	s20 =	simm.s32 $0x1100  }
0x5: {  	s21 =	simm.s32 $0x1900;
	s23 =	simm.s32 $0x2100;
	s24 =	simm.s32 $0x2900  }
0x6: {  	s25 =	simm.s32 $0x3100;
	s26 =	simm.s32 $0x3900;
	s8 =	simm.s32 $0x4900  }
0x7: {  	s9 =	simm.s32 $0x5100;
	s10 =	simm.s32 $0x5900;
	s11 =	simm.s32 $0x6100  }
0x8: {  	s12 =	simm.s32 $0x6900;
	s13 =	simm.s32 $0x7100;
	[smem:$0x7FF] =	sst s3  }
0x9: {  	s14 =	simm.s32 $0x7900;
	_ =	strace $0x80000047;
	[dreg:$0x6] =	wrdreg s19  }
0xa: {  	s15 =	simm.s32 $0x8100;
	s16 =	simm.s32 $0x8900;
	[dreg:$0x7] =	wrdreg s20  }
0xb: {  	s17 =	simm.s32 $0x9100;
	s28 =	simm.s32 $0xE100;
	[dreg:$0x8] =	wrdreg s21  }
0xc: {  	s29 =	simm.s32 $0xE900;
	s30 =	simm.s32 $0xF100;
	[dreg:$0x9] =	wrdreg s23  }
0xd: {  	s31 =	simm.s32 $0xF900;
	s2 =	sand.u32 $0x1, s2;
	[dreg:$0xa] =	wrdreg s24  }
0xe: {  	s6 =	sshll.u32 s0, $0x9;
	s7 =	sshll.u32 s2, $0x8;
	[dreg:$0xb] =	wrdreg s25  }
0xf: {  	s2 =	ssub.s32 $0x2, s2;
	[dreg:$0xc] =	wrdreg s26;
	s19 =	simm.s32 $0xA100  }
0x10: {  	s20 =	simm.s32 $0xA900;
	s21 =	simm.s32 $0xB100;
	s23 =	simm.s32 $0xC100  }
0x11: {  	s24 =	simm.s32 $0xC900;
	s25 =	simm.s32 $0xD100;
	s6 =	sor.u32 s7, s6  }
0x12: {  	s26 =	simm.s32 $0xD900;
	s22 =	sshrl.u32 s2, $0x1;
	s7 =	sshrl.u32 s6, $0x3  }
0x13: {  	s6 =	sshll.u32 s6, $0x5;
	s2 =	ssub.s32 s2, s22;
	s4 =	sadd.s32 s4, s7  }
0x14: {  	v2 =	vlaneseq.u32;
	s22 =	simm.s32 $0xB900;
	s18 =	sadd.s32 s5, s6;
	[dreg:$0x4] =	wrdreg s4  }
0x15: {  	vm0 =	vmmov $0xffff;
	v1 =	vshrl.u32 v2, $0x3;
	s5 =	simm.s32 $0x2;
	s6 =	simm.s32 $0x100;
	[dreg:$0x5] =	wrdreg s18  }
0x16: {  	v0 =	vand.u32 $0x7, v2;
	v2 =	vor.u32 $0x8, v2;
	v1 =	vmul.u32 $0x8, v1;
	s4 =	smax.u32 s2, $0x1;
	s18 =	simm.s32 $0x9900;
	s2 =	simm.s32 $0x1  }
.LBB2_1:
0x17: {  	s0 =	rddreg [dreg:$0x4]  }
0x18: {  	[tilespmem:s3], [sflag:$0x2] =	stream.linear.gather [hbm4b:s0+s3], $0x100, $0x38;
	[tilespmem:$0x10100] =	vst v63  }
0x19: {  	_ =	swait.ge [sflag:s5], $0x100  }
0x1a: {  	[sflag:s5] =	ssyncset.done $0x0  }
0x1b: {  	[sflag:s5] =	ssyncadd.s32 $0xFFFFFF00  }
0x1c: {  	v3 =	vld [tilespmem:$0x0];
	_ =	sdelay $0x4  }
0x1d: {  	v4 =	vshll.u32 v3, $0x1  }
0x1e: {  	v3 =	vand.u32 $0x7, v3;
	v4 =	vand.u32 $0xFFFFFFF0, v4  }
0x1f: {  	v3 =	vor.u32 v3, v4  }
0x20: {  	v4 =	vperm.xlane v3, v0;
	_ =	sdelay $0x1  }
0x21: {  	v3 =	vperm.xlane v3, v2;
	v4 =	vadd.s32 v1, v4;
	_ =	sdelay $0x1  }
0x22: {  	v3 =	vadd.s32 v1, v3;
	_ =	sdelay $0x2  }
0x23: {  	[tilespmem:s6], [sflag:$0x1] =	stream.indirect_vreg.gather [hbm4b:s1+s3], $0x80, v4, vm0, $0xb8;
	[tilespmem:$0x10100] =	vst v63  }
0x24: {  	s7 =	rddreg [dreg:$0x6]  }
0x25: {  	[tilespmem:s7], [sflag:$0x1] =	stream.indirect_vreg.gather [hbm4b:s1+s3], $0x80, v3, vm0, $0xb8;
	[tilespmem:$0x10100] =	vst v63  }
0x26: {  	v3 =	vld [tilespmem:$0x10];
	_ =	sdelay $0x4  }
0x27: {  	v49 =	vshll.u32 v3, $0x1  }
0x28: {  	v3 =	vand.u32 $0x7, v3;
	v4 =	vand.u32 $0xFFFFFFF0, v49  }
0x29: {  	v3 =	vor.u32 v3, v4  }
0x2a: {  	v4 =	vperm.xlane v3, v0;
	_ =	sdelay $0x1  }
0x2b: {  	v3 =	vperm.xlane v3, v2;
	v4 =	vadd.s32 v1, v4;
	_ =	sdelay $0x1  }
0x2c: {  	v3 =	vadd.s32 v1, v3;
	_ =	sdelay $0x1  }
0x2d: {  	s0 =	rddreg [dreg:$0x7]  }
0x2e: {  	[tilespmem:s0], [sflag:$0x1] =	stream.indirect_vreg.gather [hbm4b:s1+s3], $0x80, v4, vm0, $0xb8;
	[tilespmem:$0x10100] =	vst v63  }
0x2f: {  	s7 =	rddreg [dreg:$0x8]  }
0x30: {  	[tilespmem:s7], [sflag:$0x1] =	stream.indirect_vreg.gather [hbm4b:s1+s3], $0x80, v3, vm0, $0xb8;
	[tilespmem:$0x10100] =	vst v63  }
0x31: {  	v3 =	vld [tilespmem:$0x20];
	_ =	sdelay $0x4  }
0x32: {  	v50 =	vshll.u32 v3, $0x1  }
0x33: {  	v3 =	vand.u32 $0x7, v3;
	v4 =	vand.u32 $0xFFFFFFF0, v50  }
0x34: {  	v3 =	vor.u32 v3, v4  }
0x35: {  	v4 =	vperm.xlane v3, v0;
	_ =	sdelay $0x1  }
0x36: {  	v3 =	vperm.xlane v3, v2;
	v4 =	vadd.s32 v1, v4;
	_ =	sdelay $0x1  }
0x37: {  	v3 =	vadd.s32 v1, v3;
	_ =	sdelay $0x1  }
0x38: {  	s0 =	rddreg [dreg:$0x9]  }
0x39: {  	[tilespmem:s0], [sflag:$0x1] =	stream.indirect_vreg.gather [hbm4b:s1+s3], $0x80, v4, vm0, $0xb8;
	[tilespmem:$0x10100] =	vst v63  }
0x3a: {  	s7 =	rddreg [dreg:$0xa]  }
0x3b: {  	[tilespmem:s7], [sflag:$0x1] =	stream.indirect_vreg.gather [hbm4b:s1+s3], $0x80, v3, vm0, $0xb8;
	[tilespmem:$0x10100] =	vst v63  }
0x3c: {  	v3 =	vld [tilespmem:$0x30];
	_ =	sdelay $0x4  }
0x3d: {  	v51 =	vshll.u32 v3, $0x1  }
0x3e: {  	v3 =	vand.u32 $0x7, v3;
	v4 =	vand.u32 $0xFFFFFFF0, v51  }
0x3f: {  	v3 =	vor.u32 v3, v4  }
0x40: {  	v4 =	vperm.xlane v3, v0;
	_ =	sdelay $0x1  }
0x41: {  	v3 =	vperm.xlane v3, v2;
	v4 =	vadd.s32 v1, v4;
	_ =	sdelay $0x1  }
0x42: {  	v3 =	vadd.s32 v1, v3;
	_ =	sdelay $0x1  }
0x43: {  	s0 =	rddreg [dreg:$0xb]  }
0x44: {  	[tilespmem:s0], [sflag:$0x1] =	stream.indirect_vreg.gather [hbm4b:s1+s3], $0x80, v4, vm0, $0xb8;
	[tilespmem:$0x10100] =	vst v63  }
0x45: {  	s7 =	rddreg [dreg:$0xc]  }
0x46: {  	[tilespmem:s7], [sflag:$0x1] =	stream.indirect_vreg.gather [hbm4b:s1+s3], $0x80, v3, vm0, $0xb8;
	[tilespmem:$0x10100] =	vst v63  }
0x47: {  	v3 =	vld [tilespmem:$0x40];
	_ =	sdelay $0x4  }
0x48: {  	v52 =	vshll.u32 v3, $0x1  }
0x49: {  	v3 =	vand.u32 $0x7, v3;
	v4 =	vand.u32 $0xFFFFFFF0, v52  }
0x4a: {  	v3 =	vor.u32 v3, v4  }
0x4b: {  	v4 =	vperm.xlane v3, v0;
	_ =	sdelay $0x1  }
0x4c: {  	v3 =	vperm.xlane v3, v2;
	v4 =	vadd.s32 v1, v4;
	_ =	sdelay $0x1  }
0x4d: {  	v3 =	vadd.s32 v1, v3;
	_ =	sdelay $0x1  }
0x4e: {  	s7 =	simm.s32 $0x4100  }
0x4f: {  	[tilespmem:s7], [sflag:$0x1] =	stream.indirect_vreg.gather [hbm4b:s1+s3], $0x80, v4, vm0, $0xb8;
	[tilespmem:$0x10100] =	vst v63  }
0x50: {  	_ = 	snop  }
0x51: {  	[tilespmem:s8], [sflag:$0x1] =	stream.indirect_vreg.gather [hbm4b:s1+s3], $0x80, v3, vm0, $0xb8;
	[tilespmem:$0x10100] =	vst v63  }
0x52: {  	v3 =	vld [tilespmem:$0x50];
	_ =	sdelay $0x4  }
0x53: {  	v53 =	vshll.u32 v3, $0x1  }
0x54: {  	v3 =	vand.u32 $0x7, v3;
	v4 =	vand.u32 $0xFFFFFFF0, v53  }
0x55: {  	v3 =	vor.u32 v3, v4  }
0x56: {  	v4 =	vperm.xlane v3, v0;
	_ =	sdelay $0x1  }
0x57: {  	v3 =	vperm.xlane v3, v2;
	v4 =	vadd.s32 v1, v4;
	_ =	sdelay $0x1  }
0x58: {  	v3 =	vadd.s32 v1, v3;
	_ =	sdelay $0x2  }
0x59: {  	[tilespmem:s9], [sflag:$0x1] =	stream.indirect_vreg.gather [hbm4b:s1+s3], $0x80, v4, vm0, $0xb8;
	[tilespmem:$0x10100] =	vst v63  }
0x5a: {  	_ = 	snop  }
0x5b: {  	[tilespmem:s10], [sflag:$0x1] =	stream.indirect_vreg.gather [hbm4b:s1+s3], $0x80, v3, vm0, $0xb8;
	[tilespmem:$0x10100] =	vst v63  }
0x5c: {  	v3 =	vld [tilespmem:$0x60];
	_ =	sdelay $0x4  }
0x5d: {  	v54 =	vshll.u32 v3, $0x1  }
0x5e: {  	v3 =	vand.u32 $0x7, v3;
	v4 =	vand.u32 $0xFFFFFFF0, v54  }
0x5f: {  	v3 =	vor.u32 v3, v4  }
0x60: {  	v4 =	vperm.xlane v3, v0;
	_ =	sdelay $0x1  }
0x61: {  	v3 =	vperm.xlane v3, v2;
	v4 =	vadd.s32 v1, v4;
	_ =	sdelay $0x1  }
0x62: {  	v3 =	vadd.s32 v1, v3;
	_ =	sdelay $0x2  }
0x63: {  	[tilespmem:s11], [sflag:$0x1] =	stream.indirect_vreg.gather [hbm4b:s1+s3], $0x80, v4, vm0, $0xb8;
	[tilespmem:$0x10100] =	vst v63  }
0x64: {  	_ = 	snop  }
0x65: {  	[tilespmem:s12], [sflag:$0x1] =	stream.indirect_vreg.gather [hbm4b:s1+s3], $0x80, v3, vm0, $0xb8;
	[tilespmem:$0x10100] =	vst v63  }
0x66: {  	v3 =	vld [tilespmem:$0x70];
	_ =	sdelay $0x4  }
0x67: {  	v55 =	vshll.u32 v3, $0x1  }
0x68: {  	v3 =	vand.u32 $0x7, v3;
	v4 =	vand.u32 $0xFFFFFFF0, v55  }
0x69: {  	v3 =	vor.u32 v3, v4  }
0x6a: {  	v4 =	vperm.xlane v3, v0;
	_ =	sdelay $0x1  }
0x6b: {  	v3 =	vperm.xlane v3, v2;
	v4 =	vadd.s32 v1, v4;
	_ =	sdelay $0x1  }
0x6c: {  	v3 =	vadd.s32 v1, v3;
	_ =	sdelay $0x2  }
0x6d: {  	[tilespmem:s13], [sflag:$0x1] =	stream.indirect_vreg.gather [hbm4b:s1+s3], $0x80, v4, vm0, $0xb8;
	[tilespmem:$0x10100] =	vst v63  }
0x6e: {  	_ = 	snop  }
0x6f: {  	[tilespmem:s14], [sflag:$0x1] =	stream.indirect_vreg.gather [hbm4b:s1+s3], $0x80, v3, vm0, $0xb8;
	[tilespmem:$0x10100] =	vst v63  }
0x70: {  	v3 =	vld [tilespmem:$0x80];
	_ =	sdelay $0x4  }
0x71: {  	v56 =	vshll.u32 v3, $0x1  }
0x72: {  	v3 =	vand.u32 $0x7, v3;
	v4 =	vand.u32 $0xFFFFFFF0, v56  }
0x73: {  	v3 =	vor.u32 v3, v4  }
0x74: {  	v4 =	vperm.xlane v3, v0;
	_ =	sdelay $0x1  }
0x75: {  	v3 =	vperm.xlane v3, v2;
	v4 =	vadd.s32 v1, v4;
	_ =	sdelay $0x1  }
0x76: {  	v3 =	vadd.s32 v1, v3;
	_ =	sdelay $0x2  }
0x77: {  	[tilespmem:s15], [sflag:$0x1] =	stream.indirect_vreg.gather [hbm4b:s1+s3], $0x80, v4, vm0, $0xb8;
	[tilespmem:$0x10100] =	vst v63  }
0x78: {  	_ = 	snop  }
0x79: {  	[tilespmem:s16], [sflag:$0x1] =	stream.indirect_vreg.gather [hbm4b:s1+s3], $0x80, v3, vm0, $0xb8;
	[tilespmem:$0x10100] =	vst v63  }
0x7a: {  	v3 =	vld [tilespmem:$0x90];
	_ =	sdelay $0x4  }
0x7b: {  	v57 =	vshll.u32 v3, $0x1  }
0x7c: {  	v3 =	vand.u32 $0x7, v3;
	v4 =	vand.u32 $0xFFFFFFF0, v57  }
0x7d: {  	v3 =	vor.u32 v3, v4  }
0x7e: {  	v4 =	vperm.xlane v3, v0;
	_ =	sdelay $0x1  }
0x7f: {  	v3 =	vperm.xlane v3, v2;
	v4 =	vadd.s32 v1, v4;
	_ =	sdelay $0x1  }
0x80: {  	v3 =	vadd.s32 v1, v3;
	_ =	sdelay $0x2  }
0x81: {  	[tilespmem:s17], [sflag:$0x1] =	stream.indirect_vreg.gather [hbm4b:s1+s3], $0x80, v4, vm0, $0xb8;
	[tilespmem:$0x10100] =	vst v63  }
0x82: {  	_ = 	snop  }
0x83: {  	[tilespmem:s18], [sflag:$0x1] =	stream.indirect_vreg.gather [hbm4b:s1+s3], $0x80, v3, vm0, $0xb8;
	[tilespmem:$0x10100] =	vst v63  }
0x84: {  	v3 =	vld [tilespmem:$0xA0];
	_ =	sdelay $0x4  }
0x85: {  	v58 =	vshll.u32 v3, $0x1  }
0x86: {  	v3 =	vand.u32 $0x7, v3;
	v4 =	vand.u32 $0xFFFFFFF0, v58  }
0x87: {  	v3 =	vor.u32 v3, v4  }
0x88: {  	v4 =	vperm.xlane v3, v0;
	_ =	sdelay $0x1  }
0x89: {  	v3 =	vperm.xlane v3, v2;
	v4 =	vadd.s32 v1, v4;
	_ =	sdelay $0x1  }
0x8a: {  	v3 =	vadd.s32 v1, v3;
	_ =	sdelay $0x2  }
0x8b: {  	[tilespmem:s19], [sflag:$0x1] =	stream.indirect_vreg.gather [hbm4b:s1+s3], $0x80, v4, vm0, $0xb8;
	[tilespmem:$0x10100] =	vst v63  }
0x8c: {  	_ = 	snop  }
0x8d: {  	[tilespmem:s20], [sflag:$0x1] =	stream.indirect_vreg.gather [hbm4b:s1+s3], $0x80, v3, vm0, $0xb8;
	[tilespmem:$0x10100] =	vst v63  }
0x8e: {  	v3 =	vld [tilespmem:$0xB0];
	_ =	sdelay $0x4  }
0x8f: {  	v59 =	vshll.u32 v3, $0x1  }
0x90: {  	v3 =	vand.u32 $0x7, v3;
	v4 =	vand.u32 $0xFFFFFFF0, v59  }
0x91: {  	v3 =	vor.u32 v3, v4  }
0x92: {  	v4 =	vperm.xlane v3, v0;
	_ =	sdelay $0x1  }
0x93: {  	v3 =	vperm.xlane v3, v2;
	v4 =	vadd.s32 v1, v4;
	_ =	sdelay $0x1  }
0x94: {  	v3 =	vadd.s32 v1, v3;
	_ =	sdelay $0x2  }
0x95: {  	[tilespmem:s21], [sflag:$0x1] =	stream.indirect_vreg.gather [hbm4b:s1+s3], $0x80, v4, vm0, $0xb8;
	[tilespmem:$0x10100] =	vst v63  }
0x96: {  	_ = 	snop  }
0x97: {  	[tilespmem:s22], [sflag:$0x1] =	stream.indirect_vreg.gather [hbm4b:s1+s3], $0x80, v3, vm0, $0xb8;
	[tilespmem:$0x10100] =	vst v63  }
0x98: {  	v3 =	vld [tilespmem:$0xC0];
	_ =	sdelay $0x4  }
0x99: {  	v60 =	vshll.u32 v3, $0x1  }
0x9a: {  	v3 =	vand.u32 $0x7, v3;
	v4 =	vand.u32 $0xFFFFFFF0, v60  }
0x9b: {  	v3 =	vor.u32 v3, v4  }
0x9c: {  	v4 =	vperm.xlane v3, v0;
	_ =	sdelay $0x1  }
0x9d: {  	v3 =	vperm.xlane v3, v2;
	v4 =	vadd.s32 v1, v4;
	_ =	sdelay $0x1  }
0x9e: {  	v3 =	vadd.s32 v1, v3;
	_ =	sdelay $0x2  }
0x9f: {  	[tilespmem:s23], [sflag:$0x1] =	stream.indirect_vreg.gather [hbm4b:s1+s3], $0x80, v4, vm0, $0xb8;
	[tilespmem:$0x10100] =	vst v63  }
0xa0: {  	_ = 	snop  }
0xa1: {  	[tilespmem:s24], [sflag:$0x1] =	stream.indirect_vreg.gather [hbm4b:s1+s3], $0x80, v3, vm0, $0xb8;
	[tilespmem:$0x10100] =	vst v63  }
0xa2: {  	v3 =	vld [tilespmem:$0xD0];
	_ =	sdelay $0x4  }
0xa3: {  	v61 =	vshll.u32 v3, $0x1  }
0xa4: {  	v3 =	vand.u32 $0x7, v3;
	v4 =	vand.u32 $0xFFFFFFF0, v61  }
0xa5: {  	v3 =	vor.u32 v3, v4  }
0xa6: {  	v4 =	vperm.xlane v3, v0;
	_ =	sdelay $0x1  }
0xa7: {  	v3 =	vperm.xlane v3, v2;
	v4 =	vadd.s32 v1, v4;
	_ =	sdelay $0x1  }
0xa8: {  	v3 =	vadd.s32 v1, v3;
	_ =	sdelay $0x2  }
0xa9: {  	[tilespmem:s25], [sflag:$0x1] =	stream.indirect_vreg.gather [hbm4b:s1+s3], $0x80, v4, vm0, $0xb8;
	[tilespmem:$0x10100] =	vst v63  }
0xaa: {  	_ = 	snop  }
0xab: {  	[tilespmem:s26], [sflag:$0x1] =	stream.indirect_vreg.gather [hbm4b:s1+s3], $0x80, v3, vm0, $0xb8;
	[tilespmem:$0x10100] =	vst v63  }
0xac: {  	v3 =	vld [tilespmem:$0xE0];
	_ =	sdelay $0x4  }
0xad: {  	v62 =	vshll.u32 v3, $0x1  }
0xae: {  	v3 =	vand.u32 $0x7, v3;
	v4 =	vand.u32 $0xFFFFFFF0, v62  }
0xaf: {  	v3 =	vor.u32 v3, v4  }
0xb0: {  	v4 =	vperm.xlane v3, v0;
	_ =	sdelay $0x1  }
0xb1: {  	v3 =	vperm.xlane v3, v2;
	v4 =	vadd.s32 v1, v4;
	_ =	sdelay $0x1  }
0xb2: {  	v3 =	vadd.s32 v1, v3;
	_ =	sdelay $0x2  }
0xb3: {  	[tilespmem:s28], [sflag:$0x1] =	stream.indirect_vreg.gather [hbm4b:s1+s3], $0x80, v4, vm0, $0xb8;
	[tilespmem:$0x10100] =	vst v63  }
0xb4: {  	_ = 	snop  }
0xb5: {  	[tilespmem:s29], [sflag:$0x1] =	stream.indirect_vreg.gather [hbm4b:s1+s3], $0x80, v3, vm0, $0xb8;
	[tilespmem:$0x10100] =	vst v63  }
0xb6: {  	v3 =	vld [tilespmem:$0xF0];
	_ =	sdelay $0x4  }
0xb7: {  	v63 =	vshll.u32 v3, $0x1  }
0xb8: {  	v3 =	vand.u32 $0x7, v3;
	v4 =	vand.u32 $0xFFFFFFF0, v63  }
0xb9: {  	v3 =	vor.u32 v3, v4  }
0xba: {  	v4 =	vperm.xlane v3, v0;
	_ =	sdelay $0x1  }
0xbb: {  	v3 =	vperm.xlane v3, v2;
	v4 =	vadd.s32 v1, v4;
	_ =	sdelay $0x1  }
0xbc: {  	v3 =	vadd.s32 v1, v3;
	_ =	sdelay $0x2  }
0xbd: {  	[tilespmem:s30], [sflag:$0x1] =	stream.indirect_vreg.gather [hbm4b:s1+s3], $0x80, v4, vm0, $0xb8;
	[tilespmem:$0x10100] =	vst v63  }
0xbe: {  	_ = 	snop  }
0xbf: {  	[tilespmem:s31], [sflag:$0x1] =	stream.indirect_vreg.gather [hbm4b:s1+s3], $0x80, v3, vm0, $0xb8;
	[tilespmem:$0x10100] =	vst v63  }
0xc0: {  	_ =	swait.ge [sflag:s2], $0x10000  }
0xc1: {  	p0 =	sne.s32 s4, $0x1;
	[sflag:s2] =	ssyncset.done $0x0  }
.Ltmp0:
0xc2: {  	s7 =	rddreg [dreg:$0x5];
	[sflag:s2] =	ssyncadd.s32 $0xFFFF0000;
	(pc) =	sbr.rel @p0 .LBB2_1-.Ltmp0, $4  }
0xc3: {  	[hbm4b:s7+s3] =	stream.linear.scatter [tilespmem:s6], [sflag:$0x2], $0x10000, $0x38;
	[tilespmem:$0x10100] =	vst v63  }
0xc4: {  	_ =	swait.ge [sflag:s5], $0x10000  }
0xc5: {  	[sflag:s5] =	ssyncset.done $0x0  }
0xc6: {  	s4 =	sadd.s32 $0xFFFFFFFF, s4;
	[sflag:s5] =	ssyncadd.s32 $0xFFFF0000  }
0xc7: {  	_ =	sfence.sel $0x180000  }
0xc8: {  	[bflag:$0x0] =	sbarrier.arrive $0xFFFF  }
0xc9: {  	_ =	strace $0x90000047  }
0xca: {  	s0 =	stileid.u32;
	[bflag:$0x2] =	sbarrier.arrive $0xFFFF  }
0xcb: {  	p0 =	sne.s32 s0, $0x0;
	s0 =	rddreg [dreg:$0x3]  }
0xcc: {  	s0 =	sadd.s32 @!p0 $0x100000, s0  }
0xcd: {  	[sflag:s0] =	ssyncadd.tile.s32 @!p0 $0x1;
	_ =	shalt  }
.Lfunc_end2:
_tile_overlayer_lowered:
.L_overlay_start_2:
0xce: {  	(tag) =	ssettag $0x2  }
0xcf: {  	s0 =	rddreg [dreg:$0x0];
	s2 =	stileid.u32  }
0xd0: {  	s1 =	rddreg [dreg:$0x1];
	p0 =	sne.s32 s2, $0x0  }
0xd1: {  	s3 =	rddreg [dreg:$0x2];
	[bflag:$0x3] =	sbarrier.arrive $0xFFFF;
	s2 =	simm.s32 @!p0 $0x1C02  }
0xd2: {  	[timem:s3], [sflag:s2] =	dma.local @!p0 [hbm:s0], s1  }
0xd3: {  	s0 =	simm.s32 @!p0 $0x2  }
0xd4: {  	_ =	swait.ge @!p0 [sflag:s0], s1  }
0xd5: {  	s1 =	ssub.s32 @!p0 $0x0, s1;
	[sflag:s0] =	ssyncset.done @!p0 $0x0  }
0xd6: {  	[sflag:s0] =	ssyncadd.s32 @!p0 s1  }
0xd7: {  	[bflag:$0x3] =	sbarrier.arrive $0xFFFF  }
0xd8: {  	_ =	shalt  }

// kernel: kernel.17.cloned.1.call-start
scs
__scs_entry_jumppad:
0x0: {  	(pc) =	sbr.rel $0x88, $3  }
0x1: {  	(tag) =	ssettag $0x0;
	lr =	simm.s32 $0x1  }
0x2: {  	[smem:$0x3F99] =	sst lr;
	_ =	strace $0xD0000000  }
0x3: {  	_ = 	snop  }
0x4: {  	_ = 	snop  }
0x5: {  	_ = 	snop  }
0x6: {  	_ = 	snop  }
0x7: {  	_ = 	snop  }
__scs_overlays_trampoline_lowered:
0x8: {  	[smem:$0x3FA8] =	sst s0  }
0x9: {  	[smem:$0x3FA9] =	sst s1  }
0xa: {  	[smem:$0x3FAA] =	sst s2  }
0xb: {  	[smem:$0x3FAB] =	sst s3  }
0xc: {  	[smem:$0x3FAC] =	sst s4  }
0xd: {  	[smem:$0x3FAD] =	sst s5  }
0xe: {  	[smem:$0x3FAE] =	sst s6  }
0xf: {  	[smem:$0x3FAF] =	sst s7  }
0x10: {  	[smem:$0x3FB0] =	sst s8  }
0x11: {  	[smem:$0x3FB1] =	sst s9;
	s0 =	simm.s32 @!p0 $0x0  }
0x12: {  	s1 =	sld [smem:$0x3F97];
	s0 =	simm.s32 @p0 $0x1  }
0x13: {  	[smem:$0x3FB2] =	sst s0;
	s0 =	simm.s32 @!p1 $0x0  }
0x14: {  	s2 =	sld [smem:$0x3F96];
	s0 =	simm.s32 @p1 $0x1  }
0x15: {  	[smem:$0x3FB3] =	sst s0;
	s0 =	simm.s32 @!p2 $0x0  }
0x16: {  	s3 =	sld [smem:$0x3FDB];
	s0 =	simm.s32 @p2 $0x1  }
0x17: {  	s4 =	simm.s32 $0x1BF5;
	[smem:$0x3FB5] =	sst s0  }
0x18: {  	s0 =	sld [smem:$0x3F98];
	_ =	swait.ge [sflag:s4], $0x0  }
0x19: {  	s7 =	sld [smem:$0x3F99]  }
0x1a: {  	s8 =	sadd.s32 $0xFFFFE003, lr  }
0x1b: {  	s9 =	sadd.s32 $0xFFFFFEF7, lr;
	s5 =	simm.s32 $0xFFFFFFFF;
	p2 =	slt.u32 s8, $0xFFFFF086  }
0x1c: {  	p1 =	slt.u32 s9, $0xF7A;
	s5 =	simm.s32 @!p2 $0x0  }
0x1d: {  	s5 =	simm.s32 @p1 $0x1;
	p0 =	seq.s32 s7, s2  }
0x1e: {  	s7 =	smul.u32 @!p0 $0xF7A, s2;
	p2 =	seq.s32 @!p0 s5, $0x0  }
0x1f: {  	s9 =	smul.u32 $0xF7A, s1;
	s8 =	simm.s32 @!p0 $0x1BF5;
	p2 =	por !p2, p0  }
0x20: {  	[sflag:s8] =	ssyncset.s32 @!p0 $0xFFFFF086;
	s6 =	sadd.s32 @!p0 s3, s7;
	s7 =	simm.s32 @!p0 $0x108  }
0x21: {  	s3 =	sadd.s32 s3, s9;
	s6 =	sadd.s32 @!p0 $0x88, s6;
	s7 =	simm.s32 @p2 $0x1082  }
0x22: {  	[simem:s7], [sflag:s8] =	dma.local @!p0 [hbm:s6], $0xF7A  }
0x23: {  	s9 =	sor.u32 $0xD0000000, s2;
	s6 =	simm.s32 $0x108;
	_ =	swait.ge @!p0 [sflag:s8], $0x0  }
0x24: {  	s3 =	sadd.s32 $0x88, s3;
	s6 =	simm.s32 @!p1 $0x1082;
	[sflag:s4] =	ssyncset.s32 $0xFFFFF086  }
0x25: {  	[simem:s6], [sflag:s4] =	dma.local [hbm:s3], $0xF7A  }
0x26: {  	[smem:$0x3F99] =	sst s1;
	(tag) =	ssettag s2;
	_ =	strace s9  }
0x27: {  	s1 =	sld [smem:$0x3FA9]  }
0x28: {  	s2 =	sld [smem:$0x3FAA]  }
0x29: {  	s4 =	sld [smem:$0x3FAC]  }
0x2a: {  	p0 =	seq.s32 s5, $0x0;
	s5 =	sld [smem:$0x3FAD]  }
0x2b: {  	s6 =	sld [smem:$0x3FAE]  }
0x2c: {  	s7 =	sld [smem:$0x3FAF]  }
0x2d: {  	s3 =	simm.s32 $0x108;
	s8 =	sld [smem:$0x3FB0]  }
0x2e: {  	s3 =	simm.s32 @!p0 $0x1082;
	s9 =	sld [smem:$0x3FB1]  }
0x2f: {  	lr =	sadd.s32 s0, s3;
	s0 =	sld [smem:$0x3FA8]  }
0x30: {  	s3 =	sld [smem:$0x3FAB]  }
0x31: {  	[smem:$0x3FB4] =	sst s10  }
0x32: {  	s10 =	sld [smem:$0x3FB2];
	_ =	sdelay $0x3  }
0x33: {  	p0 =	seq.s32 s10, $0x1;
	s10 =	sld [smem:$0x3FB4];
	_ =	sdelay $0x3  }
0x34: {  	[smem:$0x3FB4] =	sst s10  }
0x35: {  	s10 =	sld [smem:$0x3FB3];
	_ =	sdelay $0x3  }
0x36: {  	p1 =	seq.s32 s10, $0x1;
	s10 =	sld [smem:$0x3FB4];
	_ =	sdelay $0x3  }
0x37: {  	[smem:$0x3FB4] =	sst s10  }
0x38: {  	s10 =	sld [smem:$0x3FB5]  }
0x39: {  	_ = 	snop;
	(pc) =	sbr.ind lr, $3  }
0x3a: {  	_ = 	snop  }
0x3b: {  	_ = 	snop  }
0x3c: {  	p2 =	seq.s32 s10, $0x1;
	s10 =	sld [smem:$0x3FB4]  }
0x3d: {  	_ =	shalt  }
0x3e: {  	_ =	shalt  }
0x3f: {  	_ =	shalt  }
0x40: {  	_ =	shalt  }
0x41: {  	_ =	shalt  }
0x42: {  	_ =	shalt  }
0x43: {  	_ =	shalt  }
0x44: {  	_ =	shalt  }
0x45: {  	_ =	shalt  }
0x46: {  	_ =	shalt  }
0x47: {  	_ =	shalt  }
0x48: {  	_ =	shalt  }
0x49: {  	_ =	shalt  }
0x4a: {  	_ =	shalt  }
0x4b: {  	_ =	shalt  }
0x4c: {  	_ =	shalt  }
0x4d: {  	_ =	shalt  }
0x4e: {  	_ =	shalt  }
0x4f: {  	_ =	shalt  }
0x50: {  	_ =	shalt  }
0x51: {  	_ =	shalt  }
0x52: {  	_ =	shalt  }
0x53: {  	_ =	shalt  }
0x54: {  	_ =	shalt  }
0x55: {  	_ =	shalt  }
0x56: {  	_ =	shalt  }
0x57: {  	_ =	shalt  }
0x58: {  	_ =	shalt  }
0x59: {  	_ =	shalt  }
0x5a: {  	_ =	shalt  }
0x5b: {  	_ =	shalt  }
0x5c: {  	_ =	shalt  }
0x5d: {  	_ =	shalt  }
0x5e: {  	_ =	shalt  }
0x5f: {  	_ =	shalt  }
0x60: {  	_ =	shalt  }
0x61: {  	_ =	shalt  }
0x62: {  	_ =	shalt  }
0x63: {  	_ =	shalt  }
0x64: {  	_ =	shalt  }
0x65: {  	_ =	shalt  }
0x66: {  	_ =	shalt  }
0x67: {  	_ =	shalt  }
0x68: {  	_ =	shalt  }
0x69: {  	_ =	shalt  }
0x6a: {  	_ =	shalt  }
0x6b: {  	_ =	shalt  }
0x6c: {  	_ =	shalt  }
0x6d: {  	_ =	shalt  }
0x6e: {  	_ =	shalt  }
0x6f: {  	_ =	shalt  }
0x70: {  	_ =	shalt  }
0x71: {  	_ =	shalt  }
0x72: {  	_ =	shalt  }
0x73: {  	_ =	shalt  }
0x74: {  	_ =	shalt  }
0x75: {  	_ =	shalt  }
0x76: {  	_ =	shalt  }
0x77: {  	_ =	shalt  }
0x78: {  	_ =	shalt  }
0x79: {  	_ =	shalt  }
0x7a: {  	_ =	shalt  }
0x7b: {  	_ =	shalt  }
0x7c: {  	_ =	shalt  }
0x7d: {  	_ =	shalt  }
0x7e: {  	_ =	shalt  }
0x7f: {  	_ =	shalt  }
0x80: {  	_ =	shalt  }
0x81: {  	_ =	shalt  }
0x82: {  	_ =	shalt  }
0x83: {  	_ =	shalt  }
0x84: {  	_ =	shalt  }
0x85: {  	_ =	shalt  }
0x86: {  	_ =	shalt  }
0x87: {  	_ =	shalt  }
.Lfunc_end0:
.L_simem_size_0:
called_computation.1_lowered:
.L_overlay_start_0:
0x88: {  	s2 =	sld [smem:$0x3FD9]  }
0x89: {  	s3 =	sld [smem:$0x3FFE];
	_ =	sdelay $0x1  }
0x8a: {  	s1 =	srdreg.scid  }
0x8b: {  	s0 =	sand.u32 $0x1, s1  }
0x8c: {  	s14 =	sshll.u32 s0, $0xA;
	s2 =	sadd.s32 s3, s2  }
0x8d: {  	s2 =	sadd.s32 s2, s14  }
0x8e: {  	[smem:$0x3FC0] =	sst s2  }
0x8f: {  	_ = 	snop  }
0x90: {  	s2 =	sld [smem:$0x3FD0];
	_ =	sdelay $0x2  }
0x91: {  	s15 =	simm.s32 $0xA;
	s4 =	simm.s32 $0x10  }
0x92: {  	[smem:s4], [sflag:s15] =	dma.local [hbm:s2], $0x1  }
0x93: {  	_ =	swait.eq [sflag:s15], $0x1  }
0x94: {  	[sflag:s15] =	ssyncset.done $0x0  }
0x95: {  	[sflag:s15] =	ssyncadd.s32 $0xFFFFFFFF  }
0x96: {  	s16 =	sld [smem:$0x10];
	(tm) =	ssettm $0x1  }
0x97: {  	s17 =	sld [smem:$0x3FFB];
	_ =	sdelay $0x3  }
0x98: {  	_ =	strace s17  }
0x99: {  	s3 =	sld [smem:$0x3FFC];
	_ =	sdelay $0x3  }
0x9a: {  	_ =	strace s3  }
0x9b: {  	s3 =	sld [smem:$0x3FFD];
	_ =	sdelay $0x3  }
0x9c: {  	_ =	strace s3  }
0x9d: {  	_ =	strace $0x8FFFFFFF  }
0x9e: {  	s18 =	sld [smem:$0x3FDB];
	_ =	sdelay $0x1  }
0x9f: {  	s19 =	simm.s32 $_scs_section_size  }
0xa0: {  	s5 =	simm.s32 $_size__tile_overlayer_lowered;
	s6 =	simm.s32 $_tile_overlayer_lowered  }
0xa1: {  	s22 =	simm.s32 $0x1BFF;
	s21 =	sshll.u32 s6, $0x1;
	s3 =	sadd.s32 s19, s18  }
0xa2: {  	s7 =	simm.s32 $0x0;
	s20 =	sshll.u32 s5, $0x1;
	s5 =	sadd.s32 s21, s3  }
0xa3: {  	[timem:s7], [sflag:s22] =	dma.local [hbm:s5], s20  }
0xa4: {  	_ =	swait.ge [sflag:s22], s20  }
0xa5: {  	s4 =	ssub.s32 $0x0, s20;
	[sflag:s22] =	ssyncset.done $0x0  }
0xa6: {  	[sflag:s22] =	ssyncadd.s32 s4;
	_ =	sdelay $0x1  }
0xa7: {  	s23 =	simm.s32 $0x1B8B  }
0xa8: {  	_ =	swait.ge [sflag:s23], $0x1  }
0xa9: {  	[sflag:s23] =	ssyncset.done $0x0  }
0xaa: {  	s25 =	simm.s32 $0x1B8E;
	s24 =	sld [smem:$0x3FFE];
	[sflag:s23] =	ssyncadd.s32 $0xFFFFFFFF  }
0xab: {  	s26 =	simm.s32 $execute0_lowered;
	[smem:$0x3FD2] =	sst s25  }
0xac: {  	s5 =	sshll.u32 s26, $0x1;
	_ =	strace $0x80000049;
	[dreg:$0x1] =	wrdreg $0xFFFFFFFF  }
0xad: {  	s28 =	simm.s32 $_size_execute0_lowered;
	s3 =	sadd.s32 s3, s5;
	[dreg:$0x0] =	wrdreg $0x0  }
0xae: {  	s5 =	sshll.u32 s28, $0x1;
	[dreg:$0x2] =	wrdreg s3  }
0xaf: {  	[dreg:$0x3] =	wrdreg s5  }
0xb0: {  	[dreg:$0x4] =	wrdreg $0xC0  }
0xb1: {  	_ =	task [dreg:s7], $0x5FFFF  }
0xb2: {  	[dreg:$0x1] =	wrdreg $0xFFFFFFFF  }
0xb3: {  	[dreg:$0x0] =	wrdreg $0x60  }
0xb4: {  	[dreg:$0x2] =	wrdreg s24  }
0xb5: {  	[dreg:$0x3] =	wrdreg s16  }
0xb6: {  	[dreg:$0x4] =	wrdreg $0x9  }
0xb7: {  	_ =	task.clear_ibuf [dreg:s7], $0x5FFFF;
	_ =	strace $0x90000049  }
0xb8: {  	s29 =	simm.s32 $0x9;
	_ =	strace $0x8000004B  }
0xb9: {  	_ =	swait.ge [sflag:s29], $0x1  }
0xba: {  	[sflag:s29] =	ssyncadd.s32 $0xFFFFFFFF  }
0xbb: {  	_ =	strace $0x9000004B  }
0xbc: {  	_ =	sfence  }
0xbd: {  	s30 =	sld [smem:$0x0];
	_ =	sdelay $0x2  }
0xbe: {  	s31 =	sshll.u32 s1, $0xD;
	s1 =	sshrl.u32 s1, $0x2  }
0xbf: {  	s3 =	sand.u32 $0x4000, s31;
	s1 =	sadd.s32 s1, s30  }
0xc0: {  	s0 =	sor.u32 s3, s0;
	s1 =	sshll.u32 s1, $0x11  }
0xc1: {  	s0 =	sor.u32 s1, s0  }
0xc2: {  	s0 =	sadd.s32 $0x8F2B, s0  }
0xc3: {  	[sflag:s0] =	ssyncadd.remote.s32 $0x1  }
0xc4: {  	_ =	sfence.sel $0xFFFF  }
0xc5: {  	[dreg:$0x0] =	wrdreg $0xFFFFFFFF;
	(pc) =	sbr.abs _section_cstart, $3  }
0xc6: {  	[dreg:$0x1] =	wrdreg $0xFFFFFFFF  }
0xc7: {  	_ =	task.clear_ibuf [dreg:s7], $0x2FFFF;
	_ =	strace $0x9FFFFFFF  }
0xc8: {  	(tm) =	ssettm $0x7FFFFFFF  }
0xc9: {  	_ =	shalt  }
tec
execute0_lowered:
.L_overlay_start_1:
0x0: {  	(tag) =	ssettag $0x1  }
0x1: {  	s1 =	srdreg.scid  }
0x2: {  	s3 =	rddreg [dreg:$0x0];
	s0 =	stileid.u32  }
0x3: {  	s4 =	rddreg [dreg:$0x1];
	s2 =	simm.s32 $0x0;
	s19 =	simm.s32 $0x900  }
0x4: {  	s20 =	simm.s32 $0x1100;
	s21 =	simm.s32 $0x1900;
	s23 =	simm.s32 $0x2100  }
0x5: {  	s24 =	simm.s32 $0x2900;
	s25 =	simm.s32 $0x3100;
	s26 =	simm.s32 $0x3900  }
0x6: {  	s8 =	simm.s32 $0x4900;
	s9 =	simm.s32 $0x5100;
	s10 =	simm.s32 $0x5900  }
0x7: {  	s11 =	simm.s32 $0x6100;
	s12 =	simm.s32 $0x6900;
	[smem:$0x7FF] =	sst s2  }
0x8: {  	s13 =	simm.s32 $0x7100;
	_ =	strace $0x8000004A;
	[dreg:$0x5] =	wrdreg s19  }
0x9: {  	s14 =	simm.s32 $0x7900;
	s15 =	simm.s32 $0x8100;
	[dreg:$0x6] =	wrdreg s20  }
0xa: {  	s16 =	simm.s32 $0x8900;
	s17 =	simm.s32 $0x9100;
	[dreg:$0x7] =	wrdreg s21  }
0xb: {  	s28 =	simm.s32 $0xE100;
	s29 =	simm.s32 $0xE900;
	[dreg:$0x8] =	wrdreg s23  }
0xc: {  	s30 =	simm.s32 $0xF100;
	s31 =	simm.s32 $0xF900;
	[dreg:$0x9] =	wrdreg s24  }
0xd: {  	s1 =	sand.u32 $0x1, s1;
	s5 =	sshll.u32 s0, $0x9;
	[dreg:$0xa] =	wrdreg s25  }
0xe: {  	s6 =	sshll.u32 s1, $0x8;
	s1 =	ssub.s32 $0x2, s1;
	[dreg:$0xb] =	wrdreg s26  }
0xf: {  	s19 =	simm.s32 $0xA100;
	s20 =	simm.s32 $0xA900;
	s21 =	simm.s32 $0xB100  }
0x10: {  	s23 =	simm.s32 $0xC100;
	s24 =	simm.s32 $0xC900;
	s25 =	simm.s32 $0xD100  }
0x11: {  	s26 =	simm.s32 $0xD900;
	s5 =	sor.u32 s6, s5;
	s22 =	sshrl.u32 s1, $0x1  }
0x12: {  	s6 =	sshll.u32 s5, $0x5;
	s5 =	sshrl.u32 s5, $0x3;
	s1 =	ssub.s32 s1, s22  }
0x13: {  	s22 =	simm.s32 $0xB900;
	s6 =	sadd.s32 s6, s3;
	s4 =	sadd.s32 s4, s5  }
0x14: {  	v2 =	vlaneseq.u32;
	s3 =	sadd.s32 $0x5600, s3;
	s5 =	simm.s32 $0x2;
	[dreg:$0x3] =	wrdreg s4  }
0x15: {  	vm0 =	vmmov $0xffff;
	v1 =	vshrl.u32 v2, $0x3;
	s18 =	sadd.s32 $0xED600, s6;
	s4 =	smax.u32 s1, $0x1;
	s6 =	simm.s32 $0x100  }
0x16: {  	v0 =	vand.u32 $0x7, v2;
	v2 =	vor.u32 $0x8, v2;
	v1 =	vmul.u32 $0x8, v1;
	s1 =	simm.s32 $0x1;
	[dreg:$0x4] =	wrdreg s18;
	s18 =	simm.s32 $0x9900  }
.LBB2_1:
0x17: {  	s0 =	rddreg [dreg:$0x3]  }
0x18: {  	[tilespmem:s2], [sflag:$0x2] =	stream.linear.gather [hbm4b:s0+s2], $0x100, $0x38;
	[tilespmem:$0x10100] =	vst v63  }
0x19: {  	_ =	swait.ge [sflag:s5], $0x100  }
0x1a: {  	[sflag:s5] =	ssyncset.done $0x0  }
0x1b: {  	[sflag:s5] =	ssyncadd.s32 $0xFFFFFF00  }
0x1c: {  	v3 =	vld [tilespmem:$0x0];
	_ =	sdelay $0x4  }
0x1d: {  	v4 =	vshll.u32 v3, $0x1  }
0x1e: {  	v3 =	vand.u32 $0x7, v3;
	v4 =	vand.u32 $0xFFFFFFF0, v4  }
0x1f: {  	v3 =	vor.u32 v3, v4  }
0x20: {  	v4 =	vperm.xlane v3, v0;
	_ =	sdelay $0x1  }
0x21: {  	v3 =	vperm.xlane v3, v2;
	v4 =	vadd.s32 v1, v4;
	_ =	sdelay $0x1  }
0x22: {  	v3 =	vadd.s32 v1, v3;
	_ =	sdelay $0x2  }
0x23: {  	[tilespmem:s6], [sflag:$0x1] =	stream.indirect_vreg.gather [hbm4b:s3+s2], $0x80, v4, vm0, $0xb8;
	[tilespmem:$0x10100] =	vst v63  }
0x24: {  	s7 =	rddreg [dreg:$0x5]  }
0x25: {  	[tilespmem:s7], [sflag:$0x1] =	stream.indirect_vreg.gather [hbm4b:s3+s2], $0x80, v3, vm0, $0xb8;
	[tilespmem:$0x10100] =	vst v63  }
0x26: {  	v3 =	vld [tilespmem:$0x10];
	_ =	sdelay $0x4  }
0x27: {  	v49 =	vshll.u32 v3, $0x1  }
0x28: {  	v3 =	vand.u32 $0x7, v3;
	v4 =	vand.u32 $0xFFFFFFF0, v49  }
0x29: {  	v3 =	vor.u32 v3, v4  }
0x2a: {  	v4 =	vperm.xlane v3, v0;
	_ =	sdelay $0x1  }
0x2b: {  	v3 =	vperm.xlane v3, v2;
	v4 =	vadd.s32 v1, v4;
	_ =	sdelay $0x1  }
0x2c: {  	v3 =	vadd.s32 v1, v3;
	_ =	sdelay $0x1  }
0x2d: {  	s0 =	rddreg [dreg:$0x6]  }
0x2e: {  	[tilespmem:s0], [sflag:$0x1] =	stream.indirect_vreg.gather [hbm4b:s3+s2], $0x80, v4, vm0, $0xb8;
	[tilespmem:$0x10100] =	vst v63  }
0x2f: {  	s7 =	rddreg [dreg:$0x7]  }
0x30: {  	[tilespmem:s7], [sflag:$0x1] =	stream.indirect_vreg.gather [hbm4b:s3+s2], $0x80, v3, vm0, $0xb8;
	[tilespmem:$0x10100] =	vst v63  }
0x31: {  	v3 =	vld [tilespmem:$0x20];
	_ =	sdelay $0x4  }
0x32: {  	v50 =	vshll.u32 v3, $0x1  }
0x33: {  	v3 =	vand.u32 $0x7, v3;
	v4 =	vand.u32 $0xFFFFFFF0, v50  }
0x34: {  	v3 =	vor.u32 v3, v4  }
0x35: {  	v4 =	vperm.xlane v3, v0;
	_ =	sdelay $0x1  }
0x36: {  	v3 =	vperm.xlane v3, v2;
	v4 =	vadd.s32 v1, v4;
	_ =	sdelay $0x1  }
0x37: {  	v3 =	vadd.s32 v1, v3;
	_ =	sdelay $0x1  }
0x38: {  	s0 =	rddreg [dreg:$0x8]  }
0x39: {  	[tilespmem:s0], [sflag:$0x1] =	stream.indirect_vreg.gather [hbm4b:s3+s2], $0x80, v4, vm0, $0xb8;
	[tilespmem:$0x10100] =	vst v63  }
0x3a: {  	s7 =	rddreg [dreg:$0x9]  }
0x3b: {  	[tilespmem:s7], [sflag:$0x1] =	stream.indirect_vreg.gather [hbm4b:s3+s2], $0x80, v3, vm0, $0xb8;
	[tilespmem:$0x10100] =	vst v63  }
0x3c: {  	v3 =	vld [tilespmem:$0x30];
	_ =	sdelay $0x4  }
0x3d: {  	v51 =	vshll.u32 v3, $0x1  }
0x3e: {  	v3 =	vand.u32 $0x7, v3;
	v4 =	vand.u32 $0xFFFFFFF0, v51  }
0x3f: {  	v3 =	vor.u32 v3, v4  }
0x40: {  	v4 =	vperm.xlane v3, v0;
	_ =	sdelay $0x1  }
0x41: {  	v3 =	vperm.xlane v3, v2;
	v4 =	vadd.s32 v1, v4;
	_ =	sdelay $0x1  }
0x42: {  	v3 =	vadd.s32 v1, v3;
	_ =	sdelay $0x1  }
0x43: {  	s0 =	rddreg [dreg:$0xa]  }
0x44: {  	[tilespmem:s0], [sflag:$0x1] =	stream.indirect_vreg.gather [hbm4b:s3+s2], $0x80, v4, vm0, $0xb8;
	[tilespmem:$0x10100] =	vst v63  }
0x45: {  	s7 =	rddreg [dreg:$0xb]  }
0x46: {  	[tilespmem:s7], [sflag:$0x1] =	stream.indirect_vreg.gather [hbm4b:s3+s2], $0x80, v3, vm0, $0xb8;
	[tilespmem:$0x10100] =	vst v63  }
0x47: {  	v3 =	vld [tilespmem:$0x40];
	_ =	sdelay $0x4  }
0x48: {  	v52 =	vshll.u32 v3, $0x1  }
0x49: {  	v3 =	vand.u32 $0x7, v3;
	v4 =	vand.u32 $0xFFFFFFF0, v52  }
0x4a: {  	v3 =	vor.u32 v3, v4  }
0x4b: {  	v4 =	vperm.xlane v3, v0;
	_ =	sdelay $0x1  }
0x4c: {  	v3 =	vperm.xlane v3, v2;
	v4 =	vadd.s32 v1, v4;
	_ =	sdelay $0x1  }
0x4d: {  	v3 =	vadd.s32 v1, v3;
	_ =	sdelay $0x1  }
0x4e: {  	s7 =	simm.s32 $0x4100  }
0x4f: {  	[tilespmem:s7], [sflag:$0x1] =	stream.indirect_vreg.gather [hbm4b:s3+s2], $0x80, v4, vm0, $0xb8;
	[tilespmem:$0x10100] =	vst v63  }
0x50: {  	_ = 	snop  }
0x51: {  	[tilespmem:s8], [sflag:$0x1] =	stream.indirect_vreg.gather [hbm4b:s3+s2], $0x80, v3, vm0, $0xb8;
	[tilespmem:$0x10100] =	vst v63  }
0x52: {  	v3 =	vld [tilespmem:$0x50];
	_ =	sdelay $0x4  }
0x53: {  	v53 =	vshll.u32 v3, $0x1  }
0x54: {  	v3 =	vand.u32 $0x7, v3;
	v4 =	vand.u32 $0xFFFFFFF0, v53  }
0x55: {  	v3 =	vor.u32 v3, v4  }
0x56: {  	v4 =	vperm.xlane v3, v0;
	_ =	sdelay $0x1  }
0x57: {  	v3 =	vperm.xlane v3, v2;
	v4 =	vadd.s32 v1, v4;
	_ =	sdelay $0x1  }
0x58: {  	v3 =	vadd.s32 v1, v3;
	_ =	sdelay $0x2  }
0x59: {  	[tilespmem:s9], [sflag:$0x1] =	stream.indirect_vreg.gather [hbm4b:s3+s2], $0x80, v4, vm0, $0xb8;
	[tilespmem:$0x10100] =	vst v63  }
0x5a: {  	_ = 	snop  }
0x5b: {  	[tilespmem:s10], [sflag:$0x1] =	stream.indirect_vreg.gather [hbm4b:s3+s2], $0x80, v3, vm0, $0xb8;
	[tilespmem:$0x10100] =	vst v63  }
0x5c: {  	v3 =	vld [tilespmem:$0x60];
	_ =	sdelay $0x4  }
0x5d: {  	v54 =	vshll.u32 v3, $0x1  }
0x5e: {  	v3 =	vand.u32 $0x7, v3;
	v4 =	vand.u32 $0xFFFFFFF0, v54  }
0x5f: {  	v3 =	vor.u32 v3, v4  }
0x60: {  	v4 =	vperm.xlane v3, v0;
	_ =	sdelay $0x1  }
0x61: {  	v3 =	vperm.xlane v3, v2;
	v4 =	vadd.s32 v1, v4;
	_ =	sdelay $0x1  }
0x62: {  	v3 =	vadd.s32 v1, v3;
	_ =	sdelay $0x2  }
0x63: {  	[tilespmem:s11], [sflag:$0x1] =	stream.indirect_vreg.gather [hbm4b:s3+s2], $0x80, v4, vm0, $0xb8;
	[tilespmem:$0x10100] =	vst v63  }
0x64: {  	_ = 	snop  }
0x65: {  	[tilespmem:s12], [sflag:$0x1] =	stream.indirect_vreg.gather [hbm4b:s3+s2], $0x80, v3, vm0, $0xb8;
	[tilespmem:$0x10100] =	vst v63  }
0x66: {  	v3 =	vld [tilespmem:$0x70];
	_ =	sdelay $0x4  }
0x67: {  	v55 =	vshll.u32 v3, $0x1  }
0x68: {  	v3 =	vand.u32 $0x7, v3;
	v4 =	vand.u32 $0xFFFFFFF0, v55  }
0x69: {  	v3 =	vor.u32 v3, v4  }
0x6a: {  	v4 =	vperm.xlane v3, v0;
	_ =	sdelay $0x1  }
0x6b: {  	v3 =	vperm.xlane v3, v2;
	v4 =	vadd.s32 v1, v4;
	_ =	sdelay $0x1  }
0x6c: {  	v3 =	vadd.s32 v1, v3;
	_ =	sdelay $0x2  }
0x6d: {  	[tilespmem:s13], [sflag:$0x1] =	stream.indirect_vreg.gather [hbm4b:s3+s2], $0x80, v4, vm0, $0xb8;
	[tilespmem:$0x10100] =	vst v63  }
0x6e: {  	_ = 	snop  }
0x6f: {  	[tilespmem:s14], [sflag:$0x1] =	stream.indirect_vreg.gather [hbm4b:s3+s2], $0x80, v3, vm0, $0xb8;
	[tilespmem:$0x10100] =	vst v63  }
0x70: {  	v3 =	vld [tilespmem:$0x80];
	_ =	sdelay $0x4  }
0x71: {  	v56 =	vshll.u32 v3, $0x1  }
0x72: {  	v3 =	vand.u32 $0x7, v3;
	v4 =	vand.u32 $0xFFFFFFF0, v56  }
0x73: {  	v3 =	vor.u32 v3, v4  }
0x74: {  	v4 =	vperm.xlane v3, v0;
	_ =	sdelay $0x1  }
0x75: {  	v3 =	vperm.xlane v3, v2;
	v4 =	vadd.s32 v1, v4;
	_ =	sdelay $0x1  }
0x76: {  	v3 =	vadd.s32 v1, v3;
	_ =	sdelay $0x2  }
0x77: {  	[tilespmem:s15], [sflag:$0x1] =	stream.indirect_vreg.gather [hbm4b:s3+s2], $0x80, v4, vm0, $0xb8;
	[tilespmem:$0x10100] =	vst v63  }
0x78: {  	_ = 	snop  }
0x79: {  	[tilespmem:s16], [sflag:$0x1] =	stream.indirect_vreg.gather [hbm4b:s3+s2], $0x80, v3, vm0, $0xb8;
	[tilespmem:$0x10100] =	vst v63  }
0x7a: {  	v3 =	vld [tilespmem:$0x90];
	_ =	sdelay $0x4  }
0x7b: {  	v57 =	vshll.u32 v3, $0x1  }
0x7c: {  	v3 =	vand.u32 $0x7, v3;
	v4 =	vand.u32 $0xFFFFFFF0, v57  }
0x7d: {  	v3 =	vor.u32 v3, v4  }
0x7e: {  	v4 =	vperm.xlane v3, v0;
	_ =	sdelay $0x1  }
0x7f: {  	v3 =	vperm.xlane v3, v2;
	v4 =	vadd.s32 v1, v4;
	_ =	sdelay $0x1  }
0x80: {  	v3 =	vadd.s32 v1, v3;
	_ =	sdelay $0x2  }
0x81: {  	[tilespmem:s17], [sflag:$0x1] =	stream.indirect_vreg.gather [hbm4b:s3+s2], $0x80, v4, vm0, $0xb8;
	[tilespmem:$0x10100] =	vst v63  }
0x82: {  	_ = 	snop  }
0x83: {  	[tilespmem:s18], [sflag:$0x1] =	stream.indirect_vreg.gather [hbm4b:s3+s2], $0x80, v3, vm0, $0xb8;
	[tilespmem:$0x10100] =	vst v63  }
0x84: {  	v3 =	vld [tilespmem:$0xA0];
	_ =	sdelay $0x4  }
0x85: {  	v58 =	vshll.u32 v3, $0x1  }
0x86: {  	v3 =	vand.u32 $0x7, v3;
	v4 =	vand.u32 $0xFFFFFFF0, v58  }
0x87: {  	v3 =	vor.u32 v3, v4  }
0x88: {  	v4 =	vperm.xlane v3, v0;
	_ =	sdelay $0x1  }
0x89: {  	v3 =	vperm.xlane v3, v2;
	v4 =	vadd.s32 v1, v4;
	_ =	sdelay $0x1  }
0x8a: {  	v3 =	vadd.s32 v1, v3;
	_ =	sdelay $0x2  }
0x8b: {  	[tilespmem:s19], [sflag:$0x1] =	stream.indirect_vreg.gather [hbm4b:s3+s2], $0x80, v4, vm0, $0xb8;
	[tilespmem:$0x10100] =	vst v63  }
0x8c: {  	_ = 	snop  }
0x8d: {  	[tilespmem:s20], [sflag:$0x1] =	stream.indirect_vreg.gather [hbm4b:s3+s2], $0x80, v3, vm0, $0xb8;
	[tilespmem:$0x10100] =	vst v63  }
0x8e: {  	v3 =	vld [tilespmem:$0xB0];
	_ =	sdelay $0x4  }
0x8f: {  	v59 =	vshll.u32 v3, $0x1  }
0x90: {  	v3 =	vand.u32 $0x7, v3;
	v4 =	vand.u32 $0xFFFFFFF0, v59  }
0x91: {  	v3 =	vor.u32 v3, v4  }
0x92: {  	v4 =	vperm.xlane v3, v0;
	_ =	sdelay $0x1  }
0x93: {  	v3 =	vperm.xlane v3, v2;
	v4 =	vadd.s32 v1, v4;
	_ =	sdelay $0x1  }
0x94: {  	v3 =	vadd.s32 v1, v3;
	_ =	sdelay $0x2  }
0x95: {  	[tilespmem:s21], [sflag:$0x1] =	stream.indirect_vreg.gather [hbm4b:s3+s2], $0x80, v4, vm0, $0xb8;
	[tilespmem:$0x10100] =	vst v63  }
0x96: {  	_ = 	snop  }
0x97: {  	[tilespmem:s22], [sflag:$0x1] =	stream.indirect_vreg.gather [hbm4b:s3+s2], $0x80, v3, vm0, $0xb8;
	[tilespmem:$0x10100] =	vst v63  }
0x98: {  	v3 =	vld [tilespmem:$0xC0];
	_ =	sdelay $0x4  }
0x99: {  	v60 =	vshll.u32 v3, $0x1  }
0x9a: {  	v3 =	vand.u32 $0x7, v3;
	v4 =	vand.u32 $0xFFFFFFF0, v60  }
0x9b: {  	v3 =	vor.u32 v3, v4  }
0x9c: {  	v4 =	vperm.xlane v3, v0;
	_ =	sdelay $0x1  }
0x9d: {  	v3 =	vperm.xlane v3, v2;
	v4 =	vadd.s32 v1, v4;
	_ =	sdelay $0x1  }
0x9e: {  	v3 =	vadd.s32 v1, v3;
	_ =	sdelay $0x2  }
0x9f: {  	[tilespmem:s23], [sflag:$0x1] =	stream.indirect_vreg.gather [hbm4b:s3+s2], $0x80, v4, vm0, $0xb8;
	[tilespmem:$0x10100] =	vst v63  }
0xa0: {  	_ = 	snop  }
0xa1: {  	[tilespmem:s24], [sflag:$0x1] =	stream.indirect_vreg.gather [hbm4b:s3+s2], $0x80, v3, vm0, $0xb8;
	[tilespmem:$0x10100] =	vst v63  }
0xa2: {  	v3 =	vld [tilespmem:$0xD0];
	_ =	sdelay $0x4  }
0xa3: {  	v61 =	vshll.u32 v3, $0x1  }
0xa4: {  	v3 =	vand.u32 $0x7, v3;
	v4 =	vand.u32 $0xFFFFFFF0, v61  }
0xa5: {  	v3 =	vor.u32 v3, v4  }
0xa6: {  	v4 =	vperm.xlane v3, v0;
	_ =	sdelay $0x1  }
0xa7: {  	v3 =	vperm.xlane v3, v2;
	v4 =	vadd.s32 v1, v4;
	_ =	sdelay $0x1  }
0xa8: {  	v3 =	vadd.s32 v1, v3;
	_ =	sdelay $0x2  }
0xa9: {  	[tilespmem:s25], [sflag:$0x1] =	stream.indirect_vreg.gather [hbm4b:s3+s2], $0x80, v4, vm0, $0xb8;
	[tilespmem:$0x10100] =	vst v63  }
0xaa: {  	_ = 	snop  }
0xab: {  	[tilespmem:s26], [sflag:$0x1] =	stream.indirect_vreg.gather [hbm4b:s3+s2], $0x80, v3, vm0, $0xb8;
	[tilespmem:$0x10100] =	vst v63  }
0xac: {  	v3 =	vld [tilespmem:$0xE0];
	_ =	sdelay $0x4  }
0xad: {  	v62 =	vshll.u32 v3, $0x1  }
0xae: {  	v3 =	vand.u32 $0x7, v3;
	v4 =	vand.u32 $0xFFFFFFF0, v62  }
0xaf: {  	v3 =	vor.u32 v3, v4  }
0xb0: {  	v4 =	vperm.xlane v3, v0;
	_ =	sdelay $0x1  }
0xb1: {  	v3 =	vperm.xlane v3, v2;
	v4 =	vadd.s32 v1, v4;
	_ =	sdelay $0x1  }
0xb2: {  	v3 =	vadd.s32 v1, v3;
	_ =	sdelay $0x2  }
0xb3: {  	[tilespmem:s28], [sflag:$0x1] =	stream.indirect_vreg.gather [hbm4b:s3+s2], $0x80, v4, vm0, $0xb8;
	[tilespmem:$0x10100] =	vst v63  }
0xb4: {  	_ = 	snop  }
0xb5: {  	[tilespmem:s29], [sflag:$0x1] =	stream.indirect_vreg.gather [hbm4b:s3+s2], $0x80, v3, vm0, $0xb8;
	[tilespmem:$0x10100] =	vst v63  }
0xb6: {  	v3 =	vld [tilespmem:$0xF0];
	_ =	sdelay $0x4  }
0xb7: {  	v63 =	vshll.u32 v3, $0x1  }
0xb8: {  	v3 =	vand.u32 $0x7, v3;
	v4 =	vand.u32 $0xFFFFFFF0, v63  }
0xb9: {  	v3 =	vor.u32 v3, v4  }
0xba: {  	v4 =	vperm.xlane v3, v0;
	_ =	sdelay $0x1  }
0xbb: {  	v3 =	vperm.xlane v3, v2;
	v4 =	vadd.s32 v1, v4;
	_ =	sdelay $0x1  }
0xbc: {  	v3 =	vadd.s32 v1, v3;
	_ =	sdelay $0x2  }
0xbd: {  	[tilespmem:s30], [sflag:$0x1] =	stream.indirect_vreg.gather [hbm4b:s3+s2], $0x80, v4, vm0, $0xb8;
	[tilespmem:$0x10100] =	vst v63  }
0xbe: {  	_ = 	snop  }
0xbf: {  	[tilespmem:s31], [sflag:$0x1] =	stream.indirect_vreg.gather [hbm4b:s3+s2], $0x80, v3, vm0, $0xb8;
	[tilespmem:$0x10100] =	vst v63  }
0xc0: {  	_ =	swait.ge [sflag:s1], $0x10000  }
0xc1: {  	p0 =	sne.s32 s4, $0x1;
	[sflag:s1] =	ssyncset.done $0x0  }
.Ltmp0:
0xc2: {  	s7 =	rddreg [dreg:$0x4];
	[sflag:s1] =	ssyncadd.s32 $0xFFFF0000;
	(pc) =	sbr.rel @p0 .LBB2_1-.Ltmp0, $4  }
0xc3: {  	[hbm4b:s7+s2] =	stream.linear.scatter [tilespmem:s6], [sflag:$0x2], $0x10000, $0x38;
	[tilespmem:$0x10100] =	vst v63  }
0xc4: {  	_ =	swait.ge [sflag:s5], $0x10000  }
0xc5: {  	[sflag:s5] =	ssyncset.done $0x0  }
0xc6: {  	s4 =	sadd.s32 $0xFFFFFFFF, s4;
	[sflag:s5] =	ssyncadd.s32 $0xFFFF0000  }
0xc7: {  	_ =	sfence.sel $0x180000  }
0xc8: {  	[bflag:$0x0] =	sbarrier.arrive $0xFFFF  }
0xc9: {  	_ =	strace $0x9000004A  }
0xca: {  	s0 =	stileid.u32;
	[bflag:$0x2] =	sbarrier.arrive $0xFFFF  }
0xcb: {  	p0 =	sne.s32 s0, $0x0;
	s0 =	rddreg [dreg:$0x2]  }
0xcc: {  	s0 =	sadd.s32 @!p0 $0x100000, s0  }
0xcd: {  	[sflag:s0] =	ssyncadd.tile.s32 @!p0 $0x1;
	_ =	shalt  }
.Lfunc_end2:
_tile_overlayer_lowered:
.L_overlay_start_2:
0xce: {  	(tag) =	ssettag $0x2  }
0xcf: {  	s0 =	rddreg [dreg:$0x0];
	s2 =	stileid.u32  }
0xd0: {  	s1 =	rddreg [dreg:$0x1];
	p0 =	sne.s32 s2, $0x0  }
0xd1: {  	s3 =	rddreg [dreg:$0x2];
	[bflag:$0x3] =	sbarrier.arrive $0xFFFF;
	s2 =	simm.s32 @!p0 $0x1C02  }
0xd2: {  	[timem:s3], [sflag:s2] =	dma.local @!p0 [hbm:s0], s1  }
0xd3: {  	s0 =	simm.s32 @!p0 $0x2  }
0xd4: {  	_ =	swait.ge @!p0 [sflag:s0], s1  }
0xd5: {  	s1 =	ssub.s32 @!p0 $0x0, s1;
	[sflag:s0] =	ssyncset.done @!p0 $0x0  }
0xd6: {  	[sflag:s0] =	ssyncadd.s32 @!p0 s1  }
0xd7: {  	[bflag:$0x3] =	sbarrier.arrive $0xFFFF  }
0xd8: {  	_ =	shalt  }

// kernel: kernel.20.cloned.1.call-start
scs
__scs_entry_jumppad:
0x0: {  	(pc) =	sbr.rel $0x88, $3  }
0x1: {  	(tag) =	ssettag $0x0;
	lr =	simm.s32 $0x1  }
0x2: {  	[smem:$0x3F99] =	sst lr;
	_ =	strace $0xD0000000  }
0x3: {  	_ = 	snop  }
0x4: {  	_ = 	snop  }
0x5: {  	_ = 	snop  }
0x6: {  	_ = 	snop  }
0x7: {  	_ = 	snop  }
__scs_overlays_trampoline_lowered:
0x8: {  	[smem:$0x3FA8] =	sst s0  }
0x9: {  	[smem:$0x3FA9] =	sst s1  }
0xa: {  	[smem:$0x3FAA] =	sst s2  }
0xb: {  	[smem:$0x3FAB] =	sst s3  }
0xc: {  	[smem:$0x3FAC] =	sst s4  }
0xd: {  	[smem:$0x3FAD] =	sst s5  }
0xe: {  	[smem:$0x3FAE] =	sst s6  }
0xf: {  	[smem:$0x3FAF] =	sst s7  }
0x10: {  	[smem:$0x3FB0] =	sst s8  }
0x11: {  	[smem:$0x3FB1] =	sst s9;
	s0 =	simm.s32 @!p0 $0x0  }
0x12: {  	s1 =	sld [smem:$0x3F97];
	s0 =	simm.s32 @p0 $0x1  }
0x13: {  	[smem:$0x3FB2] =	sst s0;
	s0 =	simm.s32 @!p1 $0x0  }
0x14: {  	s2 =	sld [smem:$0x3F96];
	s0 =	simm.s32 @p1 $0x1  }
0x15: {  	[smem:$0x3FB3] =	sst s0;
	s0 =	simm.s32 @!p2 $0x0  }
0x16: {  	s3 =	sld [smem:$0x3FDB];
	s0 =	simm.s32 @p2 $0x1  }
0x17: {  	s4 =	simm.s32 $0x1BF5;
	[smem:$0x3FB5] =	sst s0  }
0x18: {  	s0 =	sld [smem:$0x3F98];
	_ =	swait.ge [sflag:s4], $0x0  }
0x19: {  	s7 =	sld [smem:$0x3F99]  }
0x1a: {  	s8 =	sadd.s32 $0xFFFFE003, lr  }
0x1b: {  	s9 =	sadd.s32 $0xFFFFFEF7, lr;
	s5 =	simm.s32 $0xFFFFFFFF;
	p2 =	slt.u32 s8, $0xFFFFF086  }
0x1c: {  	p1 =	slt.u32 s9, $0xF7A;
	s5 =	simm.s32 @!p2 $0x0  }
0x1d: {  	s5 =	simm.s32 @p1 $0x1;
	p0 =	seq.s32 s7, s2  }
0x1e: {  	s7 =	smul.u32 @!p0 $0xF7A, s2;
	p2 =	seq.s32 @!p0 s5, $0x0  }
0x1f: {  	s9 =	smul.u32 $0xF7A, s1;
	s8 =	simm.s32 @!p0 $0x1BF5;
	p2 =	por !p2, p0  }
0x20: {  	[sflag:s8] =	ssyncset.s32 @!p0 $0xFFFFF086;
	s6 =	sadd.s32 @!p0 s3, s7;
	s7 =	simm.s32 @!p0 $0x108  }
0x21: {  	s3 =	sadd.s32 s3, s9;
	s6 =	sadd.s32 @!p0 $0x88, s6;
	s7 =	simm.s32 @p2 $0x1082  }
0x22: {  	[simem:s7], [sflag:s8] =	dma.local @!p0 [hbm:s6], $0xF7A  }
0x23: {  	s9 =	sor.u32 $0xD0000000, s2;
	s6 =	simm.s32 $0x108;
	_ =	swait.ge @!p0 [sflag:s8], $0x0  }
0x24: {  	s3 =	sadd.s32 $0x88, s3;
	s6 =	simm.s32 @!p1 $0x1082;
	[sflag:s4] =	ssyncset.s32 $0xFFFFF086  }
0x25: {  	[simem:s6], [sflag:s4] =	dma.local [hbm:s3], $0xF7A  }
0x26: {  	[smem:$0x3F99] =	sst s1;
	(tag) =	ssettag s2;
	_ =	strace s9  }
0x27: {  	s1 =	sld [smem:$0x3FA9]  }
0x28: {  	s2 =	sld [smem:$0x3FAA]  }
0x29: {  	s4 =	sld [smem:$0x3FAC]  }
0x2a: {  	p0 =	seq.s32 s5, $0x0;
	s5 =	sld [smem:$0x3FAD]  }
0x2b: {  	s6 =	sld [smem:$0x3FAE]  }
0x2c: {  	s7 =	sld [smem:$0x3FAF]  }
0x2d: {  	s3 =	simm.s32 $0x108;
	s8 =	sld [smem:$0x3FB0]  }
0x2e: {  	s3 =	simm.s32 @!p0 $0x1082;
	s9 =	sld [smem:$0x3FB1]  }
0x2f: {  	lr =	sadd.s32 s0, s3;
	s0 =	sld [smem:$0x3FA8]  }
0x30: {  	s3 =	sld [smem:$0x3FAB]  }
0x31: {  	[smem:$0x3FB4] =	sst s10  }
0x32: {  	s10 =	sld [smem:$0x3FB2];
	_ =	sdelay $0x3  }
0x33: {  	p0 =	seq.s32 s10, $0x1;
	s10 =	sld [smem:$0x3FB4];
	_ =	sdelay $0x3  }
0x34: {  	[smem:$0x3FB4] =	sst s10  }
0x35: {  	s10 =	sld [smem:$0x3FB3];
	_ =	sdelay $0x3  }
0x36: {  	p1 =	seq.s32 s10, $0x1;
	s10 =	sld [smem:$0x3FB4];
	_ =	sdelay $0x3  }
0x37: {  	[smem:$0x3FB4] =	sst s10  }
0x38: {  	s10 =	sld [smem:$0x3FB5]  }
0x39: {  	_ = 	snop;
	(pc) =	sbr.ind lr, $3  }
0x3a: {  	_ = 	snop  }
0x3b: {  	_ = 	snop  }
0x3c: {  	p2 =	seq.s32 s10, $0x1;
	s10 =	sld [smem:$0x3FB4]  }
0x3d: {  	_ =	shalt  }
0x3e: {  	_ =	shalt  }
0x3f: {  	_ =	shalt  }
0x40: {  	_ =	shalt  }
0x41: {  	_ =	shalt  }
0x42: {  	_ =	shalt  }
0x43: {  	_ =	shalt  }
0x44: {  	_ =	shalt  }
0x45: {  	_ =	shalt  }
0x46: {  	_ =	shalt  }
0x47: {  	_ =	shalt  }
0x48: {  	_ =	shalt  }
0x49: {  	_ =	shalt  }
0x4a: {  	_ =	shalt  }
0x4b: {  	_ =	shalt  }
0x4c: {  	_ =	shalt  }
0x4d: {  	_ =	shalt  }
0x4e: {  	_ =	shalt  }
0x4f: {  	_ =	shalt  }
0x50: {  	_ =	shalt  }
0x51: {  	_ =	shalt  }
0x52: {  	_ =	shalt  }
0x53: {  	_ =	shalt  }
0x54: {  	_ =	shalt  }
0x55: {  	_ =	shalt  }
0x56: {  	_ =	shalt  }
0x57: {  	_ =	shalt  }
0x58: {  	_ =	shalt  }
0x59: {  	_ =	shalt  }
0x5a: {  	_ =	shalt  }
0x5b: {  	_ =	shalt  }
0x5c: {  	_ =	shalt  }
0x5d: {  	_ =	shalt  }
0x5e: {  	_ =	shalt  }
0x5f: {  	_ =	shalt  }
0x60: {  	_ =	shalt  }
0x61: {  	_ =	shalt  }
0x62: {  	_ =	shalt  }
0x63: {  	_ =	shalt  }
0x64: {  	_ =	shalt  }
0x65: {  	_ =	shalt  }
0x66: {  	_ =	shalt  }
0x67: {  	_ =	shalt  }
0x68: {  	_ =	shalt  }
0x69: {  	_ =	shalt  }
0x6a: {  	_ =	shalt  }
0x6b: {  	_ =	shalt  }
0x6c: {  	_ =	shalt  }
0x6d: {  	_ =	shalt  }
0x6e: {  	_ =	shalt  }
0x6f: {  	_ =	shalt  }
0x70: {  	_ =	shalt  }
0x71: {  	_ =	shalt  }
0x72: {  	_ =	shalt  }
0x73: {  	_ =	shalt  }
0x74: {  	_ =	shalt  }
0x75: {  	_ =	shalt  }
0x76: {  	_ =	shalt  }
0x77: {  	_ =	shalt  }
0x78: {  	_ =	shalt  }
0x79: {  	_ =	shalt  }
0x7a: {  	_ =	shalt  }
0x7b: {  	_ =	shalt  }
0x7c: {  	_ =	shalt  }
0x7d: {  	_ =	shalt  }
0x7e: {  	_ =	shalt  }
0x7f: {  	_ =	shalt  }
0x80: {  	_ =	shalt  }
0x81: {  	_ =	shalt  }
0x82: {  	_ =	shalt  }
0x83: {  	_ =	shalt  }
0x84: {  	_ =	shalt  }
0x85: {  	_ =	shalt  }
0x86: {  	_ =	shalt  }
0x87: {  	_ =	shalt  }
.Lfunc_end0:
.L_simem_size_0:
called_computation.2_lowered:
.L_overlay_start_0:
0x88: {  	s2 =	sld [smem:$0x3FD9]  }
0x89: {  	s3 =	sld [smem:$0x3FFE];
	_ =	sdelay $0x1  }
0x8a: {  	s1 =	srdreg.scid  }
0x8b: {  	s0 =	sand.u32 $0x1, s1  }
0x8c: {  	s14 =	sshll.u32 s0, $0xA;
	s2 =	sadd.s32 s3, s2  }
0x8d: {  	s2 =	sadd.s32 s2, s14  }
0x8e: {  	[smem:$0x3FC0] =	sst s2  }
0x8f: {  	_ = 	snop  }
0x90: {  	s2 =	sld [smem:$0x3FD0];
	_ =	sdelay $0x2  }
0x91: {  	s15 =	simm.s32 $0xA;
	s4 =	simm.s32 $0x10  }
0x92: {  	[smem:s4], [sflag:s15] =	dma.local [hbm:s2], $0x1  }
0x93: {  	_ =	swait.eq [sflag:s15], $0x1  }
0x94: {  	[sflag:s15] =	ssyncset.done $0x0  }
0x95: {  	s16 =	sld [smem:$0x10];
	[sflag:s15] =	ssyncadd.s32 $0xFFFFFFFF  }
0x96: {  	s17 =	sld [smem:$0x11];
	(tm) =	ssettm $0x1  }
0x97: {  	s18 =	sld [smem:$0x3FFB];
	_ =	sdelay $0x3  }
0x98: {  	_ =	strace s18  }
0x99: {  	s4 =	sld [smem:$0x3FFC];
	_ =	sdelay $0x3  }
0x9a: {  	_ =	strace s4  }
0x9b: {  	s4 =	sld [smem:$0x3FFD];
	_ =	sdelay $0x3  }
0x9c: {  	_ =	strace s4  }
0x9d: {  	_ =	strace $0x8FFFFFFF  }
0x9e: {  	s19 =	sld [smem:$0x3FDB];
	_ =	sdelay $0x1  }
0x9f: {  	s5 =	simm.s32 $_scs_section_size  }
0xa0: {  	s6 =	simm.s32 $_size__tile_overlayer_lowered;
	s7 =	simm.s32 $_tile_overlayer_lowered  }
0xa1: {  	s22 =	simm.s32 $0x1BFF;
	s21 =	sshll.u32 s7, $0x1;
	s4 =	sadd.s32 s5, s19  }
0xa2: {  	s8 =	simm.s32 $0x0;
	s20 =	sshll.u32 s6, $0x1;
	s6 =	sadd.s32 s21, s4  }
0xa3: {  	[timem:s8], [sflag:s22] =	dma.local [hbm:s6], s20  }
0xa4: {  	_ =	swait.ge [sflag:s22], s20  }
0xa5: {  	s5 =	ssub.s32 $0x0, s20;
	[sflag:s22] =	ssyncset.done $0x0  }
0xa6: {  	[sflag:s22] =	ssyncadd.s32 s5;
	_ =	sdelay $0x1  }
0xa7: {  	s23 =	simm.s32 $0x1B8B  }
0xa8: {  	_ =	swait.ge [sflag:s23], $0x1  }
0xa9: {  	[sflag:s23] =	ssyncset.done $0x0  }
0xaa: {  	s25 =	simm.s32 $0x1B8E;
	s24 =	sld [smem:$0x3FFE];
	[sflag:s23] =	ssyncadd.s32 $0xFFFFFFFF  }
0xab: {  	s26 =	simm.s32 $execute0_lowered;
	[smem:$0x3FD2] =	sst s25  }
0xac: {  	s6 =	sshll.u32 s26, $0x1;
	_ =	strace $0x8000004C;
	[dreg:$0x1] =	wrdreg $0xFFFFFFFF  }
0xad: {  	s28 =	simm.s32 $_size_execute0_lowered;
	s4 =	sadd.s32 s4, s6;
	[dreg:$0x0] =	wrdreg $0x0  }
0xae: {  	s6 =	sshll.u32 s28, $0x1;
	[dreg:$0x2] =	wrdreg s4  }
0xaf: {  	[dreg:$0x3] =	wrdreg s6  }
0xb0: {  	[dreg:$0x4] =	wrdreg $0xC0  }
0xb1: {  	_ =	task [dreg:s8], $0x5FFFF  }
0xb2: {  	[dreg:$0x1] =	wrdreg $0xFFFFFFFF  }
0xb3: {  	[dreg:$0x0] =	wrdreg $0x60  }
0xb4: {  	[dreg:$0x2] =	wrdreg s24  }
0xb5: {  	[dreg:$0x3] =	wrdreg s16  }
0xb6: {  	[dreg:$0x4] =	wrdreg s17  }
0xb7: {  	[dreg:$0x5] =	wrdreg $0x9  }
0xb8: {  	_ =	task.clear_ibuf [dreg:s8], $0x6FFFF;
	_ =	strace $0x9000004C  }
0xb9: {  	s29 =	simm.s32 $0x9;
	_ =	strace $0x8000004E  }
0xba: {  	_ =	swait.ge [sflag:s29], $0x1  }
0xbb: {  	[sflag:s29] =	ssyncadd.s32 $0xFFFFFFFF  }
0xbc: {  	_ =	strace $0x9000004E  }
0xbd: {  	_ =	sfence  }
0xbe: {  	s30 =	sld [smem:$0x0];
	_ =	sdelay $0x2  }
0xbf: {  	s31 =	sshll.u32 s1, $0xD;
	s1 =	sshrl.u32 s1, $0x2  }
0xc0: {  	s3 =	sand.u32 $0x4000, s31;
	s1 =	sadd.s32 s1, s30  }
0xc1: {  	s0 =	sor.u32 s3, s0;
	s1 =	sshll.u32 s1, $0x11  }
0xc2: {  	s0 =	sor.u32 s1, s0  }
0xc3: {  	s0 =	sadd.s32 $0x8F2B, s0  }
0xc4: {  	[sflag:s0] =	ssyncadd.remote.s32 $0x1  }
0xc5: {  	_ =	sfence.sel $0xFFFF  }
0xc6: {  	[dreg:$0x0] =	wrdreg $0xFFFFFFFF;
	(pc) =	sbr.abs _section_cstart, $3  }
0xc7: {  	[dreg:$0x1] =	wrdreg $0xFFFFFFFF  }
0xc8: {  	_ =	task.clear_ibuf [dreg:s8], $0x2FFFF;
	_ =	strace $0x9FFFFFFF  }
0xc9: {  	(tm) =	ssettm $0x7FFFFFFF  }
tec
execute0_lowered:
.L_overlay_start_1:
0x0: {  	(tag) =	ssettag $0x1  }
0x1: {  	s1 =	rddreg [dreg:$0x0]  }
0x2: {  	s2 =	srdreg.scid;
	s3 =	rddreg [dreg:$0x1]  }
0x3: {  	s0 =	stileid.u32;
	s5 =	rddreg [dreg:$0x2];
	s19 =	simm.s32 $0x900  }
0x4: {  	s20 =	simm.s32 $0x1100;
	s21 =	simm.s32 $0x1900;
	s23 =	simm.s32 $0x2100  }
0x5: {  	s24 =	simm.s32 $0x2900;
	s25 =	simm.s32 $0x3100;
	s26 =	simm.s32 $0x3900  }
0x6: {  	s8 =	simm.s32 $0x4900;
	s9 =	simm.s32 $0x5100;
	s10 =	simm.s32 $0x5900  }
0x7: {  	s11 =	simm.s32 $0x6100;
	s4 =	sand.u32 $0x1, s2;
	s2 =	simm.s32 $0x0  }
0x8: {  	s12 =	simm.s32 $0x6900;
	s13 =	simm.s32 $0x7100;
	[smem:$0x7FF] =	sst s2  }
0x9: {  	s14 =	simm.s32 $0x7900;
	_ =	strace $0x8000004D;
	[dreg:$0x6] =	wrdreg s19  }
0xa: {  	s15 =	simm.s32 $0x8100;
	s16 =	simm.s32 $0x8900;
	[dreg:$0x7] =	wrdreg s20  }
0xb: {  	s17 =	simm.s32 $0x9100;
	s28 =	simm.s32 $0xE100;
	[dreg:$0x8] =	wrdreg s21  }
0xc: {  	s29 =	simm.s32 $0xE900;
	s30 =	simm.s32 $0xF100;
	[dreg:$0x9] =	wrdreg s23  }
0xd: {  	s31 =	simm.s32 $0xF900;
	s6 =	sshll.u32 s0, $0x9;
	[dreg:$0xa] =	wrdreg s24  }
0xe: {  	s7 =	sshll.u32 s4, $0x8;
	s4 =	ssub.s32 $0x2, s4;
	[dreg:$0xb] =	wrdreg s25  }
0xf: {  	s6 =	sor.u32 s7, s6;
	s22 =	sshrl.u32 s4, $0x1;
	[dreg:$0xc] =	wrdreg s26  }
0x10: {  	s19 =	simm.s32 $0xA100;
	s20 =	simm.s32 $0xA900;
	s21 =	simm.s32 $0xB100  }
0x11: {  	s23 =	simm.s32 $0xC100;
	s24 =	simm.s32 $0xC900;
	s25 =	simm.s32 $0xD100  }
0x12: {  	s26 =	simm.s32 $0xD900;
	s7 =	sshrl.u32 s6, $0x3;
	s6 =	sshll.u32 s6, $0x5  }
0x13: {  	s4 =	ssub.s32 s4, s22;
	s22 =	simm.s32 $0xB900;
	s3 =	sadd.s32 s3, s7  }
0x14: {  	v2 =	vlaneseq.u32;
	s18 =	sadd.s32 s5, s6;
	s4 =	smax.u32 s4, $0x1;
	[dreg:$0x4] =	wrdreg s3  }
0x15: {  	vm0 =	vmmov $0xffff;
	v1 =	vshrl.u32 v2, $0x3;
	s5 =	simm.s32 $0x2;
	s6 =	simm.s32 $0x100;
	[dreg:$0x5] =	wrdreg s18  }
0x16: {  	v0 =	vand.u32 $0x7, v2;
	v2 =	vor.u32 $0x8, v2;
	v1 =	vmul.u32 $0x8, v1;
	s3 =	sadd.s32 $0x45600, s1;
	s18 =	simm.s32 $0x9900;
	s1 =	simm.s32 $0x1  }
.LBB2_1:
0x17: {  	s0 =	rddreg [dreg:$0x4]  }
0x18: {  	[tilespmem:s2], [sflag:$0x2] =	stream.linear.gather [hbm4b:s0+s2], $0x100, $0x38;
	[tilespmem:$0x10100] =	vst v63  }
0x19: {  	_ =	swait.ge [sflag:s5], $0x100  }
0x1a: {  	[sflag:s5] =	ssyncset.done $0x0  }
0x1b: {  	[sflag:s5] =	ssyncadd.s32 $0xFFFFFF00  }
0x1c: {  	v3 =	vld [tilespmem:$0x0];
	_ =	sdelay $0x4  }
0x1d: {  	v4 =	vshll.u32 v3, $0x1  }
0x1e: {  	v3 =	vand.u32 $0x7, v3;
	v4 =	vand.u32 $0xFFFFFFF0, v4  }
0x1f: {  	v3 =	vor.u32 v3, v4  }
0x20: {  	v4 =	vperm.xlane v3, v0;
	_ =	sdelay $0x1  }
0x21: {  	v3 =	vperm.xlane v3, v2;
	v4 =	vadd.s32 v1, v4;
	_ =	sdelay $0x1  }
0x22: {  	v3 =	vadd.s32 v1, v3;
	_ =	sdelay $0x2  }
0x23: {  	[tilespmem:s6], [sflag:$0x1] =	stream.indirect_vreg.gather [hbm4b:s3+s2], $0x80, v4, vm0, $0xb8;
	[tilespmem:$0x10100] =	vst v63  }
0x24: {  	s7 =	rddreg [dreg:$0x6]  }
0x25: {  	[tilespmem:s7], [sflag:$0x1] =	stream.indirect_vreg.gather [hbm4b:s3+s2], $0x80, v3, vm0, $0xb8;
	[tilespmem:$0x10100] =	vst v63  }
0x26: {  	v3 =	vld [tilespmem:$0x10];
	_ =	sdelay $0x4  }
0x27: {  	v49 =	vshll.u32 v3, $0x1  }
0x28: {  	v3 =	vand.u32 $0x7, v3;
	v4 =	vand.u32 $0xFFFFFFF0, v49  }
0x29: {  	v3 =	vor.u32 v3, v4  }
0x2a: {  	v4 =	vperm.xlane v3, v0;
	_ =	sdelay $0x1  }
0x2b: {  	v3 =	vperm.xlane v3, v2;
	v4 =	vadd.s32 v1, v4;
	_ =	sdelay $0x1  }
0x2c: {  	v3 =	vadd.s32 v1, v3;
	_ =	sdelay $0x1  }
0x2d: {  	s0 =	rddreg [dreg:$0x7]  }
0x2e: {  	[tilespmem:s0], [sflag:$0x1] =	stream.indirect_vreg.gather [hbm4b:s3+s2], $0x80, v4, vm0, $0xb8;
	[tilespmem:$0x10100] =	vst v63  }
0x2f: {  	s7 =	rddreg [dreg:$0x8]  }
0x30: {  	[tilespmem:s7], [sflag:$0x1] =	stream.indirect_vreg.gather [hbm4b:s3+s2], $0x80, v3, vm0, $0xb8;
	[tilespmem:$0x10100] =	vst v63  }
0x31: {  	v3 =	vld [tilespmem:$0x20];
	_ =	sdelay $0x4  }
0x32: {  	v50 =	vshll.u32 v3, $0x1  }
0x33: {  	v3 =	vand.u32 $0x7, v3;
	v4 =	vand.u32 $0xFFFFFFF0, v50  }
0x34: {  	v3 =	vor.u32 v3, v4  }
0x35: {  	v4 =	vperm.xlane v3, v0;
	_ =	sdelay $0x1  }
0x36: {  	v3 =	vperm.xlane v3, v2;
	v4 =	vadd.s32 v1, v4;
	_ =	sdelay $0x1  }
0x37: {  	v3 =	vadd.s32 v1, v3;
	_ =	sdelay $0x1  }
0x38: {  	s0 =	rddreg [dreg:$0x9]  }
0x39: {  	[tilespmem:s0], [sflag:$0x1] =	stream.indirect_vreg.gather [hbm4b:s3+s2], $0x80, v4, vm0, $0xb8;
	[tilespmem:$0x10100] =	vst v63  }
0x3a: {  	s7 =	rddreg [dreg:$0xa]  }
0x3b: {  	[tilespmem:s7], [sflag:$0x1] =	stream.indirect_vreg.gather [hbm4b:s3+s2], $0x80, v3, vm0, $0xb8;
	[tilespmem:$0x10100] =	vst v63  }
0x3c: {  	v3 =	vld [tilespmem:$0x30];
	_ =	sdelay $0x4  }
0x3d: {  	v51 =	vshll.u32 v3, $0x1  }
0x3e: {  	v3 =	vand.u32 $0x7, v3;
	v4 =	vand.u32 $0xFFFFFFF0, v51  }
0x3f: {  	v3 =	vor.u32 v3, v4  }
0x40: {  	v4 =	vperm.xlane v3, v0;
	_ =	sdelay $0x1  }
0x41: {  	v3 =	vperm.xlane v3, v2;
	v4 =	vadd.s32 v1, v4;
	_ =	sdelay $0x1  }
0x42: {  	v3 =	vadd.s32 v1, v3;
	_ =	sdelay $0x1  }
0x43: {  	s0 =	rddreg [dreg:$0xb]  }
0x44: {  	[tilespmem:s0], [sflag:$0x1] =	stream.indirect_vreg.gather [hbm4b:s3+s2], $0x80, v4, vm0, $0xb8;
	[tilespmem:$0x10100] =	vst v63  }
0x45: {  	s7 =	rddreg [dreg:$0xc]  }
0x46: {  	[tilespmem:s7], [sflag:$0x1] =	stream.indirect_vreg.gather [hbm4b:s3+s2], $0x80, v3, vm0, $0xb8;
	[tilespmem:$0x10100] =	vst v63  }
0x47: {  	v3 =	vld [tilespmem:$0x40];
	_ =	sdelay $0x4  }
0x48: {  	v52 =	vshll.u32 v3, $0x1  }
0x49: {  	v3 =	vand.u32 $0x7, v3;
	v4 =	vand.u32 $0xFFFFFFF0, v52  }
0x4a: {  	v3 =	vor.u32 v3, v4  }
0x4b: {  	v4 =	vperm.xlane v3, v0;
	_ =	sdelay $0x1  }
0x4c: {  	v3 =	vperm.xlane v3, v2;
	v4 =	vadd.s32 v1, v4;
	_ =	sdelay $0x1  }
0x4d: {  	v3 =	vadd.s32 v1, v3;
	_ =	sdelay $0x1  }
0x4e: {  	s7 =	simm.s32 $0x4100  }
0x4f: {  	[tilespmem:s7], [sflag:$0x1] =	stream.indirect_vreg.gather [hbm4b:s3+s2], $0x80, v4, vm0, $0xb8;
	[tilespmem:$0x10100] =	vst v63  }
0x50: {  	_ = 	snop  }
0x51: {  	[tilespmem:s8], [sflag:$0x1] =	stream.indirect_vreg.gather [hbm4b:s3+s2], $0x80, v3, vm0, $0xb8;
	[tilespmem:$0x10100] =	vst v63  }
0x52: {  	v3 =	vld [tilespmem:$0x50];
	_ =	sdelay $0x4  }
0x53: {  	v53 =	vshll.u32 v3, $0x1  }
0x54: {  	v3 =	vand.u32 $0x7, v3;
	v4 =	vand.u32 $0xFFFFFFF0, v53  }
0x55: {  	v3 =	vor.u32 v3, v4  }
0x56: {  	v4 =	vperm.xlane v3, v0;
	_ =	sdelay $0x1  }
0x57: {  	v3 =	vperm.xlane v3, v2;
	v4 =	vadd.s32 v1, v4;
	_ =	sdelay $0x1  }
0x58: {  	v3 =	vadd.s32 v1, v3;
	_ =	sdelay $0x2  }
0x59: {  	[tilespmem:s9], [sflag:$0x1] =	stream.indirect_vreg.gather [hbm4b:s3+s2], $0x80, v4, vm0, $0xb8;
	[tilespmem:$0x10100] =	vst v63  }
0x5a: {  	_ = 	snop  }
0x5b: {  	[tilespmem:s10], [sflag:$0x1] =	stream.indirect_vreg.gather [hbm4b:s3+s2], $0x80, v3, vm0, $0xb8;
	[tilespmem:$0x10100] =	vst v63  }
0x5c: {  	v3 =	vld [tilespmem:$0x60];
	_ =	sdelay $0x4  }
0x5d: {  	v54 =	vshll.u32 v3, $0x1  }
0x5e: {  	v3 =	vand.u32 $0x7, v3;
	v4 =	vand.u32 $0xFFFFFFF0, v54  }
0x5f: {  	v3 =	vor.u32 v3, v4  }
0x60: {  	v4 =	vperm.xlane v3, v0;
	_ =	sdelay $0x1  }
0x61: {  	v3 =	vperm.xlane v3, v2;
	v4 =	vadd.s32 v1, v4;
	_ =	sdelay $0x1  }
0x62: {  	v3 =	vadd.s32 v1, v3;
	_ =	sdelay $0x2  }
0x63: {  	[tilespmem:s11], [sflag:$0x1] =	stream.indirect_vreg.gather [hbm4b:s3+s2], $0x80, v4, vm0, $0xb8;
	[tilespmem:$0x10100] =	vst v63  }
0x64: {  	_ = 	snop  }
0x65: {  	[tilespmem:s12], [sflag:$0x1] =	stream.indirect_vreg.gather [hbm4b:s3+s2], $0x80, v3, vm0, $0xb8;
	[tilespmem:$0x10100] =	vst v63  }
0x66: {  	v3 =	vld [tilespmem:$0x70];
	_ =	sdelay $0x4  }
0x67: {  	v55 =	vshll.u32 v3, $0x1  }
0x68: {  	v3 =	vand.u32 $0x7, v3;
	v4 =	vand.u32 $0xFFFFFFF0, v55  }
0x69: {  	v3 =	vor.u32 v3, v4  }
0x6a: {  	v4 =	vperm.xlane v3, v0;
	_ =	sdelay $0x1  }
0x6b: {  	v3 =	vperm.xlane v3, v2;
	v4 =	vadd.s32 v1, v4;
	_ =	sdelay $0x1  }
0x6c: {  	v3 =	vadd.s32 v1, v3;
	_ =	sdelay $0x2  }
0x6d: {  	[tilespmem:s13], [sflag:$0x1] =	stream.indirect_vreg.gather [hbm4b:s3+s2], $0x80, v4, vm0, $0xb8;
	[tilespmem:$0x10100] =	vst v63  }
0x6e: {  	_ = 	snop  }
0x6f: {  	[tilespmem:s14], [sflag:$0x1] =	stream.indirect_vreg.gather [hbm4b:s3+s2], $0x80, v3, vm0, $0xb8;
	[tilespmem:$0x10100] =	vst v63  }
0x70: {  	v3 =	vld [tilespmem:$0x80];
	_ =	sdelay $0x4  }
0x71: {  	v56 =	vshll.u32 v3, $0x1  }
0x72: {  	v3 =	vand.u32 $0x7, v3;
	v4 =	vand.u32 $0xFFFFFFF0, v56  }
0x73: {  	v3 =	vor.u32 v3, v4  }
0x74: {  	v4 =	vperm.xlane v3, v0;
	_ =	sdelay $0x1  }
0x75: {  	v3 =	vperm.xlane v3, v2;
	v4 =	vadd.s32 v1, v4;
	_ =	sdelay $0x1  }
0x76: {  	v3 =	vadd.s32 v1, v3;
	_ =	sdelay $0x2  }
0x77: {  	[tilespmem:s15], [sflag:$0x1] =	stream.indirect_vreg.gather [hbm4b:s3+s2], $0x80, v4, vm0, $0xb8;
	[tilespmem:$0x10100] =	vst v63  }
0x78: {  	_ = 	snop  }
0x79: {  	[tilespmem:s16], [sflag:$0x1] =	stream.indirect_vreg.gather [hbm4b:s3+s2], $0x80, v3, vm0, $0xb8;
	[tilespmem:$0x10100] =	vst v63  }
0x7a: {  	v3 =	vld [tilespmem:$0x90];
	_ =	sdelay $0x4  }
0x7b: {  	v57 =	vshll.u32 v3, $0x1  }
0x7c: {  	v3 =	vand.u32 $0x7, v3;
	v4 =	vand.u32 $0xFFFFFFF0, v57  }
0x7d: {  	v3 =	vor.u32 v3, v4  }
0x7e: {  	v4 =	vperm.xlane v3, v0;
	_ =	sdelay $0x1  }
0x7f: {  	v3 =	vperm.xlane v3, v2;
	v4 =	vadd.s32 v1, v4;
	_ =	sdelay $0x1  }
0x80: {  	v3 =	vadd.s32 v1, v3;
	_ =	sdelay $0x2  }
0x81: {  	[tilespmem:s17], [sflag:$0x1] =	stream.indirect_vreg.gather [hbm4b:s3+s2], $0x80, v4, vm0, $0xb8;
	[tilespmem:$0x10100] =	vst v63  }
0x82: {  	_ = 	snop  }
0x83: {  	[tilespmem:s18], [sflag:$0x1] =	stream.indirect_vreg.gather [hbm4b:s3+s2], $0x80, v3, vm0, $0xb8;
	[tilespmem:$0x10100] =	vst v63  }
0x84: {  	v3 =	vld [tilespmem:$0xA0];
	_ =	sdelay $0x4  }
0x85: {  	v58 =	vshll.u32 v3, $0x1  }
0x86: {  	v3 =	vand.u32 $0x7, v3;
	v4 =	vand.u32 $0xFFFFFFF0, v58  }
0x87: {  	v3 =	vor.u32 v3, v4  }
0x88: {  	v4 =	vperm.xlane v3, v0;
	_ =	sdelay $0x1  }
0x89: {  	v3 =	vperm.xlane v3, v2;
	v4 =	vadd.s32 v1, v4;
	_ =	sdelay $0x1  }
0x8a: {  	v3 =	vadd.s32 v1, v3;
	_ =	sdelay $0x2  }
0x8b: {  	[tilespmem:s19], [sflag:$0x1] =	stream.indirect_vreg.gather [hbm4b:s3+s2], $0x80, v4, vm0, $0xb8;
	[tilespmem:$0x10100] =	vst v63  }
0x8c: {  	_ = 	snop  }
0x8d: {  	[tilespmem:s20], [sflag:$0x1] =	stream.indirect_vreg.gather [hbm4b:s3+s2], $0x80, v3, vm0, $0xb8;
	[tilespmem:$0x10100] =	vst v63  }
0x8e: {  	v3 =	vld [tilespmem:$0xB0];
	_ =	sdelay $0x4  }
0x8f: {  	v59 =	vshll.u32 v3, $0x1  }
0x90: {  	v3 =	vand.u32 $0x7, v3;
	v4 =	vand.u32 $0xFFFFFFF0, v59  }
0x91: {  	v3 =	vor.u32 v3, v4  }
0x92: {  	v4 =	vperm.xlane v3, v0;
	_ =	sdelay $0x1  }
0x93: {  	v3 =	vperm.xlane v3, v2;
	v4 =	vadd.s32 v1, v4;
	_ =	sdelay $0x1  }
0x94: {  	v3 =	vadd.s32 v1, v3;
	_ =	sdelay $0x2  }
0x95: {  	[tilespmem:s21], [sflag:$0x1] =	stream.indirect_vreg.gather [hbm4b:s3+s2], $0x80, v4, vm0, $0xb8;
	[tilespmem:$0x10100] =	vst v63  }
0x96: {  	_ = 	snop  }
0x97: {  	[tilespmem:s22], [sflag:$0x1] =	stream.indirect_vreg.gather [hbm4b:s3+s2], $0x80, v3, vm0, $0xb8;
	[tilespmem:$0x10100] =	vst v63  }
0x98: {  	v3 =	vld [tilespmem:$0xC0];
	_ =	sdelay $0x4  }
0x99: {  	v60 =	vshll.u32 v3, $0x1  }
0x9a: {  	v3 =	vand.u32 $0x7, v3;
	v4 =	vand.u32 $0xFFFFFFF0, v60  }
0x9b: {  	v3 =	vor.u32 v3, v4  }
0x9c: {  	v4 =	vperm.xlane v3, v0;
	_ =	sdelay $0x1  }
0x9d: {  	v3 =	vperm.xlane v3, v2;
	v4 =	vadd.s32 v1, v4;
	_ =	sdelay $0x1  }
0x9e: {  	v3 =	vadd.s32 v1, v3;
	_ =	sdelay $0x2  }
0x9f: {  	[tilespmem:s23], [sflag:$0x1] =	stream.indirect_vreg.gather [hbm4b:s3+s2], $0x80, v4, vm0, $0xb8;
	[tilespmem:$0x10100] =	vst v63  }
0xa0: {  	_ = 	snop  }
0xa1: {  	[tilespmem:s24], [sflag:$0x1] =	stream.indirect_vreg.gather [hbm4b:s3+s2], $0x80, v3, vm0, $0xb8;
	[tilespmem:$0x10100] =	vst v63  }
0xa2: {  	v3 =	vld [tilespmem:$0xD0];
	_ =	sdelay $0x4  }
0xa3: {  	v61 =	vshll.u32 v3, $0x1  }
0xa4: {  	v3 =	vand.u32 $0x7, v3;
	v4 =	vand.u32 $0xFFFFFFF0, v61  }
0xa5: {  	v3 =	vor.u32 v3, v4  }
0xa6: {  	v4 =	vperm.xlane v3, v0;
	_ =	sdelay $0x1  }
0xa7: {  	v3 =	vperm.xlane v3, v2;
	v4 =	vadd.s32 v1, v4;
	_ =	sdelay $0x1  }
0xa8: {  	v3 =	vadd.s32 v1, v3;
	_ =	sdelay $0x2  }
0xa9: {  	[tilespmem:s25], [sflag:$0x1] =	stream.indirect_vreg.gather [hbm4b:s3+s2], $0x80, v4, vm0, $0xb8;
	[tilespmem:$0x10100] =	vst v63  }
0xaa: {  	_ = 	snop  }
0xab: {  	[tilespmem:s26], [sflag:$0x1] =	stream.indirect_vreg.gather [hbm4b:s3+s2], $0x80, v3, vm0, $0xb8;
	[tilespmem:$0x10100] =	vst v63  }
0xac: {  	v3 =	vld [tilespmem:$0xE0];
	_ =	sdelay $0x4  }
0xad: {  	v62 =	vshll.u32 v3, $0x1  }
0xae: {  	v3 =	vand.u32 $0x7, v3;
	v4 =	vand.u32 $0xFFFFFFF0, v62  }
0xaf: {  	v3 =	vor.u32 v3, v4  }
0xb0: {  	v4 =	vperm.xlane v3, v0;
	_ =	sdelay $0x1  }
0xb1: {  	v3 =	vperm.xlane v3, v2;
	v4 =	vadd.s32 v1, v4;
	_ =	sdelay $0x1  }
0xb2: {  	v3 =	vadd.s32 v1, v3;
	_ =	sdelay $0x2  }
0xb3: {  	[tilespmem:s28], [sflag:$0x1] =	stream.indirect_vreg.gather [hbm4b:s3+s2], $0x80, v4, vm0, $0xb8;
	[tilespmem:$0x10100] =	vst v63  }
0xb4: {  	_ = 	snop  }
0xb5: {  	[tilespmem:s29], [sflag:$0x1] =	stream.indirect_vreg.gather [hbm4b:s3+s2], $0x80, v3, vm0, $0xb8;
	[tilespmem:$0x10100] =	vst v63  }
0xb6: {  	v3 =	vld [tilespmem:$0xF0];
	_ =	sdelay $0x4  }
0xb7: {  	v63 =	vshll.u32 v3, $0x1  }
0xb8: {  	v3 =	vand.u32 $0x7, v3;
	v4 =	vand.u32 $0xFFFFFFF0, v63  }
0xb9: {  	v3 =	vor.u32 v3, v4  }
0xba: {  	v4 =	vperm.xlane v3, v0;
	_ =	sdelay $0x1  }
0xbb: {  	v3 =	vperm.xlane v3, v2;
	v4 =	vadd.s32 v1, v4;
	_ =	sdelay $0x1  }
0xbc: {  	v3 =	vadd.s32 v1, v3;
	_ =	sdelay $0x2  }
0xbd: {  	[tilespmem:s30], [sflag:$0x1] =	stream.indirect_vreg.gather [hbm4b:s3+s2], $0x80, v4, vm0, $0xb8;
	[tilespmem:$0x10100] =	vst v63  }
0xbe: {  	_ = 	snop  }
0xbf: {  	[tilespmem:s31], [sflag:$0x1] =	stream.indirect_vreg.gather [hbm4b:s3+s2], $0x80, v3, vm0, $0xb8;
	[tilespmem:$0x10100] =	vst v63  }
0xc0: {  	_ =	swait.ge [sflag:s1], $0x10000  }
0xc1: {  	p0 =	sne.s32 s4, $0x1;
	[sflag:s1] =	ssyncset.done $0x0  }
.Ltmp0:
0xc2: {  	s7 =	rddreg [dreg:$0x5];
	[sflag:s1] =	ssyncadd.s32 $0xFFFF0000;
	(pc) =	sbr.rel @p0 .LBB2_1-.Ltmp0, $4  }
0xc3: {  	[hbm4b:s7+s2] =	stream.linear.scatter [tilespmem:s6], [sflag:$0x2], $0x10000, $0x38;
	[tilespmem:$0x10100] =	vst v63  }
0xc4: {  	_ =	swait.ge [sflag:s5], $0x10000  }
0xc5: {  	[sflag:s5] =	ssyncset.done $0x0  }
0xc6: {  	s4 =	sadd.s32 $0xFFFFFFFF, s4;
	[sflag:s5] =	ssyncadd.s32 $0xFFFF0000  }
0xc7: {  	_ =	sfence.sel $0x180000  }
0xc8: {  	[bflag:$0x0] =	sbarrier.arrive $0xFFFF  }
0xc9: {  	_ =	strace $0x9000004D  }
0xca: {  	s0 =	stileid.u32;
	[bflag:$0x2] =	sbarrier.arrive $0xFFFF  }
0xcb: {  	p0 =	sne.s32 s0, $0x0;
	s0 =	rddreg [dreg:$0x3]  }
0xcc: {  	s0 =	sadd.s32 @!p0 $0x100000, s0  }
0xcd: {  	[sflag:s0] =	ssyncadd.tile.s32 @!p0 $0x1;
	_ =	shalt  }
.Lfunc_end2:
_tile_overlayer_lowered:
.L_overlay_start_2:
0xce: {  	(tag) =	ssettag $0x2  }
0xcf: {  	s0 =	rddreg [dreg:$0x0];
	s2 =	stileid.u32  }
0xd0: {  	s1 =	rddreg [dreg:$0x1];
	p0 =	sne.s32 s2, $0x0  }
0xd1: {  	s3 =	rddreg [dreg:$0x2];
	[bflag:$0x3] =	sbarrier.arrive $0xFFFF;
	s2 =	simm.s32 @!p0 $0x1C02  }
0xd2: {  	[timem:s3], [sflag:s2] =	dma.local @!p0 [hbm:s0], s1  }
0xd3: {  	s0 =	simm.s32 @!p0 $0x2  }
0xd4: {  	_ =	swait.ge @!p0 [sflag:s0], s1  }
0xd5: {  	s1 =	ssub.s32 @!p0 $0x0, s1;
	[sflag:s0] =	ssyncset.done @!p0 $0x0  }
0xd6: {  	[sflag:s0] =	ssyncadd.s32 @!p0 s1  }
0xd7: {  	[bflag:$0x3] =	sbarrier.arrive $0xFFFF  }
0xd8: {  	_ =	shalt  }

// kernel: kernel.23.cloned.1.call-start
scs
__scs_entry_jumppad:
0x0: {  	(pc) =	sbr.rel $0x88, $3  }
0x1: {  	(tag) =	ssettag $0x0;
	lr =	simm.s32 $0x1  }
0x2: {  	[smem:$0x3F99] =	sst lr;
	_ =	strace $0xD0000000  }
0x3: {  	_ = 	snop  }
0x4: {  	_ = 	snop  }
0x5: {  	_ = 	snop  }
0x6: {  	_ = 	snop  }
0x7: {  	_ = 	snop  }
__scs_overlays_trampoline_lowered:
0x8: {  	[smem:$0x3FA8] =	sst s0  }
0x9: {  	[smem:$0x3FA9] =	sst s1  }
0xa: {  	[smem:$0x3FAA] =	sst s2  }
0xb: {  	[smem:$0x3FAB] =	sst s3  }
0xc: {  	[smem:$0x3FAC] =	sst s4  }
0xd: {  	[smem:$0x3FAD] =	sst s5  }
0xe: {  	[smem:$0x3FAE] =	sst s6  }
0xf: {  	[smem:$0x3FAF] =	sst s7  }
0x10: {  	[smem:$0x3FB0] =	sst s8  }
0x11: {  	[smem:$0x3FB1] =	sst s9;
	s0 =	simm.s32 @!p0 $0x0  }
0x12: {  	s1 =	sld [smem:$0x3F97];
	s0 =	simm.s32 @p0 $0x1  }
0x13: {  	[smem:$0x3FB2] =	sst s0;
	s0 =	simm.s32 @!p1 $0x0  }
0x14: {  	s2 =	sld [smem:$0x3F96];
	s0 =	simm.s32 @p1 $0x1  }
0x15: {  	[smem:$0x3FB3] =	sst s0;
	s0 =	simm.s32 @!p2 $0x0  }
0x16: {  	s3 =	sld [smem:$0x3FDB];
	s0 =	simm.s32 @p2 $0x1  }
0x17: {  	s4 =	simm.s32 $0x1BF5;
	[smem:$0x3FB5] =	sst s0  }
0x18: {  	s0 =	sld [smem:$0x3F98];
	_ =	swait.ge [sflag:s4], $0x0  }
0x19: {  	s7 =	sld [smem:$0x3F99]  }
0x1a: {  	s8 =	sadd.s32 $0xFFFFE003, lr  }
0x1b: {  	s9 =	sadd.s32 $0xFFFFFEF7, lr;
	s5 =	simm.s32 $0xFFFFFFFF;
	p2 =	slt.u32 s8, $0xFFFFF086  }
0x1c: {  	p1 =	slt.u32 s9, $0xF7A;
	s5 =	simm.s32 @!p2 $0x0  }
0x1d: {  	s5 =	simm.s32 @p1 $0x1;
	p0 =	seq.s32 s7, s2  }
0x1e: {  	s7 =	smul.u32 @!p0 $0xF7A, s2;
	p2 =	seq.s32 @!p0 s5, $0x0  }
0x1f: {  	s9 =	smul.u32 $0xF7A, s1;
	s8 =	simm.s32 @!p0 $0x1BF5;
	p2 =	por !p2, p0  }
0x20: {  	[sflag:s8] =	ssyncset.s32 @!p0 $0xFFFFF086;
	s6 =	sadd.s32 @!p0 s3, s7;
	s7 =	simm.s32 @!p0 $0x108  }
0x21: {  	s3 =	sadd.s32 s3, s9;
	s6 =	sadd.s32 @!p0 $0x88, s6;
	s7 =	simm.s32 @p2 $0x1082  }
0x22: {  	[simem:s7], [sflag:s8] =	dma.local @!p0 [hbm:s6], $0xF7A  }
0x23: {  	s9 =	sor.u32 $0xD0000000, s2;
	s6 =	simm.s32 $0x108;
	_ =	swait.ge @!p0 [sflag:s8], $0x0  }
0x24: {  	s3 =	sadd.s32 $0x88, s3;
	s6 =	simm.s32 @!p1 $0x1082;
	[sflag:s4] =	ssyncset.s32 $0xFFFFF086  }
0x25: {  	[simem:s6], [sflag:s4] =	dma.local [hbm:s3], $0xF7A  }
0x26: {  	[smem:$0x3F99] =	sst s1;
	(tag) =	ssettag s2;
	_ =	strace s9  }
0x27: {  	s1 =	sld [smem:$0x3FA9]  }
0x28: {  	s2 =	sld [smem:$0x3FAA]  }
0x29: {  	s4 =	sld [smem:$0x3FAC]  }
0x2a: {  	p0 =	seq.s32 s5, $0x0;
	s5 =	sld [smem:$0x3FAD]  }
0x2b: {  	s6 =	sld [smem:$0x3FAE]  }
0x2c: {  	s7 =	sld [smem:$0x3FAF]  }
0x2d: {  	s3 =	simm.s32 $0x108;
	s8 =	sld [smem:$0x3FB0]  }
0x2e: {  	s3 =	simm.s32 @!p0 $0x1082;
	s9 =	sld [smem:$0x3FB1]  }
0x2f: {  	lr =	sadd.s32 s0, s3;
	s0 =	sld [smem:$0x3FA8]  }
0x30: {  	s3 =	sld [smem:$0x3FAB]  }
0x31: {  	[smem:$0x3FB4] =	sst s10  }
0x32: {  	s10 =	sld [smem:$0x3FB2];
	_ =	sdelay $0x3  }
0x33: {  	p0 =	seq.s32 s10, $0x1;
	s10 =	sld [smem:$0x3FB4];
	_ =	sdelay $0x3  }
0x34: {  	[smem:$0x3FB4] =	sst s10  }
0x35: {  	s10 =	sld [smem:$0x3FB3];
	_ =	sdelay $0x3  }
0x36: {  	p1 =	seq.s32 s10, $0x1;
	s10 =	sld [smem:$0x3FB4];
	_ =	sdelay $0x3  }
0x37: {  	[smem:$0x3FB4] =	sst s10  }
0x38: {  	s10 =	sld [smem:$0x3FB5]  }
0x39: {  	_ = 	snop;
	(pc) =	sbr.ind lr, $3  }
0x3a: {  	_ = 	snop  }
0x3b: {  	_ = 	snop  }
0x3c: {  	p2 =	seq.s32 s10, $0x1;
	s10 =	sld [smem:$0x3FB4]  }
0x3d: {  	_ =	shalt  }
0x3e: {  	_ =	shalt  }
0x3f: {  	_ =	shalt  }
0x40: {  	_ =	shalt  }
0x41: {  	_ =	shalt  }
0x42: {  	_ =	shalt  }
0x43: {  	_ =	shalt  }
0x44: {  	_ =	shalt  }
0x45: {  	_ =	shalt  }
0x46: {  	_ =	shalt  }
0x47: {  	_ =	shalt  }
0x48: {  	_ =	shalt  }
0x49: {  	_ =	shalt  }
0x4a: {  	_ =	shalt  }
0x4b: {  	_ =	shalt  }
0x4c: {  	_ =	shalt  }
0x4d: {  	_ =	shalt  }
0x4e: {  	_ =	shalt  }
0x4f: {  	_ =	shalt  }
0x50: {  	_ =	shalt  }
0x51: {  	_ =	shalt  }
0x52: {  	_ =	shalt  }
0x53: {  	_ =	shalt  }
0x54: {  	_ =	shalt  }
0x55: {  	_ =	shalt  }
0x56: {  	_ =	shalt  }
0x57: {  	_ =	shalt  }
0x58: {  	_ =	shalt  }
0x59: {  	_ =	shalt  }
0x5a: {  	_ =	shalt  }
0x5b: {  	_ =	shalt  }
0x5c: {  	_ =	shalt  }
0x5d: {  	_ =	shalt  }
0x5e: {  	_ =	shalt  }
0x5f: {  	_ =	shalt  }
0x60: {  	_ =	shalt  }
0x61: {  	_ =	shalt  }
0x62: {  	_ =	shalt  }
0x63: {  	_ =	shalt  }
0x64: {  	_ =	shalt  }
0x65: {  	_ =	shalt  }
0x66: {  	_ =	shalt  }
0x67: {  	_ =	shalt  }
0x68: {  	_ =	shalt  }
0x69: {  	_ =	shalt  }
0x6a: {  	_ =	shalt  }
0x6b: {  	_ =	shalt  }
0x6c: {  	_ =	shalt  }
0x6d: {  	_ =	shalt  }
0x6e: {  	_ =	shalt  }
0x6f: {  	_ =	shalt  }
0x70: {  	_ =	shalt  }
0x71: {  	_ =	shalt  }
0x72: {  	_ =	shalt  }
0x73: {  	_ =	shalt  }
0x74: {  	_ =	shalt  }
0x75: {  	_ =	shalt  }
0x76: {  	_ =	shalt  }
0x77: {  	_ =	shalt  }
0x78: {  	_ =	shalt  }
0x79: {  	_ =	shalt  }
0x7a: {  	_ =	shalt  }
0x7b: {  	_ =	shalt  }
0x7c: {  	_ =	shalt  }
0x7d: {  	_ =	shalt  }
0x7e: {  	_ =	shalt  }
0x7f: {  	_ =	shalt  }
0x80: {  	_ =	shalt  }
0x81: {  	_ =	shalt  }
0x82: {  	_ =	shalt  }
0x83: {  	_ =	shalt  }
0x84: {  	_ =	shalt  }
0x85: {  	_ =	shalt  }
0x86: {  	_ =	shalt  }
0x87: {  	_ =	shalt  }
.Lfunc_end0:
.L_simem_size_0:
called_computation.3_lowered:
.L_overlay_start_0:
0x88: {  	s2 =	sld [smem:$0x3FD9]  }
0x89: {  	s3 =	sld [smem:$0x3FFE];
	_ =	sdelay $0x1  }
0x8a: {  	s1 =	srdreg.scid  }
0x8b: {  	s0 =	sand.u32 $0x1, s1  }
0x8c: {  	s14 =	sshll.u32 s0, $0xA;
	s2 =	sadd.s32 s3, s2  }
0x8d: {  	s2 =	sadd.s32 s2, s14  }
0x8e: {  	[smem:$0x3FC0] =	sst s2  }
0x8f: {  	_ = 	snop  }
0x90: {  	s2 =	sld [smem:$0x3FD0];
	_ =	sdelay $0x2  }
0x91: {  	s15 =	simm.s32 $0xA;
	s4 =	simm.s32 $0x10  }
0x92: {  	[smem:s4], [sflag:s15] =	dma.local [hbm:s2], $0x1  }
0x93: {  	_ =	swait.eq [sflag:s15], $0x1  }
0x94: {  	[sflag:s15] =	ssyncset.done $0x0  }
0x95: {  	[sflag:s15] =	ssyncadd.s32 $0xFFFFFFFF  }
0x96: {  	s16 =	sld [smem:$0x11];
	(tm) =	ssettm $0x1  }
0x97: {  	s17 =	sld [smem:$0x3FFB];
	_ =	sdelay $0x3  }
0x98: {  	_ =	strace s17  }
0x99: {  	s3 =	sld [smem:$0x3FFC];
	_ =	sdelay $0x3  }
0x9a: {  	_ =	strace s3  }
0x9b: {  	s3 =	sld [smem:$0x3FFD];
	_ =	sdelay $0x3  }
0x9c: {  	_ =	strace s3  }
0x9d: {  	_ =	strace $0x8FFFFFFF  }
0x9e: {  	s18 =	sld [smem:$0x3FDB];
	_ =	sdelay $0x1  }
0x9f: {  	s19 =	simm.s32 $_scs_section_size  }
0xa0: {  	s5 =	simm.s32 $_size__tile_overlayer_lowered;
	s6 =	simm.s32 $_tile_overlayer_lowered  }
0xa1: {  	s22 =	simm.s32 $0x1BFF;
	s21 =	sshll.u32 s6, $0x1;
	s3 =	sadd.s32 s19, s18  }
0xa2: {  	s7 =	simm.s32 $0x0;
	s20 =	sshll.u32 s5, $0x1;
	s5 =	sadd.s32 s21, s3  }
0xa3: {  	[timem:s7], [sflag:s22] =	dma.local [hbm:s5], s20  }
0xa4: {  	_ =	swait.ge [sflag:s22], s20  }
0xa5: {  	s4 =	ssub.s32 $0x0, s20;
	[sflag:s22] =	ssyncset.done $0x0  }
0xa6: {  	[sflag:s22] =	ssyncadd.s32 s4;
	_ =	sdelay $0x1  }
0xa7: {  	s23 =	simm.s32 $0x1B8B  }
0xa8: {  	_ =	swait.ge [sflag:s23], $0x1  }
0xa9: {  	[sflag:s23] =	ssyncset.done $0x0  }
0xaa: {  	s25 =	simm.s32 $0x1B8E;
	s24 =	sld [smem:$0x3FFE];
	[sflag:s23] =	ssyncadd.s32 $0xFFFFFFFF  }
0xab: {  	s26 =	simm.s32 $execute0_lowered;
	[smem:$0x3FD2] =	sst s25  }
0xac: {  	s5 =	sshll.u32 s26, $0x1;
	_ =	strace $0x8000004F;
	[dreg:$0x1] =	wrdreg $0xFFFFFFFF  }
0xad: {  	s28 =	simm.s32 $_size_execute0_lowered;
	s3 =	sadd.s32 s3, s5;
	[dreg:$0x0] =	wrdreg $0x0  }
0xae: {  	s5 =	sshll.u32 s28, $0x1;
	[dreg:$0x2] =	wrdreg s3  }
0xaf: {  	[dreg:$0x3] =	wrdreg s5  }
0xb0: {  	[dreg:$0x4] =	wrdreg $0xC0  }
0xb1: {  	_ =	task [dreg:s7], $0x5FFFF  }
0xb2: {  	[dreg:$0x1] =	wrdreg $0xFFFFFFFF  }
0xb3: {  	[dreg:$0x0] =	wrdreg $0x60  }
0xb4: {  	[dreg:$0x2] =	wrdreg s24  }
0xb5: {  	[dreg:$0x3] =	wrdreg s16  }
0xb6: {  	[dreg:$0x4] =	wrdreg $0x9  }
0xb7: {  	_ =	task.clear_ibuf [dreg:s7], $0x5FFFF;
	_ =	strace $0x9000004F  }
0xb8: {  	s29 =	simm.s32 $0x9;
	_ =	strace $0x80000051  }
0xb9: {  	_ =	swait.ge [sflag:s29], $0x1  }
0xba: {  	[sflag:s29] =	ssyncadd.s32 $0xFFFFFFFF  }
0xbb: {  	_ =	strace $0x90000051  }
0xbc: {  	_ =	sfence  }
0xbd: {  	s30 =	sld [smem:$0x0];
	_ =	sdelay $0x2  }
0xbe: {  	s31 =	sshll.u32 s1, $0xD;
	s1 =	sshrl.u32 s1, $0x2  }
0xbf: {  	s3 =	sand.u32 $0x4000, s31;
	s1 =	sadd.s32 s1, s30  }
0xc0: {  	s0 =	sor.u32 s3, s0;
	s1 =	sshll.u32 s1, $0x11  }
0xc1: {  	s0 =	sor.u32 s1, s0  }
0xc2: {  	s0 =	sadd.s32 $0x8F2B, s0  }
0xc3: {  	[sflag:s0] =	ssyncadd.remote.s32 $0x1  }
0xc4: {  	_ =	sfence.sel $0xFFFF  }
0xc5: {  	[dreg:$0x0] =	wrdreg $0xFFFFFFFF;
	(pc) =	sbr.abs _section_cstart, $3  }
0xc6: {  	[dreg:$0x1] =	wrdreg $0xFFFFFFFF  }
0xc7: {  	_ =	task.clear_ibuf [dreg:s7], $0x2FFFF;
	_ =	strace $0x9FFFFFFF  }
0xc8: {  	(tm) =	ssettm $0x7FFFFFFF  }
0xc9: {  	_ =	shalt  }
tec
execute0_lowered:
.L_overlay_start_1:
0x0: {  	(tag) =	ssettag $0x1  }
0x1: {  	s1 =	srdreg.scid  }
0x2: {  	s0 =	stileid.u32;
	s3 =	rddreg [dreg:$0x0]  }
0x3: {  	s5 =	rddreg [dreg:$0x1];
	s19 =	simm.s32 $0x900;
	s20 =	simm.s32 $0x1100  }
0x4: {  	s21 =	simm.s32 $0x1900;
	s23 =	simm.s32 $0x2100;
	s24 =	simm.s32 $0x2900  }
0x5: {  	s25 =	simm.s32 $0x3100;
	s26 =	simm.s32 $0x3900;
	s8 =	simm.s32 $0x4900  }
0x6: {  	s9 =	simm.s32 $0x5100;
	s10 =	simm.s32 $0x5900;
	s11 =	simm.s32 $0x6100  }
0x7: {  	s12 =	simm.s32 $0x6900;
	s13 =	simm.s32 $0x7100;
	s14 =	simm.s32 $0x7900  }
0x8: {  	s15 =	simm.s32 $0x8100;
	s16 =	simm.s32 $0x8900;
	s1 =	sand.u32 $0x1, s1  }
0x9: {  	s17 =	simm.s32 $0x9100;
	s2 =	sshll.u32 s0, $0x9;
	s4 =	sshll.u32 s1, $0x8  }
0xa: {  	s18 =	simm.s32 $0x9900;
	s4 =	sor.u32 s4, s2;
	s2 =	simm.s32 $0x0  }
0xb: {  	s28 =	simm.s32 $0xE100;
	s29 =	simm.s32 $0xE900;
	[smem:$0x7FF] =	sst s2  }
0xc: {  	s30 =	simm.s32 $0xF100;
	_ =	strace $0x80000050;
	[dreg:$0x5] =	wrdreg s19  }
0xd: {  	s31 =	simm.s32 $0xF900;
	s1 =	ssub.s32 $0x2, s1;
	[dreg:$0x6] =	wrdreg s20  }
0xe: {  	s22 =	sshrl.u32 s1, $0x1;
	s6 =	sshrl.u32 s4, $0x3;
	[dreg:$0x7] =	wrdreg s21  }
0xf: {  	s4 =	sshll.u32 s4, $0x5;
	s1 =	ssub.s32 s1, s22;
	[dreg:$0x8] =	wrdreg s23  }
0x10: {  	s22 =	simm.s32 $0xB900;
	s6 =	sadd.s32 s6, s3;
	[dreg:$0x9] =	wrdreg s24  }
0x11: {  	s4 =	sadd.s32 s5, s4;
	s3 =	sadd.s32 $0x85600, s3;
	[dreg:$0xa] =	wrdreg s25  }
0x12: {  	s5 =	simm.s32 $0x2;
	[dreg:$0xb] =	wrdreg s26;
	s19 =	simm.s32 $0xA100  }
0x13: {  	s20 =	simm.s32 $0xA900;
	s21 =	simm.s32 $0xB100;
	s23 =	simm.s32 $0xC100  }
0x14: {  	v2 =	vlaneseq.u32;
	s24 =	simm.s32 $0xC900;
	s25 =	simm.s32 $0xD100;
	s26 =	simm.s32 $0xD900  }
0x15: {  	vm0 =	vmmov $0xffff;
	v1 =	vshrl.u32 v2, $0x3;
	s6 =	sadd.s32 $0xC5600, s6;
	[dreg:$0x4] =	wrdreg s4;
	s4 =	smax.u32 s1, $0x1  }
0x16: {  	v0 =	vand.u32 $0x7, v2;
	v2 =	vor.u32 $0x8, v2;
	v1 =	vmul.u32 $0x8, v1;
	s1 =	simm.s32 $0x1;
	[dreg:$0x3] =	wrdreg s6;
	s6 =	simm.s32 $0x100  }
.LBB2_1:
0x17: {  	s0 =	rddreg [dreg:$0x3]  }
0x18: {  	[tilespmem:s2], [sflag:$0x2] =	stream.linear.gather [hbm4b:s0+s2], $0x100, $0x38;
	[tilespmem:$0x10100] =	vst v63  }
0x19: {  	_ =	swait.ge [sflag:s5], $0x100  }
0x1a: {  	[sflag:s5] =	ssyncset.done $0x0  }
0x1b: {  	[sflag:s5] =	ssyncadd.s32 $0xFFFFFF00  }
0x1c: {  	v3 =	vld [tilespmem:$0x0];
	_ =	sdelay $0x4  }
0x1d: {  	v4 =	vshll.u32 v3, $0x1  }
0x1e: {  	v3 =	vand.u32 $0x7, v3;
	v4 =	vand.u32 $0xFFFFFFF0, v4  }
0x1f: {  	v3 =	vor.u32 v3, v4  }
0x20: {  	v4 =	vperm.xlane v3, v0;
	_ =	sdelay $0x1  }
0x21: {  	v3 =	vperm.xlane v3, v2;
	v4 =	vadd.s32 v1, v4;
	_ =	sdelay $0x1  }
0x22: {  	v3 =	vadd.s32 v1, v3;
	_ =	sdelay $0x2  }
0x23: {  	[tilespmem:s6], [sflag:$0x1] =	stream.indirect_vreg.gather [hbm4b:s3+s2], $0x80, v4, vm0, $0xb8;
	[tilespmem:$0x10100] =	vst v63  }
0x24: {  	s7 =	rddreg [dreg:$0x5]  }
0x25: {  	[tilespmem:s7], [sflag:$0x1] =	stream.indirect_vreg.gather [hbm4b:s3+s2], $0x80, v3, vm0, $0xb8;
	[tilespmem:$0x10100] =	vst v63  }
0x26: {  	v3 =	vld [tilespmem:$0x10];
	_ =	sdelay $0x4  }
0x27: {  	v49 =	vshll.u32 v3, $0x1  }
0x28: {  	v3 =	vand.u32 $0x7, v3;
	v4 =	vand.u32 $0xFFFFFFF0, v49  }
0x29: {  	v3 =	vor.u32 v3, v4  }
0x2a: {  	v4 =	vperm.xlane v3, v0;
	_ =	sdelay $0x1  }
0x2b: {  	v3 =	vperm.xlane v3, v2;
	v4 =	vadd.s32 v1, v4;
	_ =	sdelay $0x1  }
0x2c: {  	v3 =	vadd.s32 v1, v3;
	_ =	sdelay $0x1  }
0x2d: {  	s0 =	rddreg [dreg:$0x6]  }
0x2e: {  	[tilespmem:s0], [sflag:$0x1] =	stream.indirect_vreg.gather [hbm4b:s3+s2], $0x80, v4, vm0, $0xb8;
	[tilespmem:$0x10100] =	vst v63  }
0x2f: {  	s7 =	rddreg [dreg:$0x7]  }
0x30: {  	[tilespmem:s7], [sflag:$0x1] =	stream.indirect_vreg.gather [hbm4b:s3+s2], $0x80, v3, vm0, $0xb8;
	[tilespmem:$0x10100] =	vst v63  }
0x31: {  	v3 =	vld [tilespmem:$0x20];
	_ =	sdelay $0x4  }
0x32: {  	v50 =	vshll.u32 v3, $0x1  }
0x33: {  	v3 =	vand.u32 $0x7, v3;
	v4 =	vand.u32 $0xFFFFFFF0, v50  }
0x34: {  	v3 =	vor.u32 v3, v4  }
0x35: {  	v4 =	vperm.xlane v3, v0;
	_ =	sdelay $0x1  }
0x36: {  	v3 =	vperm.xlane v3, v2;
	v4 =	vadd.s32 v1, v4;
	_ =	sdelay $0x1  }
0x37: {  	v3 =	vadd.s32 v1, v3;
	_ =	sdelay $0x1  }
0x38: {  	s0 =	rddreg [dreg:$0x8]  }
0x39: {  	[tilespmem:s0], [sflag:$0x1] =	stream.indirect_vreg.gather [hbm4b:s3+s2], $0x80, v4, vm0, $0xb8;
	[tilespmem:$0x10100] =	vst v63  }
0x3a: {  	s7 =	rddreg [dreg:$0x9]  }
0x3b: {  	[tilespmem:s7], [sflag:$0x1] =	stream.indirect_vreg.gather [hbm4b:s3+s2], $0x80, v3, vm0, $0xb8;
	[tilespmem:$0x10100] =	vst v63  }
0x3c: {  	v3 =	vld [tilespmem:$0x30];
	_ =	sdelay $0x4  }
0x3d: {  	v51 =	vshll.u32 v3, $0x1  }
0x3e: {  	v3 =	vand.u32 $0x7, v3;
	v4 =	vand.u32 $0xFFFFFFF0, v51  }
0x3f: {  	v3 =	vor.u32 v3, v4  }
0x40: {  	v4 =	vperm.xlane v3, v0;
	_ =	sdelay $0x1  }
0x41: {  	v3 =	vperm.xlane v3, v2;
	v4 =	vadd.s32 v1, v4;
	_ =	sdelay $0x1  }
0x42: {  	v3 =	vadd.s32 v1, v3;
	_ =	sdelay $0x1  }
0x43: {  	s0 =	rddreg [dreg:$0xa]  }
0x44: {  	[tilespmem:s0], [sflag:$0x1] =	stream.indirect_vreg.gather [hbm4b:s3+s2], $0x80, v4, vm0, $0xb8;
	[tilespmem:$0x10100] =	vst v63  }
0x45: {  	s7 =	rddreg [dreg:$0xb]  }
0x46: {  	[tilespmem:s7], [sflag:$0x1] =	stream.indirect_vreg.gather [hbm4b:s3+s2], $0x80, v3, vm0, $0xb8;
	[tilespmem:$0x10100] =	vst v63  }
0x47: {  	v3 =	vld [tilespmem:$0x40];
	_ =	sdelay $0x4  }
0x48: {  	v52 =	vshll.u32 v3, $0x1  }
0x49: {  	v3 =	vand.u32 $0x7, v3;
	v4 =	vand.u32 $0xFFFFFFF0, v52  }
0x4a: {  	v3 =	vor.u32 v3, v4  }
0x4b: {  	v4 =	vperm.xlane v3, v0;
	_ =	sdelay $0x1  }
0x4c: {  	v3 =	vperm.xlane v3, v2;
	v4 =	vadd.s32 v1, v4;
	_ =	sdelay $0x1  }
0x4d: {  	v3 =	vadd.s32 v1, v3;
	_ =	sdelay $0x1  }
0x4e: {  	s7 =	simm.s32 $0x4100  }
0x4f: {  	[tilespmem:s7], [sflag:$0x1] =	stream.indirect_vreg.gather [hbm4b:s3+s2], $0x80, v4, vm0, $0xb8;
	[tilespmem:$0x10100] =	vst v63  }
0x50: {  	_ = 	snop  }
0x51: {  	[tilespmem:s8], [sflag:$0x1] =	stream.indirect_vreg.gather [hbm4b:s3+s2], $0x80, v3, vm0, $0xb8;
	[tilespmem:$0x10100] =	vst v63  }
0x52: {  	v3 =	vld [tilespmem:$0x50];
	_ =	sdelay $0x4  }
0x53: {  	v53 =	vshll.u32 v3, $0x1  }
0x54: {  	v3 =	vand.u32 $0x7, v3;
	v4 =	vand.u32 $0xFFFFFFF0, v53  }
0x55: {  	v3 =	vor.u32 v3, v4  }
0x56: {  	v4 =	vperm.xlane v3, v0;
	_ =	sdelay $0x1  }
0x57: {  	v3 =	vperm.xlane v3, v2;
	v4 =	vadd.s32 v1, v4;
	_ =	sdelay $0x1  }
0x58: {  	v3 =	vadd.s32 v1, v3;
	_ =	sdelay $0x2  }
0x59: {  	[tilespmem:s9], [sflag:$0x1] =	stream.indirect_vreg.gather [hbm4b:s3+s2], $0x80, v4, vm0, $0xb8;
	[tilespmem:$0x10100] =	vst v63  }
0x5a: {  	_ = 	snop  }
0x5b: {  	[tilespmem:s10], [sflag:$0x1] =	stream.indirect_vreg.gather [hbm4b:s3+s2], $0x80, v3, vm0, $0xb8;
	[tilespmem:$0x10100] =	vst v63  }
0x5c: {  	v3 =	vld [tilespmem:$0x60];
	_ =	sdelay $0x4  }
0x5d: {  	v54 =	vshll.u32 v3, $0x1  }
0x5e: {  	v3 =	vand.u32 $0x7, v3;
	v4 =	vand.u32 $0xFFFFFFF0, v54  }
0x5f: {  	v3 =	vor.u32 v3, v4  }
0x60: {  	v4 =	vperm.xlane v3, v0;
	_ =	sdelay $0x1  }
0x61: {  	v3 =	vperm.xlane v3, v2;
	v4 =	vadd.s32 v1, v4;
	_ =	sdelay $0x1  }
0x62: {  	v3 =	vadd.s32 v1, v3;
	_ =	sdelay $0x2  }
0x63: {  	[tilespmem:s11], [sflag:$0x1] =	stream.indirect_vreg.gather [hbm4b:s3+s2], $0x80, v4, vm0, $0xb8;
	[tilespmem:$0x10100] =	vst v63  }
0x64: {  	_ = 	snop  }
0x65: {  	[tilespmem:s12], [sflag:$0x1] =	stream.indirect_vreg.gather [hbm4b:s3+s2], $0x80, v3, vm0, $0xb8;
	[tilespmem:$0x10100] =	vst v63  }
0x66: {  	v3 =	vld [tilespmem:$0x70];
	_ =	sdelay $0x4  }
0x67: {  	v55 =	vshll.u32 v3, $0x1  }
0x68: {  	v3 =	vand.u32 $0x7, v3;
	v4 =	vand.u32 $0xFFFFFFF0, v55  }
0x69: {  	v3 =	vor.u32 v3, v4  }
0x6a: {  	v4 =	vperm.xlane v3, v0;
	_ =	sdelay $0x1  }
0x6b: {  	v3 =	vperm.xlane v3, v2;
	v4 =	vadd.s32 v1, v4;
	_ =	sdelay $0x1  }
0x6c: {  	v3 =	vadd.s32 v1, v3;
	_ =	sdelay $0x2  }
0x6d: {  	[tilespmem:s13], [sflag:$0x1] =	stream.indirect_vreg.gather [hbm4b:s3+s2], $0x80, v4, vm0, $0xb8;
	[tilespmem:$0x10100] =	vst v63  }
0x6e: {  	_ = 	snop  }
0x6f: {  	[tilespmem:s14], [sflag:$0x1] =	stream.indirect_vreg.gather [hbm4b:s3+s2], $0x80, v3, vm0, $0xb8;
	[tilespmem:$0x10100] =	vst v63  }
0x70: {  	v3 =	vld [tilespmem:$0x80];
	_ =	sdelay $0x4  }
0x71: {  	v56 =	vshll.u32 v3, $0x1  }
0x72: {  	v3 =	vand.u32 $0x7, v3;
	v4 =	vand.u32 $0xFFFFFFF0, v56  }
0x73: {  	v3 =	vor.u32 v3, v4  }
0x74: {  	v4 =	vperm.xlane v3, v0;
	_ =	sdelay $0x1  }
0x75: {  	v3 =	vperm.xlane v3, v2;
	v4 =	vadd.s32 v1, v4;
	_ =	sdelay $0x1  }
0x76: {  	v3 =	vadd.s32 v1, v3;
	_ =	sdelay $0x2  }
0x77: {  	[tilespmem:s15], [sflag:$0x1] =	stream.indirect_vreg.gather [hbm4b:s3+s2], $0x80, v4, vm0, $0xb8;
	[tilespmem:$0x10100] =	vst v63  }
0x78: {  	_ = 	snop  }
0x79: {  	[tilespmem:s16], [sflag:$0x1] =	stream.indirect_vreg.gather [hbm4b:s3+s2], $0x80, v3, vm0, $0xb8;
	[tilespmem:$0x10100] =	vst v63  }
0x7a: {  	v3 =	vld [tilespmem:$0x90];
	_ =	sdelay $0x4  }
0x7b: {  	v57 =	vshll.u32 v3, $0x1  }
0x7c: {  	v3 =	vand.u32 $0x7, v3;
	v4 =	vand.u32 $0xFFFFFFF0, v57  }
0x7d: {  	v3 =	vor.u32 v3, v4  }
0x7e: {  	v4 =	vperm.xlane v3, v0;
	_ =	sdelay $0x1  }
0x7f: {  	v3 =	vperm.xlane v3, v2;
	v4 =	vadd.s32 v1, v4;
	_ =	sdelay $0x1  }
0x80: {  	v3 =	vadd.s32 v1, v3;
	_ =	sdelay $0x2  }
0x81: {  	[tilespmem:s17], [sflag:$0x1] =	stream.indirect_vreg.gather [hbm4b:s3+s2], $0x80, v4, vm0, $0xb8;
	[tilespmem:$0x10100] =	vst v63  }
0x82: {  	_ = 	snop  }
0x83: {  	[tilespmem:s18], [sflag:$0x1] =	stream.indirect_vreg.gather [hbm4b:s3+s2], $0x80, v3, vm0, $0xb8;
	[tilespmem:$0x10100] =	vst v63  }
0x84: {  	v3 =	vld [tilespmem:$0xA0];
	_ =	sdelay $0x4  }
0x85: {  	v58 =	vshll.u32 v3, $0x1  }
0x86: {  	v3 =	vand.u32 $0x7, v3;
	v4 =	vand.u32 $0xFFFFFFF0, v58  }
0x87: {  	v3 =	vor.u32 v3, v4  }
0x88: {  	v4 =	vperm.xlane v3, v0;
	_ =	sdelay $0x1  }
0x89: {  	v3 =	vperm.xlane v3, v2;
	v4 =	vadd.s32 v1, v4;
	_ =	sdelay $0x1  }
0x8a: {  	v3 =	vadd.s32 v1, v3;
	_ =	sdelay $0x2  }
0x8b: {  	[tilespmem:s19], [sflag:$0x1] =	stream.indirect_vreg.gather [hbm4b:s3+s2], $0x80, v4, vm0, $0xb8;
	[tilespmem:$0x10100] =	vst v63  }
0x8c: {  	_ = 	snop  }
0x8d: {  	[tilespmem:s20], [sflag:$0x1] =	stream.indirect_vreg.gather [hbm4b:s3+s2], $0x80, v3, vm0, $0xb8;
	[tilespmem:$0x10100] =	vst v63  }
0x8e: {  	v3 =	vld [tilespmem:$0xB0];
	_ =	sdelay $0x4  }
0x8f: {  	v59 =	vshll.u32 v3, $0x1  }
0x90: {  	v3 =	vand.u32 $0x7, v3;
	v4 =	vand.u32 $0xFFFFFFF0, v59  }
0x91: {  	v3 =	vor.u32 v3, v4  }
0x92: {  	v4 =	vperm.xlane v3, v0;
	_ =	sdelay $0x1  }
0x93: {  	v3 =	vperm.xlane v3, v2;
	v4 =	vadd.s32 v1, v4;
	_ =	sdelay $0x1  }
0x94: {  	v3 =	vadd.s32 v1, v3;
	_ =	sdelay $0x2  }
0x95: {  	[tilespmem:s21], [sflag:$0x1] =	stream.indirect_vreg.gather [hbm4b:s3+s2], $0x80, v4, vm0, $0xb8;
	[tilespmem:$0x10100] =	vst v63  }
0x96: {  	_ = 	snop  }
0x97: {  	[tilespmem:s22], [sflag:$0x1] =	stream.indirect_vreg.gather [hbm4b:s3+s2], $0x80, v3, vm0, $0xb8;
	[tilespmem:$0x10100] =	vst v63  }
0x98: {  	v3 =	vld [tilespmem:$0xC0];
	_ =	sdelay $0x4  }
0x99: {  	v60 =	vshll.u32 v3, $0x1  }
0x9a: {  	v3 =	vand.u32 $0x7, v3;
	v4 =	vand.u32 $0xFFFFFFF0, v60  }
0x9b: {  	v3 =	vor.u32 v3, v4  }
0x9c: {  	v4 =	vperm.xlane v3, v0;
	_ =	sdelay $0x1  }
0x9d: {  	v3 =	vperm.xlane v3, v2;
	v4 =	vadd.s32 v1, v4;
	_ =	sdelay $0x1  }
0x9e: {  	v3 =	vadd.s32 v1, v3;
	_ =	sdelay $0x2  }
0x9f: {  	[tilespmem:s23], [sflag:$0x1] =	stream.indirect_vreg.gather [hbm4b:s3+s2], $0x80, v4, vm0, $0xb8;
	[tilespmem:$0x10100] =	vst v63  }
0xa0: {  	_ = 	snop  }
0xa1: {  	[tilespmem:s24], [sflag:$0x1] =	stream.indirect_vreg.gather [hbm4b:s3+s2], $0x80, v3, vm0, $0xb8;
	[tilespmem:$0x10100] =	vst v63  }
0xa2: {  	v3 =	vld [tilespmem:$0xD0];
	_ =	sdelay $0x4  }
0xa3: {  	v61 =	vshll.u32 v3, $0x1  }
0xa4: {  	v3 =	vand.u32 $0x7, v3;
	v4 =	vand.u32 $0xFFFFFFF0, v61  }
0xa5: {  	v3 =	vor.u32 v3, v4  }
0xa6: {  	v4 =	vperm.xlane v3, v0;
	_ =	sdelay $0x1  }
0xa7: {  	v3 =	vperm.xlane v3, v2;
	v4 =	vadd.s32 v1, v4;
	_ =	sdelay $0x1  }
0xa8: {  	v3 =	vadd.s32 v1, v3;
	_ =	sdelay $0x2  }
0xa9: {  	[tilespmem:s25], [sflag:$0x1] =	stream.indirect_vreg.gather [hbm4b:s3+s2], $0x80, v4, vm0, $0xb8;
	[tilespmem:$0x10100] =	vst v63  }
0xaa: {  	_ = 	snop  }
0xab: {  	[tilespmem:s26], [sflag:$0x1] =	stream.indirect_vreg.gather [hbm4b:s3+s2], $0x80, v3, vm0, $0xb8;
	[tilespmem:$0x10100] =	vst v63  }
0xac: {  	v3 =	vld [tilespmem:$0xE0];
	_ =	sdelay $0x4  }
0xad: {  	v62 =	vshll.u32 v3, $0x1  }
0xae: {  	v3 =	vand.u32 $0x7, v3;
	v4 =	vand.u32 $0xFFFFFFF0, v62  }
0xaf: {  	v3 =	vor.u32 v3, v4  }
0xb0: {  	v4 =	vperm.xlane v3, v0;
	_ =	sdelay $0x1  }
0xb1: {  	v3 =	vperm.xlane v3, v2;
	v4 =	vadd.s32 v1, v4;
	_ =	sdelay $0x1  }
0xb2: {  	v3 =	vadd.s32 v1, v3;
	_ =	sdelay $0x2  }
0xb3: {  	[tilespmem:s28], [sflag:$0x1] =	stream.indirect_vreg.gather [hbm4b:s3+s2], $0x80, v4, vm0, $0xb8;
	[tilespmem:$0x10100] =	vst v63  }
0xb4: {  	_ = 	snop  }
0xb5: {  	[tilespmem:s29], [sflag:$0x1] =	stream.indirect_vreg.gather [hbm4b:s3+s2], $0x80, v3, vm0, $0xb8;
	[tilespmem:$0x10100] =	vst v63  }
0xb6: {  	v3 =	vld [tilespmem:$0xF0];
	_ =	sdelay $0x4  }
0xb7: {  	v63 =	vshll.u32 v3, $0x1  }
0xb8: {  	v3 =	vand.u32 $0x7, v3;
	v4 =	vand.u32 $0xFFFFFFF0, v63  }
0xb9: {  	v3 =	vor.u32 v3, v4  }
0xba: {  	v4 =	vperm.xlane v3, v0;
	_ =	sdelay $0x1  }
0xbb: {  	v3 =	vperm.xlane v3, v2;
	v4 =	vadd.s32 v1, v4;
	_ =	sdelay $0x1  }
0xbc: {  	v3 =	vadd.s32 v1, v3;
	_ =	sdelay $0x2  }
0xbd: {  	[tilespmem:s30], [sflag:$0x1] =	stream.indirect_vreg.gather [hbm4b:s3+s2], $0x80, v4, vm0, $0xb8;
	[tilespmem:$0x10100] =	vst v63  }
0xbe: {  	_ = 	snop  }
0xbf: {  	[tilespmem:s31], [sflag:$0x1] =	stream.indirect_vreg.gather [hbm4b:s3+s2], $0x80, v3, vm0, $0xb8;
	[tilespmem:$0x10100] =	vst v63  }
0xc0: {  	_ =	swait.ge [sflag:s1], $0x10000  }
0xc1: {  	p0 =	sne.s32 s4, $0x1;
	[sflag:s1] =	ssyncset.done $0x0  }
.Ltmp0:
0xc2: {  	s7 =	rddreg [dreg:$0x4];
	[sflag:s1] =	ssyncadd.s32 $0xFFFF0000;
	(pc) =	sbr.rel @p0 .LBB2_1-.Ltmp0, $4  }
0xc3: {  	[hbm4b:s7+s2] =	stream.linear.scatter [tilespmem:s6], [sflag:$0x2], $0x10000, $0x38;
	[tilespmem:$0x10100] =	vst v63  }
0xc4: {  	_ =	swait.ge [sflag:s5], $0x10000  }
0xc5: {  	[sflag:s5] =	ssyncset.done $0x0  }
0xc6: {  	s4 =	sadd.s32 $0xFFFFFFFF, s4;
	[sflag:s5] =	ssyncadd.s32 $0xFFFF0000  }
0xc7: {  	_ =	sfence.sel $0x180000  }
0xc8: {  	[bflag:$0x0] =	sbarrier.arrive $0xFFFF  }
0xc9: {  	_ =	strace $0x90000050  }
0xca: {  	s0 =	stileid.u32;
	[bflag:$0x2] =	sbarrier.arrive $0xFFFF  }
0xcb: {  	p0 =	sne.s32 s0, $0x0;
	s0 =	rddreg [dreg:$0x2]  }
0xcc: {  	s0 =	sadd.s32 @!p0 $0x100000, s0  }
0xcd: {  	[sflag:s0] =	ssyncadd.tile.s32 @!p0 $0x1;
	_ =	shalt  }
.Lfunc_end2:
_tile_overlayer_lowered:
.L_overlay_start_2:
0xce: {  	(tag) =	ssettag $0x2  }
0xcf: {  	s0 =	rddreg [dreg:$0x0];
	s2 =	stileid.u32  }
0xd0: {  	s1 =	rddreg [dreg:$0x1];
	p0 =	sne.s32 s2, $0x0  }
0xd1: {  	s3 =	rddreg [dreg:$0x2];
	[bflag:$0x3] =	sbarrier.arrive $0xFFFF;
	s2 =	simm.s32 @!p0 $0x1C02  }
0xd2: {  	[timem:s3], [sflag:s2] =	dma.local @!p0 [hbm:s0], s1  }
0xd3: {  	s0 =	simm.s32 @!p0 $0x2  }
0xd4: {  	_ =	swait.ge @!p0 [sflag:s0], s1  }
0xd5: {  	s1 =	ssub.s32 @!p0 $0x0, s1;
	[sflag:s0] =	ssyncset.done @!p0 $0x0  }
0xd6: {  	[sflag:s0] =	ssyncadd.s32 @!p0 s1  }
0xd7: {  	[bflag:$0x3] =	sbarrier.arrive $0xFFFF  }
0xd8: {  	_ =	shalt  }

</sc_bundles>
